<compile_context>
chip_gen: v7x
topology: tpu7x:2x2x1
jax: 0.10.2.dev20260603
libtpu: 0.0.44.dev20260713+nightly
codegen_flags: <defaults>
</compile_context>

<pallas_src>
import functools

import jax
import jax.numpy as jnp
from jax import lax
from jax.experimental import pallas as pl
from jax.experimental.pallas import tpu as pltpu
from jax.experimental.pallas import tpu_sc as plsc

NC = 2
NS = 16
NW = NC * NS
LANES = 16
WIDE = 128


def _prep_idx(sequence, nl, nb):
    def body(in_ref, out_ref):
        out_ref[...] = in_ref[...].T.reshape(nl, NW, nb)

    return pl.pallas_call(
        body,
        out_shape=jax.ShapeDtypeStruct((nl, NW, nb), jnp.int32),
    )(sequence)


@functools.lru_cache(maxsize=None)
def _make_gather(V, D, B, L):
    assert B % NW == 0
    nb = B // NW
    assert L >= 4 and L % 2 == 0 and nb % LANES == 0 and D % 8 == 0
    mesh = plsc.VectorSubcoreMesh(core_axis_name="c", subcore_axis_name="s")

    @functools.partial(
        pl.kernel,
        out_type=jax.ShapeDtypeStruct((L, D // 8, NW, 8, nb), jnp.float32),
        mesh=mesh,
        compiler_params=pltpu.CompilerParams(
            use_tc_tiling_on_sc=True, needs_layout_passes=False),
        scratch_types=[
            pltpu.VMEM((L, nb), jnp.int32),
            pltpu.VMEM((2, nb, WIDE), jnp.float32),
            pltpu.VMEM((2, D, nb), jnp.float32),
            pltpu.SemaphoreType.DMA,
            pltpu.SemaphoreType.DMA,
            pltpu.SemaphoreType.DMA,
        ],
    )
    def gather_kernel(table_hbm, idx_hbm, out_hbm,
                      idx_v, rows_v, trows_v, g0sem, g1sem, ssem):
        wid = lax.axis_index("s") * NC + lax.axis_index("c")
        pltpu.sync_copy(idx_hbm.at[:, wid, :], idx_v)
        gsems = (g0sem, g1sem)
        lane = lax.iota(jnp.int32, LANES)

        def fire_gather(l, parity):
            pltpu.async_copy(
                table_hbm.at[idx_v.at[l]], rows_v.at[parity], gsems[parity])

        def drain_gather(l, parity):
            pltpu.make_async_copy(
                table_hbm.at[idx_v.at[l]], rows_v.at[parity], gsems[parity]
            ).wait()

        row_vecs = tuple(j0 * LANES + lane for j0 in range(nb // LANES))

        def transpose(parity):
            src = rows_v.at[parity]
            dst = trows_v.at[parity]

            @functools.partial(plsc.parallel_loop, 0, D, unroll=8)
            def _(d):
                col = jnp.zeros((LANES,), jnp.int32) + d
                for j0 in range(nb // LANES):
                    vec = plsc.load_gather(src, [row_vecs[j0], col])
                    dst[d, pl.ds(j0 * LANES, LANES)] = vec

        def fire_store(l, parity):
            for dg in range(D // 8):
                pltpu.async_copy(
                    trows_v.at[parity, pl.ds(dg * 8, 8)],
                    out_hbm.at[l, dg, wid, :, :], ssem)

        def wait_store(l, parity):
            for dg in range(D // 8):
                pltpu.make_async_copy(
                    trows_v.at[parity, pl.ds(dg * 8, 8)],
                    out_hbm.at[l, dg, wid, :, :], ssem
                ).wait()

        def steady_step(l, parity):
            wait_store(l - 2, parity)
            fire_gather(l + 1, 1 - parity)
            drain_gather(l, parity)
            transpose(parity)
            fire_store(l, parity)

        fire_gather(0, 0)
        fire_gather(1, 1)
        drain_gather(0, 0)
        transpose(0)
        fire_store(0, 0)
        fire_gather(2, 0)
        drain_gather(1, 1)
        transpose(1)
        fire_store(1, 1)

        @pl.loop(0, (L - 4) // 2)
        def _(p):
            l = 2 * p + 2
            steady_step(l, 0)
            steady_step(l + 1, 1)

        steady_step(L - 2, 0)

        wait_store(L - 3, 1)
        drain_gather(L - 1, 1)
        transpose(1)
        fire_store(L - 1, 1)
        wait_store(L - 2, 0)
        wait_store(L - 1, 1)

    return gather_kernel


def kernel(sequence, src_word_table):
    batch, seq_len = sequence.shape
    vocab, emsize = src_word_table.shape
    idx = _prep_idx(sequence, seq_len, batch // NW)
    table_wide = jnp.concatenate(
        [src_word_table,
         jnp.zeros((vocab, WIDE - emsize), jnp.float32)], axis=1)
    out = _make_gather(vocab, emsize, batch, seq_len)(table_wide, idx)
    out = out.transpose(2, 4, 0, 1, 3)
    return out.reshape(batch, seq_len, emsize)

# --- scband reference (transcript-rebuilt; emitter-appended) ---
"""Pipeline reference for scband-embedder-17214228923048 (READ-ONLY COPY).

The authoritative reference and input builder live on the scoring server;
editing this copy changes nothing except your own understanding.
"""

import jax, jax.numpy as jnp
import numpy as np

BATCH = 4096
SEQ_LEN = 200
VOCAB = 1000000
EMSIZE = 64

def setup_inputs(seed: int = 0) -> dict:
    key = jax.random.key(seed)
    k_seq, k_tbl = jax.random.split(key)
    sequence = jax.random.randint(k_seq, (BATCH, SEQ_LEN), 0, VOCAB - 1, dtype=jnp.int32)
    # src word embedding table (padding row PAD=0 zeroed like nn.Embedding padding_idx)
    src_word_table = jax.random.normal(k_tbl, (VOCAB, EMSIZE), dtype=jnp.float32) * 0.02
    src_word_table = src_word_table.at[0].set(0.0)
    return {"sequence": sequence, "src_word_table": src_word_table}


def reference(sequence, src_word_table):
    # mode='encoder', use_src_word=True, use_src_char=False, use_type=False
    # word_rep = src_word_embeddings(sequence.unsqueeze(2)) -> [B, L, emsize]
    word_rep = jnp.take(src_word_table, sequence, axis=0)
    # dropout with p=0.0 (eval) is identity
    return word_rep

if __name__ == "__main__":
    import jax
    _d = setup_inputs()
    print(jax.jit(kernel)(*tuple(_d.values())))

</pallas_src>

<mosaic_0001>
#map = affine_map<(d0, d1) -> (0, 0)>
#map1 = affine_map<(d0, d1) -> (0, 0, 0)>
#map2 = affine_map<(d0, d1) -> (0, 0, 0, 0, 0)>
module attributes {stable_mosaic.version = 14 : i64} {
  func.func @gather_kernel(%arg0: i32, %arg1: i32, %arg2: memref<1000000x128xf32, #tpu.memory_space<hbm>>, %arg3: memref<200x32x128xi32, #tpu.memory_space<hbm>>, %arg4: memref<200x8x32x8x128xf32, #tpu.memory_space<hbm>>, %arg5: memref<200x128xi32, #tpu.memory_space<vmem>>, %arg6: memref<2x128x128xf32, #tpu.memory_space<vmem>>, %arg7: memref<2x64x128xf32, #tpu.memory_space<vmem>>, %arg8: memref<!tpu.dma_semaphore, #tpu.memory_space<semaphore_mem>>, %arg9: memref<!tpu.dma_semaphore, #tpu.memory_space<semaphore_mem>>, %arg10: memref<!tpu.dma_semaphore, #tpu.memory_space<semaphore_mem>>) attributes {dimension_semantics = [#tpu.dimension_semantics<core_parallel>, #tpu.dimension_semantics<subcore_parallel>], iteration_bounds = array<i64: 2, 16>, scalar_prefetch = 0 : i64, scratch_operands = 6 : i64, tpu.core_type = #tpu.core_type<sc_vector_subcore>, window_params = [{transform_indices = #map}, {transform_indices = #map1}, {transform_indices = #map2}]} {
    %mul3A = arith.constant 2 : i32
    %mul3A_0 = arith.muli %arg1, %mul3A : i32
    %add3A = arith.addi %mul3A_0, %arg0 : i32
    "tpu.region"() ({
      %run_scoped3A = tpu.sem_alloc : memref<!tpu.dma_semaphore, #tpu.memory_space<semaphore_mem>>
      %dma_start3A_1339 = arith.constant 0 : i32
      %dma_start3A_1340 = arith.constant 0 : i32
      %dma_start3A_1341 = tpu.memref_slice %arg3[%dma_start3A_1339, %add3A, %dma_start3A_1340] : memref<200x32x128xi32, #tpu.memory_space<hbm>> -> memref<200x1x128xi32, #tpu.memory_space<hbm>>
      %dma_start3A_1342 = tpu.memref_squeeze %dma_start3A_1341 : memref<200x1x128xi32, #tpu.memory_space<hbm>> -> memref<200x128xi32, #tpu.memory_space<hbm>>
      %dma_start3A_1343 = arith.constant 0 : i32
      %dma_start3A_1344 = arith.constant 0 : i32
      %dma_start3A_1345 = tpu.memref_slice %arg3[%dma_start3A_1343, %add3A, %dma_start3A_1344] : memref<200x32x128xi32, #tpu.memory_space<hbm>> -> memref<200x1x128xi32, #tpu.memory_space<hbm>>
      %dma_start3A_1346 = tpu.memref_squeeze %dma_start3A_1345 : memref<200x1x128xi32, #tpu.memory_space<hbm>> -> memref<200x128xi32, #tpu.memory_space<hbm>>
      tpu.enqueue_dma source(%dma_start3A_1346 : memref<200x128xi32, #tpu.memory_space<hbm>>) target(%arg5 : memref<200x128xi32, #tpu.memory_space<vmem>>) target_semaphore(%run_scoped3A : memref<!tpu.dma_semaphore, #tpu.memory_space<semaphore_mem>>)
      %dma_wait3A_1347 = arith.constant 0 : i32
      %dma_wait3A_1348 = arith.constant 0 : i32
      %dma_wait3A_1349 = tpu.memref_slice %arg3[%dma_wait3A_1347, %add3A, %dma_wait3A_1348] : memref<200x32x128xi32, #tpu.memory_space<hbm>> -> memref<200x1x128xi32, #tpu.memory_space<hbm>>
      %dma_wait3A_1350 = tpu.memref_squeeze %dma_wait3A_1349 : memref<200x1x128xi32, #tpu.memory_space<hbm>> -> memref<200x128xi32, #tpu.memory_space<hbm>>
      %dma_wait3A_1351 = arith.constant 0 : i32
      %dma_wait3A_1352 = arith.constant 0 : i32
      %dma_wait3A_1353 = tpu.memref_slice %arg3[%dma_wait3A_1351, %add3A, %dma_wait3A_1352] : memref<200x32x128xi32, #tpu.memory_space<hbm>> -> memref<200x1x128xi32, #tpu.memory_space<hbm>>
      %dma_wait3A_1354 = tpu.memref_squeeze %dma_wait3A_1353 : memref<200x1x128xi32, #tpu.memory_space<hbm>> -> memref<200x128xi32, #tpu.memory_space<hbm>>
      tpu.wait_dma2 semaphore(%run_scoped3A : memref<!tpu.dma_semaphore, #tpu.memory_space<semaphore_mem>>) src(%dma_wait3A_1354 : memref<200x128xi32, #tpu.memory_space<hbm>>) dst(%arg5 : memref<200x128xi32, #tpu.memory_space<vmem>>)
      tpu.yield
    }) : () -> ()
    %iota3A = tpu.iota {dimensions = array<i32: 0>} : vector<16xi32>
    %add3A_1 = arith.constant 0 : i32
    %add3A_2 = vector.broadcast %add3A_1 : i32 to vector<16xi32>
    %add3A_3 = arith.addi %add3A_2, %iota3A : vector<16xi32>
    %add3A_4 = arith.constant 16 : i32
    %add3A_5 = vector.broadcast %add3A_4 : i32 to vector<16xi32>
    %add3A_6 = arith.addi %add3A_5, %iota3A : vector<16xi32>
    %add3A_7 = arith.constant 32 : i32
    %add3A_8 = vector.broadcast %add3A_7 : i32 to vector<16xi32>
    %add3A_9 = arith.addi %add3A_8, %iota3A : vector<16xi32>
    %add3A_10 = arith.constant 48 : i32
    %add3A_11 = vector.broadcast %add3A_10 : i32 to vector<16xi32>
    %add3A_12 = arith.addi %add3A_11, %iota3A : vector<16xi32>
    %add3A_13 = arith.constant 64 : i32
    %add3A_14 = vector.broadcast %add3A_13 : i32 to vector<16xi32>
    %add3A_15 = arith.addi %add3A_14, %iota3A : vector<16xi32>
    %add3A_16 = arith.constant 80 : i32
    %add3A_17 = vector.broadcast %add3A_16 : i32 to vector<16xi32>
    %add3A_18 = arith.addi %add3A_17, %iota3A : vector<16xi32>
    %add3A_19 = arith.constant 96 : i32
    %add3A_20 = vector.broadcast %add3A_19 : i32 to vector<16xi32>
    %add3A_21 = arith.addi %add3A_20, %iota3A : vector<16xi32>
    %add3A_22 = arith.constant 112 : i32
    %add3A_23 = vector.broadcast %add3A_22 : i32 to vector<16xi32>
    %add3A_24 = arith.addi %add3A_23, %iota3A : vector<16xi32>
    %dma_start3A = arith.constant 0 : i32
    %dma_start3A_25 = arith.constant 0 : i32
    %dma_start3A_26 = arith.constant 0 : i32
    %dma_start3A_27 = arith.constant 0 : i32
    %dma_start3A_28 = tpu.memref_slice %arg6[%dma_start3A_25, %dma_start3A_26, %dma_start3A_27] : memref<2x128x128xf32, #tpu.memory_space<vmem>> -> memref<1x128x128xf32, #tpu.memory_space<vmem>>
    %dma_start3A_29 = tpu.memref_squeeze %dma_start3A_28 : memref<1x128x128xf32, #tpu.memory_space<vmem>> -> memref<128x128xf32, #tpu.memory_space<vmem>>
    %dma_start3A_30 = arith.constant 0 : i32
    %dma_start3A_31 = tpu.memref_slice %arg5[%dma_start3A, %dma_start3A_30] : memref<200x128xi32, #tpu.memory_space<vmem>> -> memref<1x128xi32, #tpu.memory_space<vmem>>
    %dma_start3A_32 = tpu.memref_squeeze %dma_start3A_31 : memref<1x128xi32, #tpu.memory_space<vmem>> -> memref<128xi32, #tpu.memory_space<vmem>>
    %dma_start3A_33 = arith.constant 0 : i32
    %dma_start3A_34 = arith.constant 0 : i32
    %dma_start3A_35 = tpu.memref_slice %arg2[%dma_start3A_33, %dma_start3A_34] : memref<1000000x128xf32, #tpu.memory_space<hbm>> -> memref<1000000x128xf32, #tpu.memory_space<hbm>>
    tpu.enqueue_indirect_dma source(%dma_start3A_35 : memref<1000000x128xf32, #tpu.memory_space<hbm>>) target(%dma_start3A_29 : memref<128x128xf32, #tpu.memory_space<vmem>>) offsets(%dma_start3A_32 : memref<128xi32, #tpu.memory_space<vmem>>) semaphore(%arg8 : memref<!tpu.dma_semaphore, #tpu.memory_space<semaphore_mem>>)
    %dma_start3A_36 = arith.constant 1 : i32
    %dma_start3A_37 = arith.constant 1 : i32
    %dma_start3A_38 = arith.constant 0 : i32
    %dma_start3A_39 = arith.constant 0 : i32
    %dma_start3A_40 = tpu.memref_slice %arg6[%dma_start3A_37, %dma_start3A_38, %dma_start3A_39] : memref<2x128x128xf32, #tpu.memory_space<vmem>> -> memref<1x128x128xf32, #tpu.memory_space<vmem>>
    %dma_start3A_41 = tpu.memref_squeeze %dma_start3A_40 : memref<1x128x128xf32, #tpu.memory_space<vmem>> -> memref<128x128xf32, #tpu.memory_space<vmem>>
    %dma_start3A_42 = arith.constant 0 : i32
    %dma_start3A_43 = tpu.memref_slice %arg5[%dma_start3A_36, %dma_start3A_42] : memref<200x128xi32, #tpu.memory_space<vmem>> -> memref<1x128xi32, #tpu.memory_space<vmem>>
    %dma_start3A_44 = tpu.memref_squeeze %dma_start3A_43 : memref<1x128xi32, #tpu.memory_space<vmem>> -> memref<128xi32, #tpu.memory_space<vmem>>
    %dma_start3A_45 = arith.constant 0 : i32
    %dma_start3A_46 = arith.constant 0 : i32
    %dma_start3A_47 = tpu.memref_slice %arg2[%dma_start3A_45, %dma_start3A_46] : memref<1000000x128xf32, #tpu.memory_space<hbm>> -> memref<1000000x128xf32, #tpu.memory_space<hbm>>
    tpu.enqueue_indirect_dma source(%dma_start3A_47 : memref<1000000x128xf32, #tpu.memory_space<hbm>>) target(%dma_start3A_41 : memref<128x128xf32, #tpu.memory_space<vmem>>) offsets(%dma_start3A_44 : memref<128xi32, #tpu.memory_space<vmem>>) semaphore(%arg9 : memref<!tpu.dma_semaphore, #tpu.memory_space<semaphore_mem>>)
    %dma_wait3A = arith.constant 0 : i32
    %dma_wait3A_48 = arith.constant 0 : i32
    %dma_wait3A_49 = arith.constant 0 : i32
    %dma_wait3A_50 = arith.constant 0 : i32
    %dma_wait3A_51 = tpu.memref_slice %arg6[%dma_wait3A_48, %dma_wait3A_49, %dma_wait3A_50] : memref<2x128x128xf32, #tpu.memory_space<vmem>> -> memref<1x128x128xf32, #tpu.memory_space<vmem>>
    %dma_wait3A_52 = tpu.memref_squeeze %dma_wait3A_51 : memref<1x128x128xf32, #tpu.memory_space<vmem>> -> memref<128x128xf32, #tpu.memory_space<vmem>>
    %dma_wait3A_53 = arith.constant 0 : i32
    %dma_wait3A_54 = tpu.memref_slice %arg5[%dma_wait3A, %dma_wait3A_53] : memref<200x128xi32, #tpu.memory_space<vmem>> -> memref<1x128xi32, #tpu.memory_space<vmem>>
    %dma_wait3A_55 = tpu.memref_squeeze %dma_wait3A_54 : memref<1x128xi32, #tpu.memory_space<vmem>> -> memref<128xi32, #tpu.memory_space<vmem>>
    %dma_wait3A_56 = arith.constant 0 : i32
    %dma_wait3A_57 = arith.constant 0 : i32
    %dma_wait3A_58 = tpu.memref_slice %arg2[%dma_wait3A_56, %dma_wait3A_57] : memref<1000000x128xf32, #tpu.memory_space<hbm>> -> memref<1000000x128xf32, #tpu.memory_space<hbm>>
    tpu.wait_indirect_dma semaphore(%arg8 : memref<!tpu.dma_semaphore, #tpu.memory_space<semaphore_mem>>) src(%dma_wait3A_58 : memref<1000000x128xf32, #tpu.memory_space<hbm>>) dst(%dma_wait3A_52 : memref<128x128xf32, #tpu.memory_space<vmem>>)
    %dma_start3A_59 = arith.constant 0 : i32
    %dma_start3A_60 = arith.constant 0 : i32
    %dma_start3A_61 = arith.constant 0 : i32
    %dma_start3A_62 = arith.constant 0 : i32
    %dma_start3A_63 = arith.constant 0 : i32
    %dma_start3A_64 = tpu.memref_slice %arg7[%dma_start3A_59, %dma_start3A_62, %dma_start3A_63] : memref<2x64x128xf32, #tpu.memory_space<vmem>> -> memref<1x8x128xf32, #tpu.memory_space<vmem>>
    %dma_start3A_65 = tpu.memref_squeeze %dma_start3A_64 : memref<1x8x128xf32, #tpu.memory_space<vmem>> -> memref<8x128xf32, #tpu.memory_space<vmem>>
    %dma_start3A_66 = arith.constant 0 : i32
    %dma_start3A_67 = arith.constant 0 : i32
    %dma_start3A_68 = tpu.memref_slice %arg4[%dma_start3A_60, %dma_start3A_61, %add3A, %dma_start3A_66, %dma_start3A_67] : memref<200x8x32x8x128xf32, #tpu.memory_space<hbm>> -> memref<1x1x1x8x128xf32, #tpu.memory_space<hbm>>
    %dma_start3A_69 = tpu.memref_squeeze %dma_start3A_68 : memref<1x1x1x8x128xf32, #tpu.memory_space<hbm>> -> memref<8x128xf32, #tpu.memory_space<hbm>>
    %dma_start3A_70 = arith.constant 0 : i32
    %dma_start3A_71 = arith.constant 0 : i32
    %dma_start3A_72 = tpu.memref_slice %arg4[%dma_start3A_60, %dma_start3A_61, %add3A, %dma_start3A_70, %dma_start3A_71] : memref<200x8x32x8x128xf32, #tpu.memory_space<hbm>> -> memref<1x1x1x8x128xf32, #tpu.memory_space<hbm>>
    %dma_start3A_73 = tpu.memref_squeeze %dma_start3A_72 : memref<1x1x1x8x128xf32, #tpu.memory_space<hbm>> -> memref<8x128xf32, #tpu.memory_space<hbm>>
    %dma_start3A_74 = arith.constant 0 : i32
    %dma_start3A_75 = arith.constant 0 : i32
    %dma_start3A_76 = tpu.memref_slice %arg7[%dma_start3A_59, %dma_start3A_74, %dma_start3A_75] : memref<2x64x128xf32, #tpu.memory_space<vmem>> -> memref<1x8x128xf32, #tpu.memory_space<vmem>>
    %dma_start3A_77 = tpu.memref_squeeze %dma_start3A_76 : memref<1x8x128xf32, #tpu.memory_space<vmem>> -> memref<8x128xf32, #tpu.memory_space<vmem>>
    tpu.enqueue_dma source(%dma_start3A_77 : memref<8x128xf32, #tpu.memory_space<vmem>>) target(%dma_start3A_73 : memref<8x128xf32, #tpu.memory_space<hbm>>) target_semaphore(%arg10 : memref<!tpu.dma_semaphore, #tpu.memory_space<semaphore_mem>>)
    %dma_start3A_78 = arith.constant 0 : i32
    %dma_start3A_79 = arith.constant 0 : i32
    %dma_start3A_80 = arith.constant 1 : i32
    %dma_start3A_81 = arith.constant 8 : i32
    %dma_start3A_82 = arith.constant 0 : i32
    %dma_start3A_83 = tpu.memref_slice %arg7[%dma_start3A_78, %dma_start3A_81, %dma_start3A_82] : memref<2x64x128xf32, #tpu.memory_space<vmem>> -> memref<1x8x128xf32, #tpu.memory_space<vmem>>
    %dma_start3A_84 = tpu.memref_squeeze %dma_start3A_83 : memref<1x8x128xf32, #tpu.memory_space<vmem>> -> memref<8x128xf32, #tpu.memory_space<vmem>>
    %dma_start3A_85 = arith.constant 0 : i32
    %dma_start3A_86 = arith.constant 0 : i32
    %dma_start3A_87 = tpu.memref_slice %arg4[%dma_start3A_79, %dma_start3A_80, %add3A, %dma_start3A_85, %dma_start3A_86] : memref<200x8x32x8x128xf32, #tpu.memory_space<hbm>> -> memref<1x1x1x8x128xf32, #tpu.memory_space<hbm>>
    %dma_start3A_88 = tpu.memref_squeeze %dma_start3A_87 : memref<1x1x1x8x128xf32, #tpu.memory_space<hbm>> -> memref<8x128xf32, #tpu.memory_space<hbm>>
    %dma_start3A_89 = arith.constant 0 : i32
    %dma_start3A_90 = arith.constant 0 : i32
    %dma_start3A_91 = tpu.memref_slice %arg4[%dma_start3A_79, %dma_start3A_80, %add3A, %dma_start3A_89, %dma_start3A_90] : memref<200x8x32x8x128xf32, #tpu.memory_space<hbm>> -> memref<1x1x1x8x128xf32, #tpu.memory_space<hbm>>
    %dma_start3A_92 = tpu.memref_squeeze %dma_start3A_91 : memref<1x1x1x8x128xf32, #tpu.memory_space<hbm>> -> memref<8x128xf32, #tpu.memory_space<hbm>>
    %dma_start3A_93 = arith.constant 8 : i32
    %dma_start3A_94 = arith.constant 0 : i32
    %dma_start3A_95 = tpu.memref_slice %arg7[%dma_start3A_78, %dma_start3A_93, %dma_start3A_94] : memref<2x64x128xf32, #tpu.memory_space<vmem>> -> memref<1x8x128xf32, #tpu.memory_space<vmem>>
    %dma_start3A_96 = tpu.memref_squeeze %dma_start3A_95 : memref<1x8x128xf32, #tpu.memory_space<vmem>> -> memref<8x128xf32, #tpu.memory_space<vmem>>
    tpu.enqueue_dma source(%dma_start3A_96 : memref<8x128xf32, #tpu.memory_space<vmem>>) target(%dma_start3A_92 : memref<8x128xf32, #tpu.memory_space<hbm>>) target_semaphore(%arg10 : memref<!tpu.dma_semaphore, #tpu.memory_space<semaphore_mem>>)
    %dma_start3A_97 = arith.constant 0 : i32
    %dma_start3A_98 = arith.constant 0 : i32
    %dma_start3A_99 = arith.constant 2 : i32
    %dma_start3A_100 = arith.constant 16 : i32
    %dma_start3A_101 = arith.constant 0 : i32
    %dma_start3A_102 = tpu.memref_slice %arg7[%dma_start3A_97, %dma_start3A_100, %dma_start3A_101] : memref<2x64x128xf32, #tpu.memory_space<vmem>> -> memref<1x8x128xf32, #tpu.memory_space<vmem>>
    %dma_start3A_103 = tpu.memref_squeeze %dma_start3A_102 : memref<1x8x128xf32, #tpu.memory_space<vmem>> -> memref<8x128xf32, #tpu.memory_space<vmem>>
    %dma_start3A_104 = arith.constant 0 : i32
    %dma_start3A_105 = arith.constant 0 : i32
    %dma_start3A_106 = tpu.memref_slice %arg4[%dma_start3A_98, %dma_start3A_99, %add3A, %dma_start3A_104, %dma_start3A_105] : memref<200x8x32x8x128xf32, #tpu.memory_space<hbm>> -> memref<1x1x1x8x128xf32, #tpu.memory_space<hbm>>
    %dma_start3A_107 = tpu.memref_squeeze %dma_start3A_106 : memref<1x1x1x8x128xf32, #tpu.memory_space<hbm>> -> memref<8x128xf32, #tpu.memory_space<hbm>>
    %dma_start3A_108 = arith.constant 0 : i32
    %dma_start3A_109 = arith.constant 0 : i32
    %dma_start3A_110 = tpu.memref_slice %arg4[%dma_start3A_98, %dma_start3A_99, %add3A, %dma_start3A_108, %dma_start3A_109] : memref<200x8x32x8x128xf32, #tpu.memory_space<hbm>> -> memref<1x1x1x8x128xf32, #tpu.memory_space<hbm>>
    %dma_start3A_111 = tpu.memref_squeeze %dma_start3A_110 : memref<1x1x1x8x128xf32, #tpu.memory_space<hbm>> -> memref<8x128xf32, #tpu.memory_space<hbm>>
    %dma_start3A_112 = arith.constant 16 : i32
    %dma_start3A_113 = arith.constant 0 : i32
    %dma_start3A_114 = tpu.memref_slice %arg7[%dma_start3A_97, %dma_start3A_112, %dma_start3A_113] : memref<2x64x128xf32, #tpu.memory_space<vmem>> -> memref<1x8x128xf32, #tpu.memory_space<vmem>>
    %dma_start3A_115 = tpu.memref_squeeze %dma_start3A_114 : memref<1x8x128xf32, #tpu.memory_space<vmem>> -> memref<8x128xf32, #tpu.memory_space<vmem>>
    tpu.enqueue_dma source(%dma_start3A_115 : memref<8x128xf32, #tpu.memory_space<vmem>>) target(%dma_start3A_111 : memref<8x128xf32, #tpu.memory_space<hbm>>) target_semaphore(%arg10 : memref<!tpu.dma_semaphore, #tpu.memory_space<semaphore_mem>>)
    %dma_start3A_116 = arith.constant 0 : i32
    %dma_start3A_117 = arith.constant 0 : i32
    %dma_start3A_118 = arith.constant 3 : i32
    %dma_start3A_119 = arith.constant 24 : i32
    %dma_start3A_120 = arith.constant 0 : i32
    %dma_start3A_121 = tpu.memref_slice %arg7[%dma_start3A_116, %dma_start3A_119, %dma_start3A_120] : memref<2x64x128xf32, #tpu.memory_space<vmem>> -> memref<1x8x128xf32, #tpu.memory_space<vmem>>
    %dma_start3A_122 = tpu.memref_squeeze %dma_start3A_121 : memref<1x8x128xf32, #tpu.memory_space<vmem>> -> memref<8x128xf32, #tpu.memory_space<vmem>>
    %dma_start3A_123 = arith.constant 0 : i32
    %dma_start3A_124 = arith.constant 0 : i32
    %dma_start3A_125 = tpu.memref_slice %arg4[%dma_start3A_117, %dma_start3A_118, %add3A, %dma_start3A_123, %dma_start3A_124] : memref<200x8x32x8x128xf32, #tpu.memory_space<hbm>> -> memref<1x1x1x8x128xf32, #tpu.memory_space<hbm>>
    %dma_start3A_126 = tpu.memref_squeeze %dma_start3A_125 : memref<1x1x1x8x128xf32, #tpu.memory_space<hbm>> -> memref<8x128xf32, #tpu.memory_space<hbm>>
    %dma_start3A_127 = arith.constant 0 : i32
    %dma_start3A_128 = arith.constant 0 : i32
    %dma_start3A_129 = tpu.memref_slice %arg4[%dma_start3A_117, %dma_start3A_118, %add3A, %dma_start3A_127, %dma_start3A_128] : memref<200x8x32x8x128xf32, #tpu.memory_space<hbm>> -> memref<1x1x1x8x128xf32, #tpu.memory_space<hbm>>
    %dma_start3A_130 = tpu.memref_squeeze %dma_start3A_129 : memref<1x1x1x8x128xf32, #tpu.memory_space<hbm>> -> memref<8x128xf32, #tpu.memory_space<hbm>>
    %dma_start3A_131 = arith.constant 24 : i32
    %dma_start3A_132 = arith.constant 0 : i32
    %dma_start3A_133 = tpu.memref_slice %arg7[%dma_start3A_116, %dma_start3A_131, %dma_start3A_132] : memref<2x64x128xf32, #tpu.memory_space<vmem>> -> memref<1x8x128xf32, #tpu.memory_space<vmem>>
    %dma_start3A_134 = tpu.memref_squeeze %dma_start3A_133 : memref<1x8x128xf32, #tpu.memory_space<vmem>> -> memref<8x128xf32, #tpu.memory_space<vmem>>
    tpu.enqueue_dma source(%dma_start3A_134 : memref<8x128xf32, #tpu.memory_space<vmem>>) target(%dma_start3A_130 : memref<8x128xf32, #tpu.memory_space<hbm>>) target_semaphore(%arg10 : memref<!tpu.dma_semaphore, #tpu.memory_space<semaphore_mem>>)
    %dma_start3A_135 = arith.constant 0 : i32
    %dma_start3A_136 = arith.constant 0 : i32
    %dma_start3A_137 = arith.constant 4 : i32
    %dma_start3A_138 = arith.constant 32 : i32
    %dma_start3A_139 = arith.constant 0 : i32
    %dma_start3A_140 = tpu.memref_slice %arg7[%dma_start3A_135, %dma_start3A_138, %dma_start3A_139] : memref<2x64x128xf32, #tpu.memory_space<vmem>> -> memref<1x8x128xf32, #tpu.memory_space<vmem>>
    %dma_start3A_141 = tpu.memref_squeeze %dma_start3A_140 : memref<1x8x128xf32, #tpu.memory_space<vmem>> -> memref<8x128xf32, #tpu.memory_space<vmem>>
    %dma_start3A_142 = arith.constant 0 : i32
    %dma_start3A_143 = arith.constant 0 : i32
    %dma_start3A_144 = tpu.memref_slice %arg4[%dma_start3A_136, %dma_start3A_137, %add3A, %dma_start3A_142, %dma_start3A_143] : memref<200x8x32x8x128xf32, #tpu.memory_space<hbm>> -> memref<1x1x1x8x128xf32, #tpu.memory_space<hbm>>
    %dma_start3A_145 = tpu.memref_squeeze %dma_start3A_144 : memref<1x1x1x8x128xf32, #tpu.memory_space<hbm>> -> memref<8x128xf32, #tpu.memory_space<hbm>>
    %dma_start3A_146 = arith.constant 0 : i32
    %dma_start3A_147 = arith.constant 0 : i32
    %dma_start3A_148 = tpu.memref_slice %arg4[%dma_start3A_136, %dma_start3A_137, %add3A, %dma_start3A_146, %dma_start3A_147] : memref<200x8x32x8x128xf32, #tpu.memory_space<hbm>> -> memref<1x1x1x8x128xf32, #tpu.memory_space<hbm>>
    %dma_start3A_149 = tpu.memref_squeeze %dma_start3A_148 : memref<1x1x1x8x128xf32, #tpu.memory_space<hbm>> -> memref<8x128xf32, #tpu.memory_space<hbm>>
    %dma_start3A_150 = arith.constant 32 : i32
    %dma_start3A_151 = arith.constant 0 : i32
    %dma_start3A_152 = tpu.memref_slice %arg7[%dma_start3A_135, %dma_start3A_150, %dma_start3A_151] : memref<2x64x128xf32, #tpu.memory_space<vmem>> -> memref<1x8x128xf32, #tpu.memory_space<vmem>>
    %dma_start3A_153 = tpu.memref_squeeze %dma_start3A_152 : memref<1x8x128xf32, #tpu.memory_space<vmem>> -> memref<8x128xf32, #tpu.memory_space<vmem>>
    tpu.enqueue_dma source(%dma_start3A_153 : memref<8x128xf32, #tpu.memory_space<vmem>>) target(%dma_start3A_149 : memref<8x128xf32, #tpu.memory_space<hbm>>) target_semaphore(%arg10 : memref<!tpu.dma_semaphore, #tpu.memory_space<semaphore_mem>>)
    %dma_start3A_154 = arith.constant 0 : i32
    %dma_start3A_155 = arith.constant 0 : i32
    %dma_start3A_156 = arith.constant 5 : i32
    %dma_start3A_157 = arith.constant 40 : i32
    %dma_start3A_158 = arith.constant 0 : i32
    %dma_start3A_159 = tpu.memref_slice %arg7[%dma_start3A_154, %dma_start3A_157, %dma_start3A_158] : memref<2x64x128xf32, #tpu.memory_space<vmem>> -> memref<1x8x128xf32, #tpu.memory_space<vmem>>
    %dma_start3A_160 = tpu.memref_squeeze %dma_start3A_159 : memref<1x8x128xf32, #tpu.memory_space<vmem>> -> memref<8x128xf32, #tpu.memory_space<vmem>>
    %dma_start3A_161 = arith.constant 0 : i32
    %dma_start3A_162 = arith.constant 0 : i32
    %dma_start3A_163 = tpu.memref_slice %arg4[%dma_start3A_155, %dma_start3A_156, %add3A, %dma_start3A_161, %dma_start3A_162] : memref<200x8x32x8x128xf32, #tpu.memory_space<hbm>> -> memref<1x1x1x8x128xf32, #tpu.memory_space<hbm>>
    %dma_start3A_164 = tpu.memref_squeeze %dma_start3A_163 : memref<1x1x1x8x128xf32, #tpu.memory_space<hbm>> -> memref<8x128xf32, #tpu.memory_space<hbm>>
    %dma_start3A_165 = arith.constant 0 : i32
    %dma_start3A_166 = arith.constant 0 : i32
    %dma_start3A_167 = tpu.memref_slice %arg4[%dma_start3A_155, %dma_start3A_156, %add3A, %dma_start3A_165, %dma_start3A_166] : memref<200x8x32x8x128xf32, #tpu.memory_space<hbm>> -> memref<1x1x1x8x128xf32, #tpu.memory_space<hbm>>
    %dma_start3A_168 = tpu.memref_squeeze %dma_start3A_167 : memref<1x1x1x8x128xf32, #tpu.memory_space<hbm>> -> memref<8x128xf32, #tpu.memory_space<hbm>>
    %dma_start3A_169 = arith.constant 40 : i32
    %dma_start3A_170 = arith.constant 0 : i32
    %dma_start3A_171 = tpu.memref_slice %arg7[%dma_start3A_154, %dma_start3A_169, %dma_start3A_170] : memref<2x64x128xf32, #tpu.memory_space<vmem>> -> memref<1x8x128xf32, #tpu.memory_space<vmem>>
    %dma_start3A_172 = tpu.memref_squeeze %dma_start3A_171 : memref<1x8x128xf32, #tpu.memory_space<vmem>> -> memref<8x128xf32, #tpu.memory_space<vmem>>
    tpu.enqueue_dma source(%dma_start3A_172 : memref<8x128xf32, #tpu.memory_space<vmem>>) target(%dma_start3A_168 : memref<8x128xf32, #tpu.memory_space<hbm>>) target_semaphore(%arg10 : memref<!tpu.dma_semaphore, #tpu.memory_space<semaphore_mem>>)
    %dma_start3A_173 = arith.constant 0 : i32
    %dma_start3A_174 = arith.constant 0 : i32
    %dma_start3A_175 = arith.constant 6 : i32
    %dma_start3A_176 = arith.constant 48 : i32
    %dma_start3A_177 = arith.constant 0 : i32
    %dma_start3A_178 = tpu.memref_slice %arg7[%dma_start3A_173, %dma_start3A_176, %dma_start3A_177] : memref<2x64x128xf32, #tpu.memory_space<vmem>> -> memref<1x8x128xf32, #tpu.memory_space<vmem>>
    %dma_start3A_179 = tpu.memref_squeeze %dma_start3A_178 : memref<1x8x128xf32, #tpu.memory_space<vmem>> -> memref<8x128xf32, #tpu.memory_space<vmem>>
    %dma_start3A_180 = arith.constant 0 : i32
    %dma_start3A_181 = arith.constant 0 : i32
    %dma_start3A_182 = tpu.memref_slice %arg4[%dma_start3A_174, %dma_start3A_175, %add3A, %dma_start3A_180, %dma_start3A_181] : memref<200x8x32x8x128xf32, #tpu.memory_space<hbm>> -> memref<1x1x1x8x128xf32, #tpu.memory_space<hbm>>
    %dma_start3A_183 = tpu.memref_squeeze %dma_start3A_182 : memref<1x1x1x8x128xf32, #tpu.memory_space<hbm>> -> memref<8x128xf32, #tpu.memory_space<hbm>>
    %dma_start3A_184 = arith.constant 0 : i32
    %dma_start3A_185 = arith.constant 0 : i32
    %dma_start3A_186 = tpu.memref_slice %arg4[%dma_start3A_174, %dma_start3A_175, %add3A, %dma_start3A_184, %dma_start3A_185] : memref<200x8x32x8x128xf32, #tpu.memory_space<hbm>> -> memref<1x1x1x8x128xf32, #tpu.memory_space<hbm>>
    %dma_start3A_187 = tpu.memref_squeeze %dma_start3A_186 : memref<1x1x1x8x128xf32, #tpu.memory_space<hbm>> -> memref<8x128xf32, #tpu.memory_space<hbm>>
    %dma_start3A_188 = arith.constant 48 : i32
    %dma_start3A_189 = arith.constant 0 : i32
    %dma_start3A_190 = tpu.memref_slice %arg7[%dma_start3A_173, %dma_start3A_188, %dma_start3A_189] : memref<2x64x128xf32, #tpu.memory_space<vmem>> -> memref<1x8x128xf32, #tpu.memory_space<vmem>>
    %dma_start3A_191 = tpu.memref_squeeze %dma_start3A_190 : memref<1x8x128xf32, #tpu.memory_space<vmem>> -> memref<8x128xf32, #tpu.memory_space<vmem>>
    tpu.enqueue_dma source(%dma_start3A_191 : memref<8x128xf32, #tpu.memory_space<vmem>>) target(%dma_start3A_187 : memref<8x128xf32, #tpu.memory_space<hbm>>) target_semaphore(%arg10 : memref<!tpu.dma_semaphore, #tpu.memory_space<semaphore_mem>>)
    %dma_start3A_192 = arith.constant 0 : i32
    %dma_start3A_193 = arith.constant 0 : i32
    %dma_start3A_194 = arith.constant 7 : i32
    %dma_start3A_195 = arith.constant 56 : i32
    %dma_start3A_196 = arith.constant 0 : i32
    %dma_start3A_197 = tpu.memref_slice %arg7[%dma_start3A_192, %dma_start3A_195, %dma_start3A_196] : memref<2x64x128xf32, #tpu.memory_space<vmem>> -> memref<1x8x128xf32, #tpu.memory_space<vmem>>
    %dma_start3A_198 = tpu.memref_squeeze %dma_start3A_197 : memref<1x8x128xf32, #tpu.memory_space<vmem>> -> memref<8x128xf32, #tpu.memory_space<vmem>>
    %dma_start3A_199 = arith.constant 0 : i32
    %dma_start3A_200 = arith.constant 0 : i32
    %dma_start3A_201 = tpu.memref_slice %arg4[%dma_start3A_193, %dma_start3A_194, %add3A, %dma_start3A_199, %dma_start3A_200] : memref<200x8x32x8x128xf32, #tpu.memory_space<hbm>> -> memref<1x1x1x8x128xf32, #tpu.memory_space<hbm>>
    %dma_start3A_202 = tpu.memref_squeeze %dma_start3A_201 : memref<1x1x1x8x128xf32, #tpu.memory_space<hbm>> -> memref<8x128xf32, #tpu.memory_space<hbm>>
    %dma_start3A_203 = arith.constant 0 : i32
    %dma_start3A_204 = arith.constant 0 : i32
    %dma_start3A_205 = tpu.memref_slice %arg4[%dma_start3A_193, %dma_start3A_194, %add3A, %dma_start3A_203, %dma_start3A_204] : memref<200x8x32x8x128xf32, #tpu.memory_space<hbm>> -> memref<1x1x1x8x128xf32, #tpu.memory_space<hbm>>
    %dma_start3A_206 = tpu.memref_squeeze %dma_start3A_205 : memref<1x1x1x8x128xf32, #tpu.memory_space<hbm>> -> memref<8x128xf32, #tpu.memory_space<hbm>>
    %dma_start3A_207 = arith.constant 56 : i32
    %dma_start3A_208 = arith.constant 0 : i32
    %dma_start3A_209 = tpu.memref_slice %arg7[%dma_start3A_192, %dma_start3A_207, %dma_start3A_208] : memref<2x64x128xf32, #tpu.memory_space<vmem>> -> memref<1x8x128xf32, #tpu.memory_space<vmem>>
    %dma_start3A_210 = tpu.memref_squeeze %dma_start3A_209 : memref<1x8x128xf32, #tpu.memory_space<vmem>> -> memref<8x128xf32, #tpu.memory_space<vmem>>
    tpu.enqueue_dma source(%dma_start3A_210 : memref<8x128xf32, #tpu.memory_space<vmem>>) target(%dma_start3A_206 : memref<8x128xf32, #tpu.memory_space<hbm>>) target_semaphore(%arg10 : memref<!tpu.dma_semaphore, #tpu.memory_space<semaphore_mem>>)
    %dma_start3A_211 = arith.constant 2 : i32
    %dma_start3A_212 = arith.constant 0 : i32
    %dma_start3A_213 = arith.constant 0 : i32
    %dma_start3A_214 = arith.constant 0 : i32
    %dma_start3A_215 = tpu.memref_slice %arg6[%dma_start3A_212, %dma_start3A_213, %dma_start3A_214] : memref<2x128x128xf32, #tpu.memory_space<vmem>> -> memref<1x128x128xf32, #tpu.memory_space<vmem>>
    %dma_start3A_216 = tpu.memref_squeeze %dma_start3A_215 : memref<1x128x128xf32, #tpu.memory_space<vmem>> -> memref<128x128xf32, #tpu.memory_space<vmem>>
    %dma_start3A_217 = arith.constant 0 : i32
    %dma_start3A_218 = tpu.memref_slice %arg5[%dma_start3A_211, %dma_start3A_217] : memref<200x128xi32, #tpu.memory_space<vmem>> -> memref<1x128xi32, #tpu.memory_space<vmem>>
    %dma_start3A_219 = tpu.memref_squeeze %dma_start3A_218 : memref<1x128xi32, #tpu.memory_space<vmem>> -> memref<128xi32, #tpu.memory_space<vmem>>
    %dma_start3A_220 = arith.constant 0 : i32
    %dma_start3A_221 = arith.constant 0 : i32
    %dma_start3A_222 = tpu.memref_slice %arg2[%dma_start3A_220, %dma_start3A_221] : memref<1000000x128xf32, #tpu.memory_space<hbm>> -> memref<1000000x128xf32, #tpu.memory_space<hbm>>
    tpu.enqueue_indirect_dma source(%dma_start3A_222 : memref<1000000x128xf32, #tpu.memory_space<hbm>>) target(%dma_start3A_216 : memref<128x128xf32, #tpu.memory_space<vmem>>) offsets(%dma_start3A_219 : memref<128xi32, #tpu.memory_space<vmem>>) semaphore(%arg8 : memref<!tpu.dma_semaphore, #tpu.memory_space<semaphore_mem>>)
    %dma_wait3A_223 = arith.constant 1 : i32
    %dma_wait3A_224 = arith.constant 1 : i32
    %dma_wait3A_225 = arith.constant 0 : i32
    %dma_wait3A_226 = arith.constant 0 : i32
    %dma_wait3A_227 = tpu.memref_slice %arg6[%dma_wait3A_224, %dma_wait3A_225, %dma_wait3A_226] : memref<2x128x128xf32, #tpu.memory_space<vmem>> -> memref<1x128x128xf32, #tpu.memory_space<vmem>>
    %dma_wait3A_228 = tpu.memref_squeeze %dma_wait3A_227 : memref<1x128x128xf32, #tpu.memory_space<vmem>> -> memref<128x128xf32, #tpu.memory_space<vmem>>
    %dma_wait3A_229 = arith.constant 0 : i32
    %dma_wait3A_230 = tpu.memref_slice %arg5[%dma_wait3A_223, %dma_wait3A_229] : memref<200x128xi32, #tpu.memory_space<vmem>> -> memref<1x128xi32, #tpu.memory_space<vmem>>
    %dma_wait3A_231 = tpu.memref_squeeze %dma_wait3A_230 : memref<1x128xi32, #tpu.memory_space<vmem>> -> memref<128xi32, #tpu.memory_space<vmem>>
    %dma_wait3A_232 = arith.constant 0 : i32
    %dma_wait3A_233 = arith.constant 0 : i32
    %dma_wait3A_234 = tpu.memref_slice %arg2[%dma_wait3A_232, %dma_wait3A_233] : memref<1000000x128xf32, #tpu.memory_space<hbm>> -> memref<1000000x128xf32, #tpu.memory_space<hbm>>
    tpu.wait_indirect_dma semaphore(%arg9 : memref<!tpu.dma_semaphore, #tpu.memory_space<semaphore_mem>>) src(%dma_wait3A_234 : memref<1000000x128xf32, #tpu.memory_space<hbm>>) dst(%dma_wait3A_228 : memref<128x128xf32, #tpu.memory_space<vmem>>)
    %dma_start3A_235 = arith.constant 1 : i32
    %dma_start3A_236 = arith.constant 1 : i32
    %dma_start3A_237 = arith.constant 0 : i32
    %dma_start3A_238 = arith.constant 0 : i32
    %dma_start3A_239 = arith.constant 0 : i32
    %dma_start3A_240 = tpu.memref_slice %arg7[%dma_start3A_235, %dma_start3A_238, %dma_start3A_239] : memref<2x64x128xf32, #tpu.memory_space<vmem>> -> memref<1x8x128xf32, #tpu.memory_space<vmem>>
    %dma_start3A_241 = tpu.memref_squeeze %dma_start3A_240 : memref<1x8x128xf32, #tpu.memory_space<vmem>> -> memref<8x128xf32, #tpu.memory_space<vmem>>
    %dma_start3A_242 = arith.constant 0 : i32
    %dma_start3A_243 = arith.constant 0 : i32
    %dma_start3A_244 = tpu.memref_slice %arg4[%dma_start3A_236, %dma_start3A_237, %add3A, %dma_start3A_242, %dma_start3A_243] : memref<200x8x32x8x128xf32, #tpu.memory_space<hbm>> -> memref<1x1x1x8x128xf32, #tpu.memory_space<hbm>>
    %dma_start3A_245 = tpu.memref_squeeze %dma_start3A_244 : memref<1x1x1x8x128xf32, #tpu.memory_space<hbm>> -> memref<8x128xf32, #tpu.memory_space<hbm>>
    %dma_start3A_246 = arith.constant 0 : i32
    %dma_start3A_247 = arith.constant 0 : i32
    %dma_start3A_248 = tpu.memref_slice %arg4[%dma_start3A_236, %dma_start3A_237, %add3A, %dma_start3A_246, %dma_start3A_247] : memref<200x8x32x8x128xf32, #tpu.memory_space<hbm>> -> memref<1x1x1x8x128xf32, #tpu.memory_space<hbm>>
    %dma_start3A_249 = tpu.memref_squeeze %dma_start3A_248 : memref<1x1x1x8x128xf32, #tpu.memory_space<hbm>> -> memref<8x128xf32, #tpu.memory_space<hbm>>
    %dma_start3A_250 = arith.constant 0 : i32
    %dma_start3A_251 = arith.constant 0 : i32
    %dma_start3A_252 = tpu.memref_slice %arg7[%dma_start3A_235, %dma_start3A_250, %dma_start3A_251] : memref<2x64x128xf32, #tpu.memory_space<vmem>> -> memref<1x8x128xf32, #tpu.memory_space<vmem>>
    %dma_start3A_253 = tpu.memref_squeeze %dma_start3A_252 : memref<1x8x128xf32, #tpu.memory_space<vmem>> -> memref<8x128xf32, #tpu.memory_space<vmem>>
    tpu.enqueue_dma source(%dma_start3A_253 : memref<8x128xf32, #tpu.memory_space<vmem>>) target(%dma_start3A_249 : memref<8x128xf32, #tpu.memory_space<hbm>>) target_semaphore(%arg10 : memref<!tpu.dma_semaphore, #tpu.memory_space<semaphore_mem>>)
    %dma_start3A_254 = arith.constant 1 : i32
    %dma_start3A_255 = arith.constant 1 : i32
    %dma_start3A_256 = arith.constant 1 : i32
    %dma_start3A_257 = arith.constant 8 : i32
    %dma_start3A_258 = arith.constant 0 : i32
    %dma_start3A_259 = tpu.memref_slice %arg7[%dma_start3A_254, %dma_start3A_257, %dma_start3A_258] : memref<2x64x128xf32, #tpu.memory_space<vmem>> -> memref<1x8x128xf32, #tpu.memory_space<vmem>>
    %dma_start3A_260 = tpu.memref_squeeze %dma_start3A_259 : memref<1x8x128xf32, #tpu.memory_space<vmem>> -> memref<8x128xf32, #tpu.memory_space<vmem>>
    %dma_start3A_261 = arith.constant 0 : i32
    %dma_start3A_262 = arith.constant 0 : i32
    %dma_start3A_263 = tpu.memref_slice %arg4[%dma_start3A_255, %dma_start3A_256, %add3A, %dma_start3A_261, %dma_start3A_262] : memref<200x8x32x8x128xf32, #tpu.memory_space<hbm>> -> memref<1x1x1x8x128xf32, #tpu.memory_space<hbm>>
    %dma_start3A_264 = tpu.memref_squeeze %dma_start3A_263 : memref<1x1x1x8x128xf32, #tpu.memory_space<hbm>> -> memref<8x128xf32, #tpu.memory_space<hbm>>
    %dma_start3A_265 = arith.constant 0 : i32
    %dma_start3A_266 = arith.constant 0 : i32
    %dma_start3A_267 = tpu.memref_slice %arg4[%dma_start3A_255, %dma_start3A_256, %add3A, %dma_start3A_265, %dma_start3A_266] : memref<200x8x32x8x128xf32, #tpu.memory_space<hbm>> -> memref<1x1x1x8x128xf32, #tpu.memory_space<hbm>>
    %dma_start3A_268 = tpu.memref_squeeze %dma_start3A_267 : memref<1x1x1x8x128xf32, #tpu.memory_space<hbm>> -> memref<8x128xf32, #tpu.memory_space<hbm>>
    %dma_start3A_269 = arith.constant 8 : i32
    %dma_start3A_270 = arith.constant 0 : i32
    %dma_start3A_271 = tpu.memref_slice %arg7[%dma_start3A_254, %dma_start3A_269, %dma_start3A_270] : memref<2x64x128xf32, #tpu.memory_space<vmem>> -> memref<1x8x128xf32, #tpu.memory_space<vmem>>
    %dma_start3A_272 = tpu.memref_squeeze %dma_start3A_271 : memref<1x8x128xf32, #tpu.memory_space<vmem>> -> memref<8x128xf32, #tpu.memory_space<vmem>>
    tpu.enqueue_dma source(%dma_start3A_272 : memref<8x128xf32, #tpu.memory_space<vmem>>) target(%dma_start3A_268 : memref<8x128xf32, #tpu.memory_space<hbm>>) target_semaphore(%arg10 : memref<!tpu.dma_semaphore, #tpu.memory_space<semaphore_mem>>)
    %dma_start3A_273 = arith.constant 1 : i32
    %dma_start3A_274 = arith.constant 1 : i32
    %dma_start3A_275 = arith.constant 2 : i32
    %dma_start3A_276 = arith.constant 16 : i32
    %dma_start3A_277 = arith.constant 0 : i32
    %dma_start3A_278 = tpu.memref_slice %arg7[%dma_start3A_273, %dma_start3A_276, %dma_start3A_277] : memref<2x64x128xf32, #tpu.memory_space<vmem>> -> memref<1x8x128xf32, #tpu.memory_space<vmem>>
    %dma_start3A_279 = tpu.memref_squeeze %dma_start3A_278 : memref<1x8x128xf32, #tpu.memory_space<vmem>> -> memref<8x128xf32, #tpu.memory_space<vmem>>
    %dma_start3A_280 = arith.constant 0 : i32
    %dma_start3A_281 = arith.constant 0 : i32
    %dma_start3A_282 = tpu.memref_slice %arg4[%dma_start3A_274, %dma_start3A_275, %add3A, %dma_start3A_280, %dma_start3A_281] : memref<200x8x32x8x128xf32, #tpu.memory_space<hbm>> -> memref<1x1x1x8x128xf32, #tpu.memory_space<hbm>>
    %dma_start3A_283 = tpu.memref_squeeze %dma_start3A_282 : memref<1x1x1x8x128xf32, #tpu.memory_space<hbm>> -> memref<8x128xf32, #tpu.memory_space<hbm>>
    %dma_start3A_284 = arith.constant 0 : i32
    %dma_start3A_285 = arith.constant 0 : i32
    %dma_start3A_286 = tpu.memref_slice %arg4[%dma_start3A_274, %dma_start3A_275, %add3A, %dma_start3A_284, %dma_start3A_285] : memref<200x8x32x8x128xf32, #tpu.memory_space<hbm>> -> memref<1x1x1x8x128xf32, #tpu.memory_space<hbm>>
    %dma_start3A_287 = tpu.memref_squeeze %dma_start3A_286 : memref<1x1x1x8x128xf32, #tpu.memory_space<hbm>> -> memref<8x128xf32, #tpu.memory_space<hbm>>
    %dma_start3A_288 = arith.constant 16 : i32
    %dma_start3A_289 = arith.constant 0 : i32
    %dma_start3A_290 = tpu.memref_slice %arg7[%dma_start3A_273, %dma_start3A_288, %dma_start3A_289] : memref<2x64x128xf32, #tpu.memory_space<vmem>> -> memref<1x8x128xf32, #tpu.memory_space<vmem>>
    %dma_start3A_291 = tpu.memref_squeeze %dma_start3A_290 : memref<1x8x128xf32, #tpu.memory_space<vmem>> -> memref<8x128xf32, #tpu.memory_space<vmem>>
    tpu.enqueue_dma source(%dma_start3A_291 : memref<8x128xf32, #tpu.memory_space<vmem>>) target(%dma_start3A_287 : memref<8x128xf32, #tpu.memory_space<hbm>>) target_semaphore(%arg10 : memref<!tpu.dma_semaphore, #tpu.memory_space<semaphore_mem>>)
    %dma_start3A_292 = arith.constant 1 : i32
    %dma_start3A_293 = arith.constant 1 : i32
    %dma_start3A_294 = arith.constant 3 : i32
    %dma_start3A_295 = arith.constant 24 : i32
    %dma_start3A_296 = arith.constant 0 : i32
    %dma_start3A_297 = tpu.memref_slice %arg7[%dma_start3A_292, %dma_start3A_295, %dma_start3A_296] : memref<2x64x128xf32, #tpu.memory_space<vmem>> -> memref<1x8x128xf32, #tpu.memory_space<vmem>>
    %dma_start3A_298 = tpu.memref_squeeze %dma_start3A_297 : memref<1x8x128xf32, #tpu.memory_space<vmem>> -> memref<8x128xf32, #tpu.memory_space<vmem>>
    %dma_start3A_299 = arith.constant 0 : i32
    %dma_start3A_300 = arith.constant 0 : i32
    %dma_start3A_301 = tpu.memref_slice %arg4[%dma_start3A_293, %dma_start3A_294, %add3A, %dma_start3A_299, %dma_start3A_300] : memref<200x8x32x8x128xf32, #tpu.memory_space<hbm>> -> memref<1x1x1x8x128xf32, #tpu.memory_space<hbm>>
    %dma_start3A_302 = tpu.memref_squeeze %dma_start3A_301 : memref<1x1x1x8x128xf32, #tpu.memory_space<hbm>> -> memref<8x128xf32, #tpu.memory_space<hbm>>
    %dma_start3A_303 = arith.constant 0 : i32
    %dma_start3A_304 = arith.constant 0 : i32
    %dma_start3A_305 = tpu.memref_slice %arg4[%dma_start3A_293, %dma_start3A_294, %add3A, %dma_start3A_303, %dma_start3A_304] : memref<200x8x32x8x128xf32, #tpu.memory_space<hbm>> -> memref<1x1x1x8x128xf32, #tpu.memory_space<hbm>>
    %dma_start3A_306 = tpu.memref_squeeze %dma_start3A_305 : memref<1x1x1x8x128xf32, #tpu.memory_space<hbm>> -> memref<8x128xf32, #tpu.memory_space<hbm>>
    %dma_start3A_307 = arith.constant 24 : i32
    %dma_start3A_308 = arith.constant 0 : i32
    %dma_start3A_309 = tpu.memref_slice %arg7[%dma_start3A_292, %dma_start3A_307, %dma_start3A_308] : memref<2x64x128xf32, #tpu.memory_space<vmem>> -> memref<1x8x128xf32, #tpu.memory_space<vmem>>
    %dma_start3A_310 = tpu.memref_squeeze %dma_start3A_309 : memref<1x8x128xf32, #tpu.memory_space<vmem>> -> memref<8x128xf32, #tpu.memory_space<vmem>>
    tpu.enqueue_dma source(%dma_start3A_310 : memref<8x128xf32, #tpu.memory_space<vmem>>) target(%dma_start3A_306 : memref<8x128xf32, #tpu.memory_space<hbm>>) target_semaphore(%arg10 : memref<!tpu.dma_semaphore, #tpu.memory_space<semaphore_mem>>)
    %dma_start3A_311 = arith.constant 1 : i32
    %dma_start3A_312 = arith.constant 1 : i32
    %dma_start3A_313 = arith.constant 4 : i32
    %dma_start3A_314 = arith.constant 32 : i32
    %dma_start3A_315 = arith.constant 0 : i32
    %dma_start3A_316 = tpu.memref_slice %arg7[%dma_start3A_311, %dma_start3A_314, %dma_start3A_315] : memref<2x64x128xf32, #tpu.memory_space<vmem>> -> memref<1x8x128xf32, #tpu.memory_space<vmem>>
    %dma_start3A_317 = tpu.memref_squeeze %dma_start3A_316 : memref<1x8x128xf32, #tpu.memory_space<vmem>> -> memref<8x128xf32, #tpu.memory_space<vmem>>
    %dma_start3A_318 = arith.constant 0 : i32
    %dma_start3A_319 = arith.constant 0 : i32
    %dma_start3A_320 = tpu.memref_slice %arg4[%dma_start3A_312, %dma_start3A_313, %add3A, %dma_start3A_318, %dma_start3A_319] : memref<200x8x32x8x128xf32, #tpu.memory_space<hbm>> -> memref<1x1x1x8x128xf32, #tpu.memory_space<hbm>>
    %dma_start3A_321 = tpu.memref_squeeze %dma_start3A_320 : memref<1x1x1x8x128xf32, #tpu.memory_space<hbm>> -> memref<8x128xf32, #tpu.memory_space<hbm>>
    %dma_start3A_322 = arith.constant 0 : i32
    %dma_start3A_323 = arith.constant 0 : i32
    %dma_start3A_324 = tpu.memref_slice %arg4[%dma_start3A_312, %dma_start3A_313, %add3A, %dma_start3A_322, %dma_start3A_323] : memref<200x8x32x8x128xf32, #tpu.memory_space<hbm>> -> memref<1x1x1x8x128xf32, #tpu.memory_space<hbm>>
    %dma_start3A_325 = tpu.memref_squeeze %dma_start3A_324 : memref<1x1x1x8x128xf32, #tpu.memory_space<hbm>> -> memref<8x128xf32, #tpu.memory_space<hbm>>
    %dma_start3A_326 = arith.constant 32 : i32
    %dma_start3A_327 = arith.constant 0 : i32
    %dma_start3A_328 = tpu.memref_slice %arg7[%dma_start3A_311, %dma_start3A_326, %dma_start3A_327] : memref<2x64x128xf32, #tpu.memory_space<vmem>> -> memref<1x8x128xf32, #tpu.memory_space<vmem>>
    %dma_start3A_329 = tpu.memref_squeeze %dma_start3A_328 : memref<1x8x128xf32, #tpu.memory_space<vmem>> -> memref<8x128xf32, #tpu.memory_space<vmem>>
    tpu.enqueue_dma source(%dma_start3A_329 : memref<8x128xf32, #tpu.memory_space<vmem>>) target(%dma_start3A_325 : memref<8x128xf32, #tpu.memory_space<hbm>>) target_semaphore(%arg10 : memref<!tpu.dma_semaphore, #tpu.memory_space<semaphore_mem>>)
    %dma_start3A_330 = arith.constant 1 : i32
    %dma_start3A_331 = arith.constant 1 : i32
    %dma_start3A_332 = arith.constant 5 : i32
    %dma_start3A_333 = arith.constant 40 : i32
    %dma_start3A_334 = arith.constant 0 : i32
    %dma_start3A_335 = tpu.memref_slice %arg7[%dma_start3A_330, %dma_start3A_333, %dma_start3A_334] : memref<2x64x128xf32, #tpu.memory_space<vmem>> -> memref<1x8x128xf32, #tpu.memory_space<vmem>>
    %dma_start3A_336 = tpu.memref_squeeze %dma_start3A_335 : memref<1x8x128xf32, #tpu.memory_space<vmem>> -> memref<8x128xf32, #tpu.memory_space<vmem>>
    %dma_start3A_337 = arith.constant 0 : i32
    %dma_start3A_338 = arith.constant 0 : i32
    %dma_start3A_339 = tpu.memref_slice %arg4[%dma_start3A_331, %dma_start3A_332, %add3A, %dma_start3A_337, %dma_start3A_338] : memref<200x8x32x8x128xf32, #tpu.memory_space<hbm>> -> memref<1x1x1x8x128xf32, #tpu.memory_space<hbm>>
    %dma_start3A_340 = tpu.memref_squeeze %dma_start3A_339 : memref<1x1x1x8x128xf32, #tpu.memory_space<hbm>> -> memref<8x128xf32, #tpu.memory_space<hbm>>
    %dma_start3A_341 = arith.constant 0 : i32
    %dma_start3A_342 = arith.constant 0 : i32
    %dma_start3A_343 = tpu.memref_slice %arg4[%dma_start3A_331, %dma_start3A_332, %add3A, %dma_start3A_341, %dma_start3A_342] : memref<200x8x32x8x128xf32, #tpu.memory_space<hbm>> -> memref<1x1x1x8x128xf32, #tpu.memory_space<hbm>>
    %dma_start3A_344 = tpu.memref_squeeze %dma_start3A_343 : memref<1x1x1x8x128xf32, #tpu.memory_space<hbm>> -> memref<8x128xf32, #tpu.memory_space<hbm>>
    %dma_start3A_345 = arith.constant 40 : i32
    %dma_start3A_346 = arith.constant 0 : i32
    %dma_start3A_347 = tpu.memref_slice %arg7[%dma_start3A_330, %dma_start3A_345, %dma_start3A_346] : memref<2x64x128xf32, #tpu.memory_space<vmem>> -> memref<1x8x128xf32, #tpu.memory_space<vmem>>
    %dma_start3A_348 = tpu.memref_squeeze %dma_start3A_347 : memref<1x8x128xf32, #tpu.memory_space<vmem>> -> memref<8x128xf32, #tpu.memory_space<vmem>>
    tpu.enqueue_dma source(%dma_start3A_348 : memref<8x128xf32, #tpu.memory_space<vmem>>) target(%dma_start3A_344 : memref<8x128xf32, #tpu.memory_space<hbm>>) target_semaphore(%arg10 : memref<!tpu.dma_semaphore, #tpu.memory_space<semaphore_mem>>)
    %dma_start3A_349 = arith.constant 1 : i32
    %dma_start3A_350 = arith.constant 1 : i32
    %dma_start3A_351 = arith.constant 6 : i32
    %dma_start3A_352 = arith.constant 48 : i32
    %dma_start3A_353 = arith.constant 0 : i32
    %dma_start3A_354 = tpu.memref_slice %arg7[%dma_start3A_349, %dma_start3A_352, %dma_start3A_353] : memref<2x64x128xf32, #tpu.memory_space<vmem>> -> memref<1x8x128xf32, #tpu.memory_space<vmem>>
    %dma_start3A_355 = tpu.memref_squeeze %dma_start3A_354 : memref<1x8x128xf32, #tpu.memory_space<vmem>> -> memref<8x128xf32, #tpu.memory_space<vmem>>
    %dma_start3A_356 = arith.constant 0 : i32
    %dma_start3A_357 = arith.constant 0 : i32
    %dma_start3A_358 = tpu.memref_slice %arg4[%dma_start3A_350, %dma_start3A_351, %add3A, %dma_start3A_356, %dma_start3A_357] : memref<200x8x32x8x128xf32, #tpu.memory_space<hbm>> -> memref<1x1x1x8x128xf32, #tpu.memory_space<hbm>>
    %dma_start3A_359 = tpu.memref_squeeze %dma_start3A_358 : memref<1x1x1x8x128xf32, #tpu.memory_space<hbm>> -> memref<8x128xf32, #tpu.memory_space<hbm>>
    %dma_start3A_360 = arith.constant 0 : i32
    %dma_start3A_361 = arith.constant 0 : i32
    %dma_start3A_362 = tpu.memref_slice %arg4[%dma_start3A_350, %dma_start3A_351, %add3A, %dma_start3A_360, %dma_start3A_361] : memref<200x8x32x8x128xf32, #tpu.memory_space<hbm>> -> memref<1x1x1x8x128xf32, #tpu.memory_space<hbm>>
    %dma_start3A_363 = tpu.memref_squeeze %dma_start3A_362 : memref<1x1x1x8x128xf32, #tpu.memory_space<hbm>> -> memref<8x128xf32, #tpu.memory_space<hbm>>
    %dma_start3A_364 = arith.constant 48 : i32
    %dma_start3A_365 = arith.constant 0 : i32
    %dma_start3A_366 = tpu.memref_slice %arg7[%dma_start3A_349, %dma_start3A_364, %dma_start3A_365] : memref<2x64x128xf32, #tpu.memory_space<vmem>> -> memref<1x8x128xf32, #tpu.memory_space<vmem>>
    %dma_start3A_367 = tpu.memref_squeeze %dma_start3A_366 : memref<1x8x128xf32, #tpu.memory_space<vmem>> -> memref<8x128xf32, #tpu.memory_space<vmem>>
    tpu.enqueue_dma source(%dma_start3A_367 : memref<8x128xf32, #tpu.memory_space<vmem>>) target(%dma_start3A_363 : memref<8x128xf32, #tpu.memory_space<hbm>>) target_semaphore(%arg10 : memref<!tpu.dma_semaphore, #tpu.memory_space<semaphore_mem>>)
    %dma_start3A_368 = arith.constant 1 : i32
    %dma_start3A_369 = arith.constant 1 : i32
    %dma_start3A_370 = arith.constant 7 : i32
    %dma_start3A_371 = arith.constant 56 : i32
    %dma_start3A_372 = arith.constant 0 : i32
    %dma_start3A_373 = tpu.memref_slice %arg7[%dma_start3A_368, %dma_start3A_371, %dma_start3A_372] : memref<2x64x128xf32, #tpu.memory_space<vmem>> -> memref<1x8x128xf32, #tpu.memory_space<vmem>>
    %dma_start3A_374 = tpu.memref_squeeze %dma_start3A_373 : memref<1x8x128xf32, #tpu.memory_space<vmem>> -> memref<8x128xf32, #tpu.memory_space<vmem>>
    %dma_start3A_375 = arith.constant 0 : i32
    %dma_start3A_376 = arith.constant 0 : i32
    %dma_start3A_377 = tpu.memref_slice %arg4[%dma_start3A_369, %dma_start3A_370, %add3A, %dma_start3A_375, %dma_start3A_376] : memref<200x8x32x8x128xf32, #tpu.memory_space<hbm>> -> memref<1x1x1x8x128xf32, #tpu.memory_space<hbm>>
    %dma_start3A_378 = tpu.memref_squeeze %dma_start3A_377 : memref<1x1x1x8x128xf32, #tpu.memory_space<hbm>> -> memref<8x128xf32, #tpu.memory_space<hbm>>
    %dma_start3A_379 = arith.constant 0 : i32
    %dma_start3A_380 = arith.constant 0 : i32
    %dma_start3A_381 = tpu.memref_slice %arg4[%dma_start3A_369, %dma_start3A_370, %add3A, %dma_start3A_379, %dma_start3A_380] : memref<200x8x32x8x128xf32, #tpu.memory_space<hbm>> -> memref<1x1x1x8x128xf32, #tpu.memory_space<hbm>>
    %dma_start3A_382 = tpu.memref_squeeze %dma_start3A_381 : memref<1x1x1x8x128xf32, #tpu.memory_space<hbm>> -> memref<8x128xf32, #tpu.memory_space<hbm>>
    %dma_start3A_383 = arith.constant 56 : i32
    %dma_start3A_384 = arith.constant 0 : i32
    %dma_start3A_385 = tpu.memref_slice %arg7[%dma_start3A_368, %dma_start3A_383, %dma_start3A_384] : memref<2x64x128xf32, #tpu.memory_space<vmem>> -> memref<1x8x128xf32, #tpu.memory_space<vmem>>
    %dma_start3A_386 = tpu.memref_squeeze %dma_start3A_385 : memref<1x8x128xf32, #tpu.memory_space<vmem>> -> memref<8x128xf32, #tpu.memory_space<vmem>>
    tpu.enqueue_dma source(%dma_start3A_386 : memref<8x128xf32, #tpu.memory_space<vmem>>) target(%dma_start3A_382 : memref<8x128xf32, #tpu.memory_space<hbm>>) target_semaphore(%arg10 : memref<!tpu.dma_semaphore, #tpu.memory_space<semaphore_mem>>)
    %scan3A = arith.constant 0 : i32
    %scan3A_387 = arith.constant 98 : i32
    %scan3A_388 = arith.addi %scan3A, %scan3A_387 : i32
    %scan3A_389 = arith.constant 1 : i32
    scf.for %scan3A_1339 = %scan3A to %scan3A_388 step %scan3A_389  : i32 {
      %mul3A_1340 = arith.constant 1 : i32
      %mul3A_1341 = arith.muli %scan3A_1339, %mul3A_1340 : i32
      %add3A_1342 = arith.constant 0 : i32
      %add3A_1343 = arith.addi %add3A_1342, %mul3A_1341 : i32
      %mul3A_1344 = arith.constant 2 : i32
      %mul3A_1345 = arith.muli %mul3A_1344, %add3A_1343 : i32
      %add3A_1346 = arith.constant 2 : i32
      %add3A_1347 = arith.addi %mul3A_1345, %add3A_1346 : i32
      %sub3A = arith.constant 2 : i32
      %sub3A_1348 = arith.subi %add3A_1347, %sub3A : i32
      %dma_wait3A_1349 = arith.constant 0 : i32
      %dma_wait3A_1350 = arith.constant 0 : i32
      %dma_wait3A_1351 = arith.constant 0 : i32
      %dma_wait3A_1352 = arith.constant 0 : i32
      %dma_wait3A_1353 = tpu.memref_slice %arg7[%dma_wait3A_1349, %dma_wait3A_1351, %dma_wait3A_1352] : memref<2x64x128xf32, #tpu.memory_space<vmem>> -> memref<1x8x128xf32, #tpu.memory_space<vmem>>
      %dma_wait3A_1354 = tpu.memref_squeeze %dma_wait3A_1353 : memref<1x8x128xf32, #tpu.memory_space<vmem>> -> memref<8x128xf32, #tpu.memory_space<vmem>>
      %dma_wait3A_1355 = arith.constant 0 : i32
      %dma_wait3A_1356 = arith.constant 0 : i32
      %dma_wait3A_1357 = tpu.memref_slice %arg4[%sub3A_1348, %dma_wait3A_1350, %add3A, %dma_wait3A_1355, %dma_wait3A_1356] : memref<200x8x32x8x128xf32, #tpu.memory_space<hbm>> -> memref<1x1x1x8x128xf32, #tpu.memory_space<hbm>>
      %dma_wait3A_1358 = tpu.memref_squeeze %dma_wait3A_1357 : memref<1x1x1x8x128xf32, #tpu.memory_space<hbm>> -> memref<8x128xf32, #tpu.memory_space<hbm>>
      %dma_wait3A_1359 = arith.constant 0 : i32
      %dma_wait3A_1360 = arith.constant 0 : i32
      %dma_wait3A_1361 = tpu.memref_slice %arg4[%sub3A_1348, %dma_wait3A_1350, %add3A, %dma_wait3A_1359, %dma_wait3A_1360] : memref<200x8x32x8x128xf32, #tpu.memory_space<hbm>> -> memref<1x1x1x8x128xf32, #tpu.memory_space<hbm>>
      %dma_wait3A_1362 = tpu.memref_squeeze %dma_wait3A_1361 : memref<1x1x1x8x128xf32, #tpu.memory_space<hbm>> -> memref<8x128xf32, #tpu.memory_space<hbm>>
      %dma_wait3A_1363 = arith.constant 0 : i32
      %dma_wait3A_1364 = arith.constant 0 : i32
      %dma_wait3A_1365 = tpu.memref_slice %arg7[%dma_wait3A_1349, %dma_wait3A_1363, %dma_wait3A_1364] : memref<2x64x128xf32, #tpu.memory_space<vmem>> -> memref<1x8x128xf32, #tpu.memory_space<vmem>>
      %dma_wait3A_1366 = tpu.memref_squeeze %dma_wait3A_1365 : memref<1x8x128xf32, #tpu.memory_space<vmem>> -> memref<8x128xf32, #tpu.memory_space<vmem>>
      tpu.wait_dma2 semaphore(%arg10 : memref<!tpu.dma_semaphore, #tpu.memory_space<semaphore_mem>>) src(%dma_wait3A_1366 : memref<8x128xf32, #tpu.memory_space<vmem>>) dst(%dma_wait3A_1362 : memref<8x128xf32, #tpu.memory_space<hbm>>)
      %dma_wait3A_1367 = arith.constant 0 : i32
      %dma_wait3A_1368 = arith.constant 1 : i32
      %dma_wait3A_1369 = arith.constant 8 : i32
      %dma_wait3A_1370 = arith.constant 0 : i32
      %dma_wait3A_1371 = tpu.memref_slice %arg7[%dma_wait3A_1367, %dma_wait3A_1369, %dma_wait3A_1370] : memref<2x64x128xf32, #tpu.memory_space<vmem>> -> memref<1x8x128xf32, #tpu.memory_space<vmem>>
      %dma_wait3A_1372 = tpu.memref_squeeze %dma_wait3A_1371 : memref<1x8x128xf32, #tpu.memory_space<vmem>> -> memref<8x128xf32, #tpu.memory_space<vmem>>
      %dma_wait3A_1373 = arith.constant 0 : i32
      %dma_wait3A_1374 = arith.constant 0 : i32
      %dma_wait3A_1375 = tpu.memref_slice %arg4[%sub3A_1348, %dma_wait3A_1368, %add3A, %dma_wait3A_1373, %dma_wait3A_1374] : memref<200x8x32x8x128xf32, #tpu.memory_space<hbm>> -> memref<1x1x1x8x128xf32, #tpu.memory_space<hbm>>
      %dma_wait3A_1376 = tpu.memref_squeeze %dma_wait3A_1375 : memref<1x1x1x8x128xf32, #tpu.memory_space<hbm>> -> memref<8x128xf32, #tpu.memory_space<hbm>>
      %dma_wait3A_1377 = arith.constant 0 : i32
      %dma_wait3A_1378 = arith.constant 0 : i32
      %dma_wait3A_1379 = tpu.memref_slice %arg4[%sub3A_1348, %dma_wait3A_1368, %add3A, %dma_wait3A_1377, %dma_wait3A_1378] : memref<200x8x32x8x128xf32, #tpu.memory_space<hbm>> -> memref<1x1x1x8x128xf32, #tpu.memory_space<hbm>>
      %dma_wait3A_1380 = tpu.memref_squeeze %dma_wait3A_1379 : memref<1x1x1x8x128xf32, #tpu.memory_space<hbm>> -> memref<8x128xf32, #tpu.memory_space<hbm>>
      %dma_wait3A_1381 = arith.constant 8 : i32
      %dma_wait3A_1382 = arith.constant 0 : i32
      %dma_wait3A_1383 = tpu.memref_slice %arg7[%dma_wait3A_1367, %dma_wait3A_1381, %dma_wait3A_1382] : memref<2x64x128xf32, #tpu.memory_space<vmem>> -> memref<1x8x128xf32, #tpu.memory_space<vmem>>
      %dma_wait3A_1384 = tpu.memref_squeeze %dma_wait3A_1383 : memref<1x8x128xf32, #tpu.memory_space<vmem>> -> memref<8x128xf32, #tpu.memory_space<vmem>>
      tpu.wait_dma2 semaphore(%arg10 : memref<!tpu.dma_semaphore, #tpu.memory_space<semaphore_mem>>) src(%dma_wait3A_1384 : memref<8x128xf32, #tpu.memory_space<vmem>>) dst(%dma_wait3A_1380 : memref<8x128xf32, #tpu.memory_space<hbm>>)
      %dma_wait3A_1385 = arith.constant 0 : i32
      %dma_wait3A_1386 = arith.constant 2 : i32
      %dma_wait3A_1387 = arith.constant 16 : i32
      %dma_wait3A_1388 = arith.constant 0 : i32
      %dma_wait3A_1389 = tpu.memref_slice %arg7[%dma_wait3A_1385, %dma_wait3A_1387, %dma_wait3A_1388] : memref<2x64x128xf32, #tpu.memory_space<vmem>> -> memref<1x8x128xf32, #tpu.memory_space<vmem>>
      %dma_wait3A_1390 = tpu.memref_squeeze %dma_wait3A_1389 : memref<1x8x128xf32, #tpu.memory_space<vmem>> -> memref<8x128xf32, #tpu.memory_space<vmem>>
      %dma_wait3A_1391 = arith.constant 0 : i32
      %dma_wait3A_1392 = arith.constant 0 : i32
      %dma_wait3A_1393 = tpu.memref_slice %arg4[%sub3A_1348, %dma_wait3A_1386, %add3A, %dma_wait3A_1391, %dma_wait3A_1392] : memref<200x8x32x8x128xf32, #tpu.memory_space<hbm>> -> memref<1x1x1x8x128xf32, #tpu.memory_space<hbm>>
      %dma_wait3A_1394 = tpu.memref_squeeze %dma_wait3A_1393 : memref<1x1x1x8x128xf32, #tpu.memory_space<hbm>> -> memref<8x128xf32, #tpu.memory_space<hbm>>
      %dma_wait3A_1395 = arith.constant 0 : i32
      %dma_wait3A_1396 = arith.constant 0 : i32
      %dma_wait3A_1397 = tpu.memref_slice %arg4[%sub3A_1348, %dma_wait3A_1386, %add3A, %dma_wait3A_1395, %dma_wait3A_1396] : memref<200x8x32x8x128xf32, #tpu.memory_space<hbm>> -> memref<1x1x1x8x128xf32, #tpu.memory_space<hbm>>
      %dma_wait3A_1398 = tpu.memref_squeeze %dma_wait3A_1397 : memref<1x1x1x8x128xf32, #tpu.memory_space<hbm>> -> memref<8x128xf32, #tpu.memory_space<hbm>>
      %dma_wait3A_1399 = arith.constant 16 : i32
      %dma_wait3A_1400 = arith.constant 0 : i32
      %dma_wait3A_1401 = tpu.memref_slice %arg7[%dma_wait3A_1385, %dma_wait3A_1399, %dma_wait3A_1400] : memref<2x64x128xf32, #tpu.memory_space<vmem>> -> memref<1x8x128xf32, #tpu.memory_space<vmem>>
      %dma_wait3A_1402 = tpu.memref_squeeze %dma_wait3A_1401 : memref<1x8x128xf32, #tpu.memory_space<vmem>> -> memref<8x128xf32, #tpu.memory_space<vmem>>
      tpu.wait_dma2 semaphore(%arg10 : memref<!tpu.dma_semaphore, #tpu.memory_space<semaphore_mem>>) src(%dma_wait3A_1402 : memref<8x128xf32, #tpu.memory_space<vmem>>) dst(%dma_wait3A_1398 : memref<8x128xf32, #tpu.memory_space<hbm>>)
      %dma_wait3A_1403 = arith.constant 0 : i32
      %dma_wait3A_1404 = arith.constant 3 : i32
      %dma_wait3A_1405 = arith.constant 24 : i32
      %dma_wait3A_1406 = arith.constant 0 : i32
      %dma_wait3A_1407 = tpu.memref_slice %arg7[%dma_wait3A_1403, %dma_wait3A_1405, %dma_wait3A_1406] : memref<2x64x128xf32, #tpu.memory_space<vmem>> -> memref<1x8x128xf32, #tpu.memory_space<vmem>>
      %dma_wait3A_1408 = tpu.memref_squeeze %dma_wait3A_1407 : memref<1x8x128xf32, #tpu.memory_space<vmem>> -> memref<8x128xf32, #tpu.memory_space<vmem>>
      %dma_wait3A_1409 = arith.constant 0 : i32
      %dma_wait3A_1410 = arith.constant 0 : i32
      %dma_wait3A_1411 = tpu.memref_slice %arg4[%sub3A_1348, %dma_wait3A_1404, %add3A, %dma_wait3A_1409, %dma_wait3A_1410] : memref<200x8x32x8x128xf32, #tpu.memory_space<hbm>> -> memref<1x1x1x8x128xf32, #tpu.memory_space<hbm>>
      %dma_wait3A_1412 = tpu.memref_squeeze %dma_wait3A_1411 : memref<1x1x1x8x128xf32, #tpu.memory_space<hbm>> -> memref<8x128xf32, #tpu.memory_space<hbm>>
      %dma_wait3A_1413 = arith.constant 0 : i32
      %dma_wait3A_1414 = arith.constant 0 : i32
      %dma_wait3A_1415 = tpu.memref_slice %arg4[%sub3A_1348, %dma_wait3A_1404, %add3A, %dma_wait3A_1413, %dma_wait3A_1414] : memref<200x8x32x8x128xf32, #tpu.memory_space<hbm>> -> memref<1x1x1x8x128xf32, #tpu.memory_space<hbm>>
      %dma_wait3A_1416 = tpu.memref_squeeze %dma_wait3A_1415 : memref<1x1x1x8x128xf32, #tpu.memory_space<hbm>> -> memref<8x128xf32, #tpu.memory_space<hbm>>
      %dma_wait3A_1417 = arith.constant 24 : i32
      %dma_wait3A_1418 = arith.constant 0 : i32
      %dma_wait3A_1419 = tpu.memref_slice %arg7[%dma_wait3A_1403, %dma_wait3A_1417, %dma_wait3A_1418] : memref<2x64x128xf32, #tpu.memory_space<vmem>> -> memref<1x8x128xf32, #tpu.memory_space<vmem>>
      %dma_wait3A_1420 = tpu.memref_squeeze %dma_wait3A_1419 : memref<1x8x128xf32, #tpu.memory_space<vmem>> -> memref<8x128xf32, #tpu.memory_space<vmem>>
      tpu.wait_dma2 semaphore(%arg10 : memref<!tpu.dma_semaphore, #tpu.memory_space<semaphore_mem>>) src(%dma_wait3A_1420 : memref<8x128xf32, #tpu.memory_space<vmem>>) dst(%dma_wait3A_1416 : memref<8x128xf32, #tpu.memory_space<hbm>>)
      %dma_wait3A_1421 = arith.constant 0 : i32
      %dma_wait3A_1422 = arith.constant 4 : i32
      %dma_wait3A_1423 = arith.constant 32 : i32
      %dma_wait3A_1424 = arith.constant 0 : i32
      %dma_wait3A_1425 = tpu.memref_slice %arg7[%dma_wait3A_1421, %dma_wait3A_1423, %dma_wait3A_1424] : memref<2x64x128xf32, #tpu.memory_space<vmem>> -> memref<1x8x128xf32, #tpu.memory_space<vmem>>
      %dma_wait3A_1426 = tpu.memref_squeeze %dma_wait3A_1425 : memref<1x8x128xf32, #tpu.memory_space<vmem>> -> memref<8x128xf32, #tpu.memory_space<vmem>>
      %dma_wait3A_1427 = arith.constant 0 : i32
      %dma_wait3A_1428 = arith.constant 0 : i32
      %dma_wait3A_1429 = tpu.memref_slice %arg4[%sub3A_1348, %dma_wait3A_1422, %add3A, %dma_wait3A_1427, %dma_wait3A_1428] : memref<200x8x32x8x128xf32, #tpu.memory_space<hbm>> -> memref<1x1x1x8x128xf32, #tpu.memory_space<hbm>>
      %dma_wait3A_1430 = tpu.memref_squeeze %dma_wait3A_1429 : memref<1x1x1x8x128xf32, #tpu.memory_space<hbm>> -> memref<8x128xf32, #tpu.memory_space<hbm>>
      %dma_wait3A_1431 = arith.constant 0 : i32
      %dma_wait3A_1432 = arith.constant 0 : i32
      %dma_wait3A_1433 = tpu.memref_slice %arg4[%sub3A_1348, %dma_wait3A_1422, %add3A, %dma_wait3A_1431, %dma_wait3A_1432] : memref<200x8x32x8x128xf32, #tpu.memory_space<hbm>> -> memref<1x1x1x8x128xf32, #tpu.memory_space<hbm>>
      %dma_wait3A_1434 = tpu.memref_squeeze %dma_wait3A_1433 : memref<1x1x1x8x128xf32, #tpu.memory_space<hbm>> -> memref<8x128xf32, #tpu.memory_space<hbm>>
      %dma_wait3A_1435 = arith.constant 32 : i32
      %dma_wait3A_1436 = arith.constant 0 : i32
      %dma_wait3A_1437 = tpu.memref_slice %arg7[%dma_wait3A_1421, %dma_wait3A_1435, %dma_wait3A_1436] : memref<2x64x128xf32, #tpu.memory_space<vmem>> -> memref<1x8x128xf32, #tpu.memory_space<vmem>>
      %dma_wait3A_1438 = tpu.memref_squeeze %dma_wait3A_1437 : memref<1x8x128xf32, #tpu.memory_space<vmem>> -> memref<8x128xf32, #tpu.memory_space<vmem>>
      tpu.wait_dma2 semaphore(%arg10 : memref<!tpu.dma_semaphore, #tpu.memory_space<semaphore_mem>>) src(%dma_wait3A_1438 : memref<8x128xf32, #tpu.memory_space<vmem>>) dst(%dma_wait3A_1434 : memref<8x128xf32, #tpu.memory_space<hbm>>)
      %dma_wait3A_1439 = arith.constant 0 : i32
      %dma_wait3A_1440 = arith.constant 5 : i32
      %dma_wait3A_1441 = arith.constant 40 : i32
      %dma_wait3A_1442 = arith.constant 0 : i32
      %dma_wait3A_1443 = tpu.memref_slice %arg7[%dma_wait3A_1439, %dma_wait3A_1441, %dma_wait3A_1442] : memref<2x64x128xf32, #tpu.memory_space<vmem>> -> memref<1x8x128xf32, #tpu.memory_space<vmem>>
      %dma_wait3A_1444 = tpu.memref_squeeze %dma_wait3A_1443 : memref<1x8x128xf32, #tpu.memory_space<vmem>> -> memref<8x128xf32, #tpu.memory_space<vmem>>
      %dma_wait3A_1445 = arith.constant 0 : i32
      %dma_wait3A_1446 = arith.constant 0 : i32
      %dma_wait3A_1447 = tpu.memref_slice %arg4[%sub3A_1348, %dma_wait3A_1440, %add3A, %dma_wait3A_1445, %dma_wait3A_1446] : memref<200x8x32x8x128xf32, #tpu.memory_space<hbm>> -> memref<1x1x1x8x128xf32, #tpu.memory_space<hbm>>
      %dma_wait3A_1448 = tpu.memref_squeeze %dma_wait3A_1447 : memref<1x1x1x8x128xf32, #tpu.memory_space<hbm>> -> memref<8x128xf32, #tpu.memory_space<hbm>>
      %dma_wait3A_1449 = arith.constant 0 : i32
      %dma_wait3A_1450 = arith.constant 0 : i32
      %dma_wait3A_1451 = tpu.memref_slice %arg4[%sub3A_1348, %dma_wait3A_1440, %add3A, %dma_wait3A_1449, %dma_wait3A_1450] : memref<200x8x32x8x128xf32, #tpu.memory_space<hbm>> -> memref<1x1x1x8x128xf32, #tpu.memory_space<hbm>>
      %dma_wait3A_1452 = tpu.memref_squeeze %dma_wait3A_1451 : memref<1x1x1x8x128xf32, #tpu.memory_space<hbm>> -> memref<8x128xf32, #tpu.memory_space<hbm>>
      %dma_wait3A_1453 = arith.constant 40 : i32
      %dma_wait3A_1454 = arith.constant 0 : i32
      %dma_wait3A_1455 = tpu.memref_slice %arg7[%dma_wait3A_1439, %dma_wait3A_1453, %dma_wait3A_1454] : memref<2x64x128xf32, #tpu.memory_space<vmem>> -> memref<1x8x128xf32, #tpu.memory_space<vmem>>
      %dma_wait3A_1456 = tpu.memref_squeeze %dma_wait3A_1455 : memref<1x8x128xf32, #tpu.memory_space<vmem>> -> memref<8x128xf32, #tpu.memory_space<vmem>>
      tpu.wait_dma2 semaphore(%arg10 : memref<!tpu.dma_semaphore, #tpu.memory_space<semaphore_mem>>) src(%dma_wait3A_1456 : memref<8x128xf32, #tpu.memory_space<vmem>>) dst(%dma_wait3A_1452 : memref<8x128xf32, #tpu.memory_space<hbm>>)
      %dma_wait3A_1457 = arith.constant 0 : i32
      %dma_wait3A_1458 = arith.constant 6 : i32
      %dma_wait3A_1459 = arith.constant 48 : i32
      %dma_wait3A_1460 = arith.constant 0 : i32
      %dma_wait3A_1461 = tpu.memref_slice %arg7[%dma_wait3A_1457, %dma_wait3A_1459, %dma_wait3A_1460] : memref<2x64x128xf32, #tpu.memory_space<vmem>> -> memref<1x8x128xf32, #tpu.memory_space<vmem>>
      %dma_wait3A_1462 = tpu.memref_squeeze %dma_wait3A_1461 : memref<1x8x128xf32, #tpu.memory_space<vmem>> -> memref<8x128xf32, #tpu.memory_space<vmem>>
      %dma_wait3A_1463 = arith.constant 0 : i32
      %dma_wait3A_1464 = arith.constant 0 : i32
      %dma_wait3A_1465 = tpu.memref_slice %arg4[%sub3A_1348, %dma_wait3A_1458, %add3A, %dma_wait3A_1463, %dma_wait3A_1464] : memref<200x8x32x8x128xf32, #tpu.memory_space<hbm>> -> memref<1x1x1x8x128xf32, #tpu.memory_space<hbm>>
      %dma_wait3A_1466 = tpu.memref_squeeze %dma_wait3A_1465 : memref<1x1x1x8x128xf32, #tpu.memory_space<hbm>> -> memref<8x128xf32, #tpu.memory_space<hbm>>
      %dma_wait3A_1467 = arith.constant 0 : i32
      %dma_wait3A_1468 = arith.constant 0 : i32
      %dma_wait3A_1469 = tpu.memref_slice %arg4[%sub3A_1348, %dma_wait3A_1458, %add3A, %dma_wait3A_1467, %dma_wait3A_1468] : memref<200x8x32x8x128xf32, #tpu.memory_space<hbm>> -> memref<1x1x1x8x128xf32, #tpu.memory_space<hbm>>
      %dma_wait3A_1470 = tpu.memref_squeeze %dma_wait3A_1469 : memref<1x1x1x8x128xf32, #tpu.memory_space<hbm>> -> memref<8x128xf32, #tpu.memory_space<hbm>>
      %dma_wait3A_1471 = arith.constant 48 : i32
      %dma_wait3A_1472 = arith.constant 0 : i32
      %dma_wait3A_1473 = tpu.memref_slice %arg7[%dma_wait3A_1457, %dma_wait3A_1471, %dma_wait3A_1472] : memref<2x64x128xf32, #tpu.memory_space<vmem>> -> memref<1x8x128xf32, #tpu.memory_space<vmem>>
      %dma_wait3A_1474 = tpu.memref_squeeze %dma_wait3A_1473 : memref<1x8x128xf32, #tpu.memory_space<vmem>> -> memref<8x128xf32, #tpu.memory_space<vmem>>
      tpu.wait_dma2 semaphore(%arg10 : memref<!tpu.dma_semaphore, #tpu.memory_space<semaphore_mem>>) src(%dma_wait3A_1474 : memref<8x128xf32, #tpu.memory_space<vmem>>) dst(%dma_wait3A_1470 : memref<8x128xf32, #tpu.memory_space<hbm>>)
      %dma_wait3A_1475 = arith.constant 0 : i32
      %dma_wait3A_1476 = arith.constant 7 : i32
      %dma_wait3A_1477 = arith.constant 56 : i32
      %dma_wait3A_1478 = arith.constant 0 : i32
      %dma_wait3A_1479 = tpu.memref_slice %arg7[%dma_wait3A_1475, %dma_wait3A_1477, %dma_wait3A_1478] : memref<2x64x128xf32, #tpu.memory_space<vmem>> -> memref<1x8x128xf32, #tpu.memory_space<vmem>>
      %dma_wait3A_1480 = tpu.memref_squeeze %dma_wait3A_1479 : memref<1x8x128xf32, #tpu.memory_space<vmem>> -> memref<8x128xf32, #tpu.memory_space<vmem>>
      %dma_wait3A_1481 = arith.constant 0 : i32
      %dma_wait3A_1482 = arith.constant 0 : i32
      %dma_wait3A_1483 = tpu.memref_slice %arg4[%sub3A_1348, %dma_wait3A_1476, %add3A, %dma_wait3A_1481, %dma_wait3A_1482] : memref<200x8x32x8x128xf32, #tpu.memory_space<hbm>> -> memref<1x1x1x8x128xf32, #tpu.memory_space<hbm>>
      %dma_wait3A_1484 = tpu.memref_squeeze %dma_wait3A_1483 : memref<1x1x1x8x128xf32, #tpu.memory_space<hbm>> -> memref<8x128xf32, #tpu.memory_space<hbm>>
      %dma_wait3A_1485 = arith.constant 0 : i32
      %dma_wait3A_1486 = arith.constant 0 : i32
      %dma_wait3A_1487 = tpu.memref_slice %arg4[%sub3A_1348, %dma_wait3A_1476, %add3A, %dma_wait3A_1485, %dma_wait3A_1486] : memref<200x8x32x8x128xf32, #tpu.memory_space<hbm>> -> memref<1x1x1x8x128xf32, #tpu.memory_space<hbm>>
      %dma_wait3A_1488 = tpu.memref_squeeze %dma_wait3A_1487 : memref<1x1x1x8x128xf32, #tpu.memory_space<hbm>> -> memref<8x128xf32, #tpu.memory_space<hbm>>
      %dma_wait3A_1489 = arith.constant 56 : i32
      %dma_wait3A_1490 = arith.constant 0 : i32
      %dma_wait3A_1491 = tpu.memref_slice %arg7[%dma_wait3A_1475, %dma_wait3A_1489, %dma_wait3A_1490] : memref<2x64x128xf32, #tpu.memory_space<vmem>> -> memref<1x8x128xf32, #tpu.memory_space<vmem>>
      %dma_wait3A_1492 = tpu.memref_squeeze %dma_wait3A_1491 : memref<1x8x128xf32, #tpu.memory_space<vmem>> -> memref<8x128xf32, #tpu.memory_space<vmem>>
      tpu.wait_dma2 semaphore(%arg10 : memref<!tpu.dma_semaphore, #tpu.memory_space<semaphore_mem>>) src(%dma_wait3A_1492 : memref<8x128xf32, #tpu.memory_space<vmem>>) dst(%dma_wait3A_1488 : memref<8x128xf32, #tpu.memory_space<hbm>>)
      %add3A_1493 = arith.constant 1 : i32
      %add3A_1494 = arith.addi %add3A_1347, %add3A_1493 : i32
      %dma_start3A_1495 = arith.constant 1 : i32
      %dma_start3A_1496 = arith.constant 0 : i32
      %dma_start3A_1497 = arith.constant 0 : i32
      %dma_start3A_1498 = tpu.memref_slice %arg6[%dma_start3A_1495, %dma_start3A_1496, %dma_start3A_1497] : memref<2x128x128xf32, #tpu.memory_space<vmem>> -> memref<1x128x128xf32, #tpu.memory_space<vmem>>
      %dma_start3A_1499 = tpu.memref_squeeze %dma_start3A_1498 : memref<1x128x128xf32, #tpu.memory_space<vmem>> -> memref<128x128xf32, #tpu.memory_space<vmem>>
      %dma_start3A_1500 = arith.constant 0 : i32
      %dma_start3A_1501 = tpu.memref_slice %arg5[%add3A_1494, %dma_start3A_1500] : memref<200x128xi32, #tpu.memory_space<vmem>> -> memref<1x128xi32, #tpu.memory_space<vmem>>
      %dma_start3A_1502 = tpu.memref_squeeze %dma_start3A_1501 : memref<1x128xi32, #tpu.memory_space<vmem>> -> memref<128xi32, #tpu.memory_space<vmem>>
      %dma_start3A_1503 = arith.constant 0 : i32
      %dma_start3A_1504 = arith.constant 0 : i32
      %dma_start3A_1505 = tpu.memref_slice %arg2[%dma_start3A_1503, %dma_start3A_1504] : memref<1000000x128xf32, #tpu.memory_space<hbm>> -> memref<1000000x128xf32, #tpu.memory_space<hbm>>
      tpu.enqueue_indirect_dma source(%dma_start3A_1505 : memref<1000000x128xf32, #tpu.memory_space<hbm>>) target(%dma_start3A_1499 : memref<128x128xf32, #tpu.memory_space<vmem>>) offsets(%dma_start3A_1502 : memref<128xi32, #tpu.memory_space<vmem>>) semaphore(%arg9 : memref<!tpu.dma_semaphore, #tpu.memory_space<semaphore_mem>>)
      %dma_wait3A_1506 = arith.constant 0 : i32
      %dma_wait3A_1507 = arith.constant 0 : i32
      %dma_wait3A_1508 = arith.constant 0 : i32
      %dma_wait3A_1509 = tpu.memref_slice %arg6[%dma_wait3A_1506, %dma_wait3A_1507, %dma_wait3A_1508] : memref<2x128x128xf32, #tpu.memory_space<vmem>> -> memref<1x128x128xf32, #tpu.memory_space<vmem>>
      %dma_wait3A_1510 = tpu.memref_squeeze %dma_wait3A_1509 : memref<1x128x128xf32, #tpu.memory_space<vmem>> -> memref<128x128xf32, #tpu.memory_space<vmem>>
      %dma_wait3A_1511 = arith.constant 0 : i32
      %dma_wait3A_1512 = tpu.memref_slice %arg5[%add3A_1347, %dma_wait3A_1511] : memref<200x128xi32, #tpu.memory_space<vmem>> -> memref<1x128xi32, #tpu.memory_space<vmem>>
      %dma_wait3A_1513 = tpu.memref_squeeze %dma_wait3A_1512 : memref<1x128xi32, #tpu.memory_space<vmem>> -> memref<128xi32, #tpu.memory_space<vmem>>
      %dma_wait3A_1514 = arith.constant 0 : i32
      %dma_wait3A_1515 = arith.constant 0 : i32
      %dma_wait3A_1516 = tpu.memref_slice %arg2[%dma_wait3A_1514, %dma_wait3A_1515] : memref<1000000x128xf32, #tpu.memory_space<hbm>> -> memref<1000000x128xf32, #tpu.memory_space<hbm>>
      tpu.wait_indirect_dma semaphore(%arg8 : memref<!tpu.dma_semaphore, #tpu.memory_space<semaphore_mem>>) src(%dma_wait3A_1516 : memref<1000000x128xf32, #tpu.memory_space<hbm>>) dst(%dma_wait3A_1510 : memref<128x128xf32, #tpu.memory_space<vmem>>)
      %dma_start3A_1517 = arith.constant 0 : i32
      %dma_start3A_1518 = arith.constant 0 : i32
      %dma_start3A_1519 = arith.constant 0 : i32
      %dma_start3A_1520 = arith.constant 0 : i32
      %dma_start3A_1521 = tpu.memref_slice %arg7[%dma_start3A_1517, %dma_start3A_1519, %dma_start3A_1520] : memref<2x64x128xf32, #tpu.memory_space<vmem>> -> memref<1x8x128xf32, #tpu.memory_space<vmem>>
      %dma_start3A_1522 = tpu.memref_squeeze %dma_start3A_1521 : memref<1x8x128xf32, #tpu.memory_space<vmem>> -> memref<8x128xf32, #tpu.memory_space<vmem>>
      %dma_start3A_1523 = arith.constant 0 : i32
      %dma_start3A_1524 = arith.constant 0 : i32
      %dma_start3A_1525 = tpu.memref_slice %arg4[%add3A_1347, %dma_start3A_1518, %add3A, %dma_start3A_1523, %dma_start3A_1524] : memref<200x8x32x8x128xf32, #tpu.memory_space<hbm>> -> memref<1x1x1x8x128xf32, #tpu.memory_space<hbm>>
      %dma_start3A_1526 = tpu.memref_squeeze %dma_start3A_1525 : memref<1x1x1x8x128xf32, #tpu.memory_space<hbm>> -> memref<8x128xf32, #tpu.memory_space<hbm>>
      %dma_start3A_1527 = arith.constant 0 : i32
      %dma_start3A_1528 = arith.constant 0 : i32
      %dma_start3A_1529 = tpu.memref_slice %arg4[%add3A_1347, %dma_start3A_1518, %add3A, %dma_start3A_1527, %dma_start3A_1528] : memref<200x8x32x8x128xf32, #tpu.memory_space<hbm>> -> memref<1x1x1x8x128xf32, #tpu.memory_space<hbm>>
      %dma_start3A_1530 = tpu.memref_squeeze %dma_start3A_1529 : memref<1x1x1x8x128xf32, #tpu.memory_space<hbm>> -> memref<8x128xf32, #tpu.memory_space<hbm>>
      %dma_start3A_1531 = arith.constant 0 : i32
      %dma_start3A_1532 = arith.constant 0 : i32
      %dma_start3A_1533 = tpu.memref_slice %arg7[%dma_start3A_1517, %dma_start3A_1531, %dma_start3A_1532] : memref<2x64x128xf32, #tpu.memory_space<vmem>> -> memref<1x8x128xf32, #tpu.memory_space<vmem>>
      %dma_start3A_1534 = tpu.memref_squeeze %dma_start3A_1533 : memref<1x8x128xf32, #tpu.memory_space<vmem>> -> memref<8x128xf32, #tpu.memory_space<vmem>>
      tpu.enqueue_dma source(%dma_start3A_1534 : memref<8x128xf32, #tpu.memory_space<vmem>>) target(%dma_start3A_1530 : memref<8x128xf32, #tpu.memory_space<hbm>>) target_semaphore(%arg10 : memref<!tpu.dma_semaphore, #tpu.memory_space<semaphore_mem>>)
      %dma_start3A_1535 = arith.constant 0 : i32
      %dma_start3A_1536 = arith.constant 1 : i32
      %dma_start3A_1537 = arith.constant 8 : i32
      %dma_start3A_1538 = arith.constant 0 : i32
      %dma_start3A_1539 = tpu.memref_slice %arg7[%dma_start3A_1535, %dma_start3A_1537, %dma_start3A_1538] : memref<2x64x128xf32, #tpu.memory_space<vmem>> -> memref<1x8x128xf32, #tpu.memory_space<vmem>>
      %dma_start3A_1540 = tpu.memref_squeeze %dma_start3A_1539 : memref<1x8x128xf32, #tpu.memory_space<vmem>> -> memref<8x128xf32, #tpu.memory_space<vmem>>
      %dma_start3A_1541 = arith.constant 0 : i32
      %dma_start3A_1542 = arith.constant 0 : i32
      %dma_start3A_1543 = tpu.memref_slice %arg4[%add3A_1347, %dma_start3A_1536, %add3A, %dma_start3A_1541, %dma_start3A_1542] : memref<200x8x32x8x128xf32, #tpu.memory_space<hbm>> -> memref<1x1x1x8x128xf32, #tpu.memory_space<hbm>>
      %dma_start3A_1544 = tpu.memref_squeeze %dma_start3A_1543 : memref<1x1x1x8x128xf32, #tpu.memory_space<hbm>> -> memref<8x128xf32, #tpu.memory_space<hbm>>
      %dma_start3A_1545 = arith.constant 0 : i32
      %dma_start3A_1546 = arith.constant 0 : i32
      %dma_start3A_1547 = tpu.memref_slice %arg4[%add3A_1347, %dma_start3A_1536, %add3A, %dma_start3A_1545, %dma_start3A_1546] : memref<200x8x32x8x128xf32, #tpu.memory_space<hbm>> -> memref<1x1x1x8x128xf32, #tpu.memory_space<hbm>>
      %dma_start3A_1548 = tpu.memref_squeeze %dma_start3A_1547 : memref<1x1x1x8x128xf32, #tpu.memory_space<hbm>> -> memref<8x128xf32, #tpu.memory_space<hbm>>
      %dma_start3A_1549 = arith.constant 8 : i32
      %dma_start3A_1550 = arith.constant 0 : i32
      %dma_start3A_1551 = tpu.memref_slice %arg7[%dma_start3A_1535, %dma_start3A_1549, %dma_start3A_1550] : memref<2x64x128xf32, #tpu.memory_space<vmem>> -> memref<1x8x128xf32, #tpu.memory_space<vmem>>
      %dma_start3A_1552 = tpu.memref_squeeze %dma_start3A_1551 : memref<1x8x128xf32, #tpu.memory_space<vmem>> -> memref<8x128xf32, #tpu.memory_space<vmem>>
      tpu.enqueue_dma source(%dma_start3A_1552 : memref<8x128xf32, #tpu.memory_space<vmem>>) target(%dma_start3A_1548 : memref<8x128xf32, #tpu.memory_space<hbm>>) target_semaphore(%arg10 : memref<!tpu.dma_semaphore, #tpu.memory_space<semaphore_mem>>)
      %dma_start3A_1553 = arith.constant 0 : i32
      %dma_start3A_1554 = arith.constant 2 : i32
      %dma_start3A_1555 = arith.constant 16 : i32
      %dma_start3A_1556 = arith.constant 0 : i32
      %dma_start3A_1557 = tpu.memref_slice %arg7[%dma_start3A_1553, %dma_start3A_1555, %dma_start3A_1556] : memref<2x64x128xf32, #tpu.memory_space<vmem>> -> memref<1x8x128xf32, #tpu.memory_space<vmem>>
      %dma_start3A_1558 = tpu.memref_squeeze %dma_start3A_1557 : memref<1x8x128xf32, #tpu.memory_space<vmem>> -> memref<8x128xf32, #tpu.memory_space<vmem>>
      %dma_start3A_1559 = arith.constant 0 : i32
      %dma_start3A_1560 = arith.constant 0 : i32
      %dma_start3A_1561 = tpu.memref_slice %arg4[%add3A_1347, %dma_start3A_1554, %add3A, %dma_start3A_1559, %dma_start3A_1560] : memref<200x8x32x8x128xf32, #tpu.memory_space<hbm>> -> memref<1x1x1x8x128xf32, #tpu.memory_space<hbm>>
      %dma_start3A_1562 = tpu.memref_squeeze %dma_start3A_1561 : memref<1x1x1x8x128xf32, #tpu.memory_space<hbm>> -> memref<8x128xf32, #tpu.memory_space<hbm>>
      %dma_start3A_1563 = arith.constant 0 : i32
      %dma_start3A_1564 = arith.constant 0 : i32
      %dma_start3A_1565 = tpu.memref_slice %arg4[%add3A_1347, %dma_start3A_1554, %add3A, %dma_start3A_1563, %dma_start3A_1564] : memref<200x8x32x8x128xf32, #tpu.memory_space<hbm>> -> memref<1x1x1x8x128xf32, #tpu.memory_space<hbm>>
      %dma_start3A_1566 = tpu.memref_squeeze %dma_start3A_1565 : memref<1x1x1x8x128xf32, #tpu.memory_space<hbm>> -> memref<8x128xf32, #tpu.memory_space<hbm>>
      %dma_start3A_1567 = arith.constant 16 : i32
      %dma_start3A_1568 = arith.constant 0 : i32
      %dma_start3A_1569 = tpu.memref_slice %arg7[%dma_start3A_1553, %dma_start3A_1567, %dma_start3A_1568] : memref<2x64x128xf32, #tpu.memory_space<vmem>> -> memref<1x8x128xf32, #tpu.memory_space<vmem>>
      %dma_start3A_1570 = tpu.memref_squeeze %dma_start3A_1569 : memref<1x8x128xf32, #tpu.memory_space<vmem>> -> memref<8x128xf32, #tpu.memory_space<vmem>>
      tpu.enqueue_dma source(%dma_start3A_1570 : memref<8x128xf32, #tpu.memory_space<vmem>>) target(%dma_start3A_1566 : memref<8x128xf32, #tpu.memory_space<hbm>>) target_semaphore(%arg10 : memref<!tpu.dma_semaphore, #tpu.memory_space<semaphore_mem>>)
      %dma_start3A_1571 = arith.constant 0 : i32
      %dma_start3A_1572 = arith.constant 3 : i32
      %dma_start3A_1573 = arith.constant 24 : i32
      %dma_start3A_1574 = arith.constant 0 : i32
      %dma_start3A_1575 = tpu.memref_slice %arg7[%dma_start3A_1571, %dma_start3A_1573, %dma_start3A_1574] : memref<2x64x128xf32, #tpu.memory_space<vmem>> -> memref<1x8x128xf32, #tpu.memory_space<vmem>>
      %dma_start3A_1576 = tpu.memref_squeeze %dma_start3A_1575 : memref<1x8x128xf32, #tpu.memory_space<vmem>> -> memref<8x128xf32, #tpu.memory_space<vmem>>
      %dma_start3A_1577 = arith.constant 0 : i32
      %dma_start3A_1578 = arith.constant 0 : i32
      %dma_start3A_1579 = tpu.memref_slice %arg4[%add3A_1347, %dma_start3A_1572, %add3A, %dma_start3A_1577, %dma_start3A_1578] : memref<200x8x32x8x128xf32, #tpu.memory_space<hbm>> -> memref<1x1x1x8x128xf32, #tpu.memory_space<hbm>>
      %dma_start3A_1580 = tpu.memref_squeeze %dma_start3A_1579 : memref<1x1x1x8x128xf32, #tpu.memory_space<hbm>> -> memref<8x128xf32, #tpu.memory_space<hbm>>
      %dma_start3A_1581 = arith.constant 0 : i32
      %dma_start3A_1582 = arith.constant 0 : i32
      %dma_start3A_1583 = tpu.memref_slice %arg4[%add3A_1347, %dma_start3A_1572, %add3A, %dma_start3A_1581, %dma_start3A_1582] : memref<200x8x32x8x128xf32, #tpu.memory_space<hbm>> -> memref<1x1x1x8x128xf32, #tpu.memory_space<hbm>>
      %dma_start3A_1584 = tpu.memref_squeeze %dma_start3A_1583 : memref<1x1x1x8x128xf32, #tpu.memory_space<hbm>> -> memref<8x128xf32, #tpu.memory_space<hbm>>
      %dma_start3A_1585 = arith.constant 24 : i32
      %dma_start3A_1586 = arith.constant 0 : i32
      %dma_start3A_1587 = tpu.memref_slice %arg7[%dma_start3A_1571, %dma_start3A_1585, %dma_start3A_1586] : memref<2x64x128xf32, #tpu.memory_space<vmem>> -> memref<1x8x128xf32, #tpu.memory_space<vmem>>
      %dma_start3A_1588 = tpu.memref_squeeze %dma_start3A_1587 : memref<1x8x128xf32, #tpu.memory_space<vmem>> -> memref<8x128xf32, #tpu.memory_space<vmem>>
      tpu.enqueue_dma source(%dma_start3A_1588 : memref<8x128xf32, #tpu.memory_space<vmem>>) target(%dma_start3A_1584 : memref<8x128xf32, #tpu.memory_space<hbm>>) target_semaphore(%arg10 : memref<!tpu.dma_semaphore, #tpu.memory_space<semaphore_mem>>)
      %dma_start3A_1589 = arith.constant 0 : i32
      %dma_start3A_1590 = arith.constant 4 : i32
      %dma_start3A_1591 = arith.constant 32 : i32
      %dma_start3A_1592 = arith.constant 0 : i32
      %dma_start3A_1593 = tpu.memref_slice %arg7[%dma_start3A_1589, %dma_start3A_1591, %dma_start3A_1592] : memref<2x64x128xf32, #tpu.memory_space<vmem>> -> memref<1x8x128xf32, #tpu.memory_space<vmem>>
      %dma_start3A_1594 = tpu.memref_squeeze %dma_start3A_1593 : memref<1x8x128xf32, #tpu.memory_space<vmem>> -> memref<8x128xf32, #tpu.memory_space<vmem>>
      %dma_start3A_1595 = arith.constant 0 : i32
      %dma_start3A_1596 = arith.constant 0 : i32
      %dma_start3A_1597 = tpu.memref_slice %arg4[%add3A_1347, %dma_start3A_1590, %add3A, %dma_start3A_1595, %dma_start3A_1596] : memref<200x8x32x8x128xf32, #tpu.memory_space<hbm>> -> memref<1x1x1x8x128xf32, #tpu.memory_space<hbm>>
      %dma_start3A_1598 = tpu.memref_squeeze %dma_start3A_1597 : memref<1x1x1x8x128xf32, #tpu.memory_space<hbm>> -> memref<8x128xf32, #tpu.memory_space<hbm>>
      %dma_start3A_1599 = arith.constant 0 : i32
      %dma_start3A_1600 = arith.constant 0 : i32
      %dma_start3A_1601 = tpu.memref_slice %arg4[%add3A_1347, %dma_start3A_1590, %add3A, %dma_start3A_1599, %dma_start3A_1600] : memref<200x8x32x8x128xf32, #tpu.memory_space<hbm>> -> memref<1x1x1x8x128xf32, #tpu.memory_space<hbm>>
      %dma_start3A_1602 = tpu.memref_squeeze %dma_start3A_1601 : memref<1x1x1x8x128xf32, #tpu.memory_space<hbm>> -> memref<8x128xf32, #tpu.memory_space<hbm>>
      %dma_start3A_1603 = arith.constant 32 : i32
      %dma_start3A_1604 = arith.constant 0 : i32
      %dma_start3A_1605 = tpu.memref_slice %arg7[%dma_start3A_1589, %dma_start3A_1603, %dma_start3A_1604] : memref<2x64x128xf32, #tpu.memory_space<vmem>> -> memref<1x8x128xf32, #tpu.memory_space<vmem>>
      %dma_start3A_1606 = tpu.memref_squeeze %dma_start3A_1605 : memref<1x8x128xf32, #tpu.memory_space<vmem>> -> memref<8x128xf32, #tpu.memory_space<vmem>>
      tpu.enqueue_dma source(%dma_start3A_1606 : memref<8x128xf32, #tpu.memory_space<vmem>>) target(%dma_start3A_1602 : memref<8x128xf32, #tpu.memory_space<hbm>>) target_semaphore(%arg10 : memref<!tpu.dma_semaphore, #tpu.memory_space<semaphore_mem>>)
      %dma_start3A_1607 = arith.constant 0 : i32
      %dma_start3A_1608 = arith.constant 5 : i32
      %dma_start3A_1609 = arith.constant 40 : i32
      %dma_start3A_1610 = arith.constant 0 : i32
      %dma_start3A_1611 = tpu.memref_slice %arg7[%dma_start3A_1607, %dma_start3A_1609, %dma_start3A_1610] : memref<2x64x128xf32, #tpu.memory_space<vmem>> -> memref<1x8x128xf32, #tpu.memory_space<vmem>>
      %dma_start3A_1612 = tpu.memref_squeeze %dma_start3A_1611 : memref<1x8x128xf32, #tpu.memory_space<vmem>> -> memref<8x128xf32, #tpu.memory_space<vmem>>
      %dma_start3A_1613 = arith.constant 0 : i32
      %dma_start3A_1614 = arith.constant 0 : i32
      %dma_start3A_1615 = tpu.memref_slice %arg4[%add3A_1347, %dma_start3A_1608, %add3A, %dma_start3A_1613, %dma_start3A_1614] : memref<200x8x32x8x128xf32, #tpu.memory_space<hbm>> -> memref<1x1x1x8x128xf32, #tpu.memory_space<hbm>>
      %dma_start3A_1616 = tpu.memref_squeeze %dma_start3A_1615 : memref<1x1x1x8x128xf32, #tpu.memory_space<hbm>> -> memref<8x128xf32, #tpu.memory_space<hbm>>
      %dma_start3A_1617 = arith.constant 0 : i32
      %dma_start3A_1618 = arith.constant 0 : i32
      %dma_start3A_1619 = tpu.memref_slice %arg4[%add3A_1347, %dma_start3A_1608, %add3A, %dma_start3A_1617, %dma_start3A_1618] : memref<200x8x32x8x128xf32, #tpu.memory_space<hbm>> -> memref<1x1x1x8x128xf32, #tpu.memory_space<hbm>>
      %dma_start3A_1620 = tpu.memref_squeeze %dma_start3A_1619 : memref<1x1x1x8x128xf32, #tpu.memory_space<hbm>> -> memref<8x128xf32, #tpu.memory_space<hbm>>
      %dma_start3A_1621 = arith.constant 40 : i32
      %dma_start3A_1622 = arith.constant 0 : i32
      %dma_start3A_1623 = tpu.memref_slice %arg7[%dma_start3A_1607, %dma_start3A_1621, %dma_start3A_1622] : memref<2x64x128xf32, #tpu.memory_space<vmem>> -> memref<1x8x128xf32, #tpu.memory_space<vmem>>
      %dma_start3A_1624 = tpu.memref_squeeze %dma_start3A_1623 : memref<1x8x128xf32, #tpu.memory_space<vmem>> -> memref<8x128xf32, #tpu.memory_space<vmem>>
      tpu.enqueue_dma source(%dma_start3A_1624 : memref<8x128xf32, #tpu.memory_space<vmem>>) target(%dma_start3A_1620 : memref<8x128xf32, #tpu.memory_space<hbm>>) target_semaphore(%arg10 : memref<!tpu.dma_semaphore, #tpu.memory_space<semaphore_mem>>)
      %dma_start3A_1625 = arith.constant 0 : i32
      %dma_start3A_1626 = arith.constant 6 : i32
      %dma_start3A_1627 = arith.constant 48 : i32
      %dma_start3A_1628 = arith.constant 0 : i32
      %dma_start3A_1629 = tpu.memref_slice %arg7[%dma_start3A_1625, %dma_start3A_1627, %dma_start3A_1628] : memref<2x64x128xf32, #tpu.memory_space<vmem>> -> memref<1x8x128xf32, #tpu.memory_space<vmem>>
      %dma_start3A_1630 = tpu.memref_squeeze %dma_start3A_1629 : memref<1x8x128xf32, #tpu.memory_space<vmem>> -> memref<8x128xf32, #tpu.memory_space<vmem>>
      %dma_start3A_1631 = arith.constant 0 : i32
      %dma_start3A_1632 = arith.constant 0 : i32
      %dma_start3A_1633 = tpu.memref_slice %arg4[%add3A_1347, %dma_start3A_1626, %add3A, %dma_start3A_1631, %dma_start3A_1632] : memref<200x8x32x8x128xf32, #tpu.memory_space<hbm>> -> memref<1x1x1x8x128xf32, #tpu.memory_space<hbm>>
      %dma_start3A_1634 = tpu.memref_squeeze %dma_start3A_1633 : memref<1x1x1x8x128xf32, #tpu.memory_space<hbm>> -> memref<8x128xf32, #tpu.memory_space<hbm>>
      %dma_start3A_1635 = arith.constant 0 : i32
      %dma_start3A_1636 = arith.constant 0 : i32
      %dma_start3A_1637 = tpu.memref_slice %arg4[%add3A_1347, %dma_start3A_1626, %add3A, %dma_start3A_1635, %dma_start3A_1636] : memref<200x8x32x8x128xf32, #tpu.memory_space<hbm>> -> memref<1x1x1x8x128xf32, #tpu.memory_space<hbm>>
      %dma_start3A_1638 = tpu.memref_squeeze %dma_start3A_1637 : memref<1x1x1x8x128xf32, #tpu.memory_space<hbm>> -> memref<8x128xf32, #tpu.memory_space<hbm>>
      %dma_start3A_1639 = arith.constant 48 : i32
      %dma_start3A_1640 = arith.constant 0 : i32
      %dma_start3A_1641 = tpu.memref_slice %arg7[%dma_start3A_1625, %dma_start3A_1639, %dma_start3A_1640] : memref<2x64x128xf32, #tpu.memory_space<vmem>> -> memref<1x8x128xf32, #tpu.memory_space<vmem>>
      %dma_start3A_1642 = tpu.memref_squeeze %dma_start3A_1641 : memref<1x8x128xf32, #tpu.memory_space<vmem>> -> memref<8x128xf32, #tpu.memory_space<vmem>>
      tpu.enqueue_dma source(%dma_start3A_1642 : memref<8x128xf32, #tpu.memory_space<vmem>>) target(%dma_start3A_1638 : memref<8x128xf32, #tpu.memory_space<hbm>>) target_semaphore(%arg10 : memref<!tpu.dma_semaphore, #tpu.memory_space<semaphore_mem>>)
      %dma_start3A_1643 = arith.constant 0 : i32
      %dma_start3A_1644 = arith.constant 7 : i32
      %dma_start3A_1645 = arith.constant 56 : i32
      %dma_start3A_1646 = arith.constant 0 : i32
      %dma_start3A_1647 = tpu.memref_slice %arg7[%dma_start3A_1643, %dma_start3A_1645, %dma_start3A_1646] : memref<2x64x128xf32, #tpu.memory_space<vmem>> -> memref<1x8x128xf32, #tpu.memory_space<vmem>>
      %dma_start3A_1648 = tpu.memref_squeeze %dma_start3A_1647 : memref<1x8x128xf32, #tpu.memory_space<vmem>> -> memref<8x128xf32, #tpu.memory_space<vmem>>
      %dma_start3A_1649 = arith.constant 0 : i32
      %dma_start3A_1650 = arith.constant 0 : i32
      %dma_start3A_1651 = tpu.memref_slice %arg4[%add3A_1347, %dma_start3A_1644, %add3A, %dma_start3A_1649, %dma_start3A_1650] : memref<200x8x32x8x128xf32, #tpu.memory_space<hbm>> -> memref<1x1x1x8x128xf32, #tpu.memory_space<hbm>>
      %dma_start3A_1652 = tpu.memref_squeeze %dma_start3A_1651 : memref<1x1x1x8x128xf32, #tpu.memory_space<hbm>> -> memref<8x128xf32, #tpu.memory_space<hbm>>
      %dma_start3A_1653 = arith.constant 0 : i32
      %dma_start3A_1654 = arith.constant 0 : i32
      %dma_start3A_1655 = tpu.memref_slice %arg4[%add3A_1347, %dma_start3A_1644, %add3A, %dma_start3A_1653, %dma_start3A_1654] : memref<200x8x32x8x128xf32, #tpu.memory_space<hbm>> -> memref<1x1x1x8x128xf32, #tpu.memory_space<hbm>>
      %dma_start3A_1656 = tpu.memref_squeeze %dma_start3A_1655 : memref<1x1x1x8x128xf32, #tpu.memory_space<hbm>> -> memref<8x128xf32, #tpu.memory_space<hbm>>
      %dma_start3A_1657 = arith.constant 56 : i32
      %dma_start3A_1658 = arith.constant 0 : i32
      %dma_start3A_1659 = tpu.memref_slice %arg7[%dma_start3A_1643, %dma_start3A_1657, %dma_start3A_1658] : memref<2x64x128xf32, #tpu.memory_space<vmem>> -> memref<1x8x128xf32, #tpu.memory_space<vmem>>
      %dma_start3A_1660 = tpu.memref_squeeze %dma_start3A_1659 : memref<1x8x128xf32, #tpu.memory_space<vmem>> -> memref<8x128xf32, #tpu.memory_space<vmem>>
      tpu.enqueue_dma source(%dma_start3A_1660 : memref<8x128xf32, #tpu.memory_space<vmem>>) target(%dma_start3A_1656 : memref<8x128xf32, #tpu.memory_space<hbm>>) target_semaphore(%arg10 : memref<!tpu.dma_semaphore, #tpu.memory_space<semaphore_mem>>)
      %add3A_1661 = arith.constant 1 : i32
      %add3A_1662 = arith.addi %add3A_1347, %add3A_1661 : i32
      %sub3A_1663 = arith.constant 2 : i32
      %sub3A_1664 = arith.subi %add3A_1662, %sub3A_1663 : i32
      %dma_wait3A_1665 = arith.constant 1 : i32
      %dma_wait3A_1666 = arith.constant 0 : i32
      %dma_wait3A_1667 = arith.constant 0 : i32
      %dma_wait3A_1668 = arith.constant 0 : i32
      %dma_wait3A_1669 = tpu.memref_slice %arg7[%dma_wait3A_1665, %dma_wait3A_1667, %dma_wait3A_1668] : memref<2x64x128xf32, #tpu.memory_space<vmem>> -> memref<1x8x128xf32, #tpu.memory_space<vmem>>
      %dma_wait3A_1670 = tpu.memref_squeeze %dma_wait3A_1669 : memref<1x8x128xf32, #tpu.memory_space<vmem>> -> memref<8x128xf32, #tpu.memory_space<vmem>>
      %dma_wait3A_1671 = arith.constant 0 : i32
      %dma_wait3A_1672 = arith.constant 0 : i32
      %dma_wait3A_1673 = tpu.memref_slice %arg4[%sub3A_1664, %dma_wait3A_1666, %add3A, %dma_wait3A_1671, %dma_wait3A_1672] : memref<200x8x32x8x128xf32, #tpu.memory_space<hbm>> -> memref<1x1x1x8x128xf32, #tpu.memory_space<hbm>>
      %dma_wait3A_1674 = tpu.memref_squeeze %dma_wait3A_1673 : memref<1x1x1x8x128xf32, #tpu.memory_space<hbm>> -> memref<8x128xf32, #tpu.memory_space<hbm>>
      %dma_wait3A_1675 = arith.constant 0 : i32
      %dma_wait3A_1676 = arith.constant 0 : i32
      %dma_wait3A_1677 = tpu.memref_slice %arg4[%sub3A_1664, %dma_wait3A_1666, %add3A, %dma_wait3A_1675, %dma_wait3A_1676] : memref<200x8x32x8x128xf32, #tpu.memory_space<hbm>> -> memref<1x1x1x8x128xf32, #tpu.memory_space<hbm>>
      %dma_wait3A_1678 = tpu.memref_squeeze %dma_wait3A_1677 : memref<1x1x1x8x128xf32, #tpu.memory_space<hbm>> -> memref<8x128xf32, #tpu.memory_space<hbm>>
      %dma_wait3A_1679 = arith.constant 0 : i32
      %dma_wait3A_1680 = arith.constant 0 : i32
      %dma_wait3A_1681 = tpu.memref_slice %arg7[%dma_wait3A_1665, %dma_wait3A_1679, %dma_wait3A_1680] : memref<2x64x128xf32, #tpu.memory_space<vmem>> -> memref<1x8x128xf32, #tpu.memory_space<vmem>>
      %dma_wait3A_1682 = tpu.memref_squeeze %dma_wait3A_1681 : memref<1x8x128xf32, #tpu.memory_space<vmem>> -> memref<8x128xf32, #tpu.memory_space<vmem>>
      tpu.wait_dma2 semaphore(%arg10 : memref<!tpu.dma_semaphore, #tpu.memory_space<semaphore_mem>>) src(%dma_wait3A_1682 : memref<8x128xf32, #tpu.memory_space<vmem>>) dst(%dma_wait3A_1678 : memref<8x128xf32, #tpu.memory_space<hbm>>)
      %dma_wait3A_1683 = arith.constant 1 : i32
      %dma_wait3A_1684 = arith.constant 1 : i32
      %dma_wait3A_1685 = arith.constant 8 : i32
      %dma_wait3A_1686 = arith.constant 0 : i32
      %dma_wait3A_1687 = tpu.memref_slice %arg7[%dma_wait3A_1683, %dma_wait3A_1685, %dma_wait3A_1686] : memref<2x64x128xf32, #tpu.memory_space<vmem>> -> memref<1x8x128xf32, #tpu.memory_space<vmem>>
      %dma_wait3A_1688 = tpu.memref_squeeze %dma_wait3A_1687 : memref<1x8x128xf32, #tpu.memory_space<vmem>> -> memref<8x128xf32, #tpu.memory_space<vmem>>
      %dma_wait3A_1689 = arith.constant 0 : i32
      %dma_wait3A_1690 = arith.constant 0 : i32
      %dma_wait3A_1691 = tpu.memref_slice %arg4[%sub3A_1664, %dma_wait3A_1684, %add3A, %dma_wait3A_1689, %dma_wait3A_1690] : memref<200x8x32x8x128xf32, #tpu.memory_space<hbm>> -> memref<1x1x1x8x128xf32, #tpu.memory_space<hbm>>
      %dma_wait3A_1692 = tpu.memref_squeeze %dma_wait3A_1691 : memref<1x1x1x8x128xf32, #tpu.memory_space<hbm>> -> memref<8x128xf32, #tpu.memory_space<hbm>>
      %dma_wait3A_1693 = arith.constant 0 : i32
      %dma_wait3A_1694 = arith.constant 0 : i32
      %dma_wait3A_1695 = tpu.memref_slice %arg4[%sub3A_1664, %dma_wait3A_1684, %add3A, %dma_wait3A_1693, %dma_wait3A_1694] : memref<200x8x32x8x128xf32, #tpu.memory_space<hbm>> -> memref<1x1x1x8x128xf32, #tpu.memory_space<hbm>>
      %dma_wait3A_1696 = tpu.memref_squeeze %dma_wait3A_1695 : memref<1x1x1x8x128xf32, #tpu.memory_space<hbm>> -> memref<8x128xf32, #tpu.memory_space<hbm>>
      %dma_wait3A_1697 = arith.constant 8 : i32
      %dma_wait3A_1698 = arith.constant 0 : i32
      %dma_wait3A_1699 = tpu.memref_slice %arg7[%dma_wait3A_1683, %dma_wait3A_1697, %dma_wait3A_1698] : memref<2x64x128xf32, #tpu.memory_space<vmem>> -> memref<1x8x128xf32, #tpu.memory_space<vmem>>
      %dma_wait3A_1700 = tpu.memref_squeeze %dma_wait3A_1699 : memref<1x8x128xf32, #tpu.memory_space<vmem>> -> memref<8x128xf32, #tpu.memory_space<vmem>>
      tpu.wait_dma2 semaphore(%arg10 : memref<!tpu.dma_semaphore, #tpu.memory_space<semaphore_mem>>) src(%dma_wait3A_1700 : memref<8x128xf32, #tpu.memory_space<vmem>>) dst(%dma_wait3A_1696 : memref<8x128xf32, #tpu.memory_space<hbm>>)
      %dma_wait3A_1701 = arith.constant 1 : i32
      %dma_wait3A_1702 = arith.constant 2 : i32
      %dma_wait3A_1703 = arith.constant 16 : i32
      %dma_wait3A_1704 = arith.constant 0 : i32
      %dma_wait3A_1705 = tpu.memref_slice %arg7[%dma_wait3A_1701, %dma_wait3A_1703, %dma_wait3A_1704] : memref<2x64x128xf32, #tpu.memory_space<vmem>> -> memref<1x8x128xf32, #tpu.memory_space<vmem>>
      %dma_wait3A_1706 = tpu.memref_squeeze %dma_wait3A_1705 : memref<1x8x128xf32, #tpu.memory_space<vmem>> -> memref<8x128xf32, #tpu.memory_space<vmem>>
      %dma_wait3A_1707 = arith.constant 0 : i32
      %dma_wait3A_1708 = arith.constant 0 : i32
      %dma_wait3A_1709 = tpu.memref_slice %arg4[%sub3A_1664, %dma_wait3A_1702, %add3A, %dma_wait3A_1707, %dma_wait3A_1708] : memref<200x8x32x8x128xf32, #tpu.memory_space<hbm>> -> memref<1x1x1x8x128xf32, #tpu.memory_space<hbm>>
      %dma_wait3A_1710 = tpu.memref_squeeze %dma_wait3A_1709 : memref<1x1x1x8x128xf32, #tpu.memory_space<hbm>> -> memref<8x128xf32, #tpu.memory_space<hbm>>
      %dma_wait3A_1711 = arith.constant 0 : i32
      %dma_wait3A_1712 = arith.constant 0 : i32
      %dma_wait3A_1713 = tpu.memref_slice %arg4[%sub3A_1664, %dma_wait3A_1702, %add3A, %dma_wait3A_1711, %dma_wait3A_1712] : memref<200x8x32x8x128xf32, #tpu.memory_space<hbm>> -> memref<1x1x1x8x128xf32, #tpu.memory_space<hbm>>
      %dma_wait3A_1714 = tpu.memref_squeeze %dma_wait3A_1713 : memref<1x1x1x8x128xf32, #tpu.memory_space<hbm>> -> memref<8x128xf32, #tpu.memory_space<hbm>>
      %dma_wait3A_1715 = arith.constant 16 : i32
      %dma_wait3A_1716 = arith.constant 0 : i32
      %dma_wait3A_1717 = tpu.memref_slice %arg7[%dma_wait3A_1701, %dma_wait3A_1715, %dma_wait3A_1716] : memref<2x64x128xf32, #tpu.memory_space<vmem>> -> memref<1x8x128xf32, #tpu.memory_space<vmem>>
      %dma_wait3A_1718 = tpu.memref_squeeze %dma_wait3A_1717 : memref<1x8x128xf32, #tpu.memory_space<vmem>> -> memref<8x128xf32, #tpu.memory_space<vmem>>
      tpu.wait_dma2 semaphore(%arg10 : memref<!tpu.dma_semaphore, #tpu.memory_space<semaphore_mem>>) src(%dma_wait3A_1718 : memref<8x128xf32, #tpu.memory_space<vmem>>) dst(%dma_wait3A_1714 : memref<8x128xf32, #tpu.memory_space<hbm>>)
      %dma_wait3A_1719 = arith.constant 1 : i32
      %dma_wait3A_1720 = arith.constant 3 : i32
      %dma_wait3A_1721 = arith.constant 24 : i32
      %dma_wait3A_1722 = arith.constant 0 : i32
      %dma_wait3A_1723 = tpu.memref_slice %arg7[%dma_wait3A_1719, %dma_wait3A_1721, %dma_wait3A_1722] : memref<2x64x128xf32, #tpu.memory_space<vmem>> -> memref<1x8x128xf32, #tpu.memory_space<vmem>>
      %dma_wait3A_1724 = tpu.memref_squeeze %dma_wait3A_1723 : memref<1x8x128xf32, #tpu.memory_space<vmem>> -> memref<8x128xf32, #tpu.memory_space<vmem>>
      %dma_wait3A_1725 = arith.constant 0 : i32
      %dma_wait3A_1726 = arith.constant 0 : i32
      %dma_wait3A_1727 = tpu.memref_slice %arg4[%sub3A_1664, %dma_wait3A_1720, %add3A, %dma_wait3A_1725, %dma_wait3A_1726] : memref<200x8x32x8x128xf32, #tpu.memory_space<hbm>> -> memref<1x1x1x8x128xf32, #tpu.memory_space<hbm>>
      %dma_wait3A_1728 = tpu.memref_squeeze %dma_wait3A_1727 : memref<1x1x1x8x128xf32, #tpu.memory_space<hbm>> -> memref<8x128xf32, #tpu.memory_space<hbm>>
      %dma_wait3A_1729 = arith.constant 0 : i32
      %dma_wait3A_1730 = arith.constant 0 : i32
      %dma_wait3A_1731 = tpu.memref_slice %arg4[%sub3A_1664, %dma_wait3A_1720, %add3A, %dma_wait3A_1729, %dma_wait3A_1730] : memref<200x8x32x8x128xf32, #tpu.memory_space<hbm>> -> memref<1x1x1x8x128xf32, #tpu.memory_space<hbm>>
      %dma_wait3A_1732 = tpu.memref_squeeze %dma_wait3A_1731 : memref<1x1x1x8x128xf32, #tpu.memory_space<hbm>> -> memref<8x128xf32, #tpu.memory_space<hbm>>
      %dma_wait3A_1733 = arith.constant 24 : i32
      %dma_wait3A_1734 = arith.constant 0 : i32
      %dma_wait3A_1735 = tpu.memref_slice %arg7[%dma_wait3A_1719, %dma_wait3A_1733, %dma_wait3A_1734] : memref<2x64x128xf32, #tpu.memory_space<vmem>> -> memref<1x8x128xf32, #tpu.memory_space<vmem>>
      %dma_wait3A_1736 = tpu.memref_squeeze %dma_wait3A_1735 : memref<1x8x128xf32, #tpu.memory_space<vmem>> -> memref<8x128xf32, #tpu.memory_space<vmem>>
      tpu.wait_dma2 semaphore(%arg10 : memref<!tpu.dma_semaphore, #tpu.memory_space<semaphore_mem>>) src(%dma_wait3A_1736 : memref<8x128xf32, #tpu.memory_space<vmem>>) dst(%dma_wait3A_1732 : memref<8x128xf32, #tpu.memory_space<hbm>>)
      %dma_wait3A_1737 = arith.constant 1 : i32
      %dma_wait3A_1738 = arith.constant 4 : i32
      %dma_wait3A_1739 = arith.constant 32 : i32
      %dma_wait3A_1740 = arith.constant 0 : i32
      %dma_wait3A_1741 = tpu.memref_slice %arg7[%dma_wait3A_1737, %dma_wait3A_1739, %dma_wait3A_1740] : memref<2x64x128xf32, #tpu.memory_space<vmem>> -> memref<1x8x128xf32, #tpu.memory_space<vmem>>
      %dma_wait3A_1742 = tpu.memref_squeeze %dma_wait3A_1741 : memref<1x8x128xf32, #tpu.memory_space<vmem>> -> memref<8x128xf32, #tpu.memory_space<vmem>>
      %dma_wait3A_1743 = arith.constant 0 : i32
      %dma_wait3A_1744 = arith.constant 0 : i32
      %dma_wait3A_1745 = tpu.memref_slice %arg4[%sub3A_1664, %dma_wait3A_1738, %add3A, %dma_wait3A_1743, %dma_wait3A_1744] : memref<200x8x32x8x128xf32, #tpu.memory_space<hbm>> -> memref<1x1x1x8x128xf32, #tpu.memory_space<hbm>>
      %dma_wait3A_1746 = tpu.memref_squeeze %dma_wait3A_1745 : memref<1x1x1x8x128xf32, #tpu.memory_space<hbm>> -> memref<8x128xf32, #tpu.memory_space<hbm>>
      %dma_wait3A_1747 = arith.constant 0 : i32
      %dma_wait3A_1748 = arith.constant 0 : i32
      %dma_wait3A_1749 = tpu.memref_slice %arg4[%sub3A_1664, %dma_wait3A_1738, %add3A, %dma_wait3A_1747, %dma_wait3A_1748] : memref<200x8x32x8x128xf32, #tpu.memory_space<hbm>> -> memref<1x1x1x8x128xf32, #tpu.memory_space<hbm>>
      %dma_wait3A_1750 = tpu.memref_squeeze %dma_wait3A_1749 : memref<1x1x1x8x128xf32, #tpu.memory_space<hbm>> -> memref<8x128xf32, #tpu.memory_space<hbm>>
      %dma_wait3A_1751 = arith.constant 32 : i32
      %dma_wait3A_1752 = arith.constant 0 : i32
      %dma_wait3A_1753 = tpu.memref_slice %arg7[%dma_wait3A_1737, %dma_wait3A_1751, %dma_wait3A_1752] : memref<2x64x128xf32, #tpu.memory_space<vmem>> -> memref<1x8x128xf32, #tpu.memory_space<vmem>>
      %dma_wait3A_1754 = tpu.memref_squeeze %dma_wait3A_1753 : memref<1x8x128xf32, #tpu.memory_space<vmem>> -> memref<8x128xf32, #tpu.memory_space<vmem>>
      tpu.wait_dma2 semaphore(%arg10 : memref<!tpu.dma_semaphore, #tpu.memory_space<semaphore_mem>>) src(%dma_wait3A_1754 : memref<8x128xf32, #tpu.memory_space<vmem>>) dst(%dma_wait3A_1750 : memref<8x128xf32, #tpu.memory_space<hbm>>)
      %dma_wait3A_1755 = arith.constant 1 : i32
      %dma_wait3A_1756 = arith.constant 5 : i32
      %dma_wait3A_1757 = arith.constant 40 : i32
      %dma_wait3A_1758 = arith.constant 0 : i32
      %dma_wait3A_1759 = tpu.memref_slice %arg7[%dma_wait3A_1755, %dma_wait3A_1757, %dma_wait3A_1758] : memref<2x64x128xf32, #tpu.memory_space<vmem>> -> memref<1x8x128xf32, #tpu.memory_space<vmem>>
      %dma_wait3A_1760 = tpu.memref_squeeze %dma_wait3A_1759 : memref<1x8x128xf32, #tpu.memory_space<vmem>> -> memref<8x128xf32, #tpu.memory_space<vmem>>
      %dma_wait3A_1761 = arith.constant 0 : i32
      %dma_wait3A_1762 = arith.constant 0 : i32
      %dma_wait3A_1763 = tpu.memref_slice %arg4[%sub3A_1664, %dma_wait3A_1756, %add3A, %dma_wait3A_1761, %dma_wait3A_1762] : memref<200x8x32x8x128xf32, #tpu.memory_space<hbm>> -> memref<1x1x1x8x128xf32, #tpu.memory_space<hbm>>
      %dma_wait3A_1764 = tpu.memref_squeeze %dma_wait3A_1763 : memref<1x1x1x8x128xf32, #tpu.memory_space<hbm>> -> memref<8x128xf32, #tpu.memory_space<hbm>>
      %dma_wait3A_1765 = arith.constant 0 : i32
      %dma_wait3A_1766 = arith.constant 0 : i32
      %dma_wait3A_1767 = tpu.memref_slice %arg4[%sub3A_1664, %dma_wait3A_1756, %add3A, %dma_wait3A_1765, %dma_wait3A_1766] : memref<200x8x32x8x128xf32, #tpu.memory_space<hbm>> -> memref<1x1x1x8x128xf32, #tpu.memory_space<hbm>>
      %dma_wait3A_1768 = tpu.memref_squeeze %dma_wait3A_1767 : memref<1x1x1x8x128xf32, #tpu.memory_space<hbm>> -> memref<8x128xf32, #tpu.memory_space<hbm>>
      %dma_wait3A_1769 = arith.constant 40 : i32
      %dma_wait3A_1770 = arith.constant 0 : i32
      %dma_wait3A_1771 = tpu.memref_slice %arg7[%dma_wait3A_1755, %dma_wait3A_1769, %dma_wait3A_1770] : memref<2x64x128xf32, #tpu.memory_space<vmem>> -> memref<1x8x128xf32, #tpu.memory_space<vmem>>
      %dma_wait3A_1772 = tpu.memref_squeeze %dma_wait3A_1771 : memref<1x8x128xf32, #tpu.memory_space<vmem>> -> memref<8x128xf32, #tpu.memory_space<vmem>>
      tpu.wait_dma2 semaphore(%arg10 : memref<!tpu.dma_semaphore, #tpu.memory_space<semaphore_mem>>) src(%dma_wait3A_1772 : memref<8x128xf32, #tpu.memory_space<vmem>>) dst(%dma_wait3A_1768 : memref<8x128xf32, #tpu.memory_space<hbm>>)
      %dma_wait3A_1773 = arith.constant 1 : i32
      %dma_wait3A_1774 = arith.constant 6 : i32
      %dma_wait3A_1775 = arith.constant 48 : i32
      %dma_wait3A_1776 = arith.constant 0 : i32
      %dma_wait3A_1777 = tpu.memref_slice %arg7[%dma_wait3A_1773, %dma_wait3A_1775, %dma_wait3A_1776] : memref<2x64x128xf32, #tpu.memory_space<vmem>> -> memref<1x8x128xf32, #tpu.memory_space<vmem>>
      %dma_wait3A_1778 = tpu.memref_squeeze %dma_wait3A_1777 : memref<1x8x128xf32, #tpu.memory_space<vmem>> -> memref<8x128xf32, #tpu.memory_space<vmem>>
      %dma_wait3A_1779 = arith.constant 0 : i32
      %dma_wait3A_1780 = arith.constant 0 : i32
      %dma_wait3A_1781 = tpu.memref_slice %arg4[%sub3A_1664, %dma_wait3A_1774, %add3A, %dma_wait3A_1779, %dma_wait3A_1780] : memref<200x8x32x8x128xf32, #tpu.memory_space<hbm>> -> memref<1x1x1x8x128xf32, #tpu.memory_space<hbm>>
      %dma_wait3A_1782 = tpu.memref_squeeze %dma_wait3A_1781 : memref<1x1x1x8x128xf32, #tpu.memory_space<hbm>> -> memref<8x128xf32, #tpu.memory_space<hbm>>
      %dma_wait3A_1783 = arith.constant 0 : i32
      %dma_wait3A_1784 = arith.constant 0 : i32
      %dma_wait3A_1785 = tpu.memref_slice %arg4[%sub3A_1664, %dma_wait3A_1774, %add3A, %dma_wait3A_1783, %dma_wait3A_1784] : memref<200x8x32x8x128xf32, #tpu.memory_space<hbm>> -> memref<1x1x1x8x128xf32, #tpu.memory_space<hbm>>
      %dma_wait3A_1786 = tpu.memref_squeeze %dma_wait3A_1785 : memref<1x1x1x8x128xf32, #tpu.memory_space<hbm>> -> memref<8x128xf32, #tpu.memory_space<hbm>>
      %dma_wait3A_1787 = arith.constant 48 : i32
      %dma_wait3A_1788 = arith.constant 0 : i32
      %dma_wait3A_1789 = tpu.memref_slice %arg7[%dma_wait3A_1773, %dma_wait3A_1787, %dma_wait3A_1788] : memref<2x64x128xf32, #tpu.memory_space<vmem>> -> memref<1x8x128xf32, #tpu.memory_space<vmem>>
      %dma_wait3A_1790 = tpu.memref_squeeze %dma_wait3A_1789 : memref<1x8x128xf32, #tpu.memory_space<vmem>> -> memref<8x128xf32, #tpu.memory_space<vmem>>
      tpu.wait_dma2 semaphore(%arg10 : memref<!tpu.dma_semaphore, #tpu.memory_space<semaphore_mem>>) src(%dma_wait3A_1790 : memref<8x128xf32, #tpu.memory_space<vmem>>) dst(%dma_wait3A_1786 : memref<8x128xf32, #tpu.memory_space<hbm>>)
      %dma_wait3A_1791 = arith.constant 1 : i32
      %dma_wait3A_1792 = arith.constant 7 : i32
      %dma_wait3A_1793 = arith.constant 56 : i32
      %dma_wait3A_1794 = arith.constant 0 : i32
      %dma_wait3A_1795 = tpu.memref_slice %arg7[%dma_wait3A_1791, %dma_wait3A_1793, %dma_wait3A_1794] : memref<2x64x128xf32, #tpu.memory_space<vmem>> -> memref<1x8x128xf32, #tpu.memory_space<vmem>>
      %dma_wait3A_1796 = tpu.memref_squeeze %dma_wait3A_1795 : memref<1x8x128xf32, #tpu.memory_space<vmem>> -> memref<8x128xf32, #tpu.memory_space<vmem>>
      %dma_wait3A_1797 = arith.constant 0 : i32
      %dma_wait3A_1798 = arith.constant 0 : i32
      %dma_wait3A_1799 = tpu.memref_slice %arg4[%sub3A_1664, %dma_wait3A_1792, %add3A, %dma_wait3A_1797, %dma_wait3A_1798] : memref<200x8x32x8x128xf32, #tpu.memory_space<hbm>> -> memref<1x1x1x8x128xf32, #tpu.memory_space<hbm>>
      %dma_wait3A_1800 = tpu.memref_squeeze %dma_wait3A_1799 : memref<1x1x1x8x128xf32, #tpu.memory_space<hbm>> -> memref<8x128xf32, #tpu.memory_space<hbm>>
      %dma_wait3A_1801 = arith.constant 0 : i32
      %dma_wait3A_1802 = arith.constant 0 : i32
      %dma_wait3A_1803 = tpu.memref_slice %arg4[%sub3A_1664, %dma_wait3A_1792, %add3A, %dma_wait3A_1801, %dma_wait3A_1802] : memref<200x8x32x8x128xf32, #tpu.memory_space<hbm>> -> memref<1x1x1x8x128xf32, #tpu.memory_space<hbm>>
      %dma_wait3A_1804 = tpu.memref_squeeze %dma_wait3A_1803 : memref<1x1x1x8x128xf32, #tpu.memory_space<hbm>> -> memref<8x128xf32, #tpu.memory_space<hbm>>
      %dma_wait3A_1805 = arith.constant 56 : i32
      %dma_wait3A_1806 = arith.constant 0 : i32
      %dma_wait3A_1807 = tpu.memref_slice %arg7[%dma_wait3A_1791, %dma_wait3A_1805, %dma_wait3A_1806] : memref<2x64x128xf32, #tpu.memory_space<vmem>> -> memref<1x8x128xf32, #tpu.memory_space<vmem>>
      %dma_wait3A_1808 = tpu.memref_squeeze %dma_wait3A_1807 : memref<1x8x128xf32, #tpu.memory_space<vmem>> -> memref<8x128xf32, #tpu.memory_space<vmem>>
      tpu.wait_dma2 semaphore(%arg10 : memref<!tpu.dma_semaphore, #tpu.memory_space<semaphore_mem>>) src(%dma_wait3A_1808 : memref<8x128xf32, #tpu.memory_space<vmem>>) dst(%dma_wait3A_1804 : memref<8x128xf32, #tpu.memory_space<hbm>>)
      %add3A_1809 = arith.constant 1 : i32
      %add3A_1810 = arith.addi %add3A_1662, %add3A_1809 : i32
      %dma_start3A_1811 = arith.constant 0 : i32
      %dma_start3A_1812 = arith.constant 0 : i32
      %dma_start3A_1813 = arith.constant 0 : i32
      %dma_start3A_1814 = tpu.memref_slice %arg6[%dma_start3A_1811, %dma_start3A_1812, %dma_start3A_1813] : memref<2x128x128xf32, #tpu.memory_space<vmem>> -> memref<1x128x128xf32, #tpu.memory_space<vmem>>
      %dma_start3A_1815 = tpu.memref_squeeze %dma_start3A_1814 : memref<1x128x128xf32, #tpu.memory_space<vmem>> -> memref<128x128xf32, #tpu.memory_space<vmem>>
      %dma_start3A_1816 = arith.constant 0 : i32
      %dma_start3A_1817 = tpu.memref_slice %arg5[%add3A_1810, %dma_start3A_1816] : memref<200x128xi32, #tpu.memory_space<vmem>> -> memref<1x128xi32, #tpu.memory_space<vmem>>
      %dma_start3A_1818 = tpu.memref_squeeze %dma_start3A_1817 : memref<1x128xi32, #tpu.memory_space<vmem>> -> memref<128xi32, #tpu.memory_space<vmem>>
      %dma_start3A_1819 = arith.constant 0 : i32
      %dma_start3A_1820 = arith.constant 0 : i32
      %dma_start3A_1821 = tpu.memref_slice %arg2[%dma_start3A_1819, %dma_start3A_1820] : memref<1000000x128xf32, #tpu.memory_space<hbm>> -> memref<1000000x128xf32, #tpu.memory_space<hbm>>
      tpu.enqueue_indirect_dma source(%dma_start3A_1821 : memref<1000000x128xf32, #tpu.memory_space<hbm>>) target(%dma_start3A_1815 : memref<128x128xf32, #tpu.memory_space<vmem>>) offsets(%dma_start3A_1818 : memref<128xi32, #tpu.memory_space<vmem>>) semaphore(%arg8 : memref<!tpu.dma_semaphore, #tpu.memory_space<semaphore_mem>>)
      %dma_wait3A_1822 = arith.constant 1 : i32
      %dma_wait3A_1823 = arith.constant 0 : i32
      %dma_wait3A_1824 = arith.constant 0 : i32
      %dma_wait3A_1825 = tpu.memref_slice %arg6[%dma_wait3A_1822, %dma_wait3A_1823, %dma_wait3A_1824] : memref<2x128x128xf32, #tpu.memory_space<vmem>> -> memref<1x128x128xf32, #tpu.memory_space<vmem>>
      %dma_wait3A_1826 = tpu.memref_squeeze %dma_wait3A_1825 : memref<1x128x128xf32, #tpu.memory_space<vmem>> -> memref<128x128xf32, #tpu.memory_space<vmem>>
      %dma_wait3A_1827 = arith.constant 0 : i32
      %dma_wait3A_1828 = tpu.memref_slice %arg5[%add3A_1662, %dma_wait3A_1827] : memref<200x128xi32, #tpu.memory_space<vmem>> -> memref<1x128xi32, #tpu.memory_space<vmem>>
      %dma_wait3A_1829 = tpu.memref_squeeze %dma_wait3A_1828 : memref<1x128xi32, #tpu.memory_space<vmem>> -> memref<128xi32, #tpu.memory_space<vmem>>
      %dma_wait3A_1830 = arith.constant 0 : i32
      %dma_wait3A_1831 = arith.constant 0 : i32
      %dma_wait3A_1832 = tpu.memref_slice %arg2[%dma_wait3A_1830, %dma_wait3A_1831] : memref<1000000x128xf32, #tpu.memory_space<hbm>> -> memref<1000000x128xf32, #tpu.memory_space<hbm>>
      tpu.wait_indirect_dma semaphore(%arg9 : memref<!tpu.dma_semaphore, #tpu.memory_space<semaphore_mem>>) src(%dma_wait3A_1832 : memref<1000000x128xf32, #tpu.memory_space<hbm>>) dst(%dma_wait3A_1826 : memref<128x128xf32, #tpu.memory_space<vmem>>)
      %dma_start3A_1833 = arith.constant 1 : i32
      %dma_start3A_1834 = arith.constant 0 : i32
      %dma_start3A_1835 = arith.constant 0 : i32
      %dma_start3A_1836 = arith.constant 0 : i32
      %dma_start3A_1837 = tpu.memref_slice %arg7[%dma_start3A_1833, %dma_start3A_1835, %dma_start3A_1836] : memref<2x64x128xf32, #tpu.memory_space<vmem>> -> memref<1x8x128xf32, #tpu.memory_space<vmem>>
      %dma_start3A_1838 = tpu.memref_squeeze %dma_start3A_1837 : memref<1x8x128xf32, #tpu.memory_space<vmem>> -> memref<8x128xf32, #tpu.memory_space<vmem>>
      %dma_start3A_1839 = arith.constant 0 : i32
      %dma_start3A_1840 = arith.constant 0 : i32
      %dma_start3A_1841 = tpu.memref_slice %arg4[%add3A_1662, %dma_start3A_1834, %add3A, %dma_start3A_1839, %dma_start3A_1840] : memref<200x8x32x8x128xf32, #tpu.memory_space<hbm>> -> memref<1x1x1x8x128xf32, #tpu.memory_space<hbm>>
      %dma_start3A_1842 = tpu.memref_squeeze %dma_start3A_1841 : memref<1x1x1x8x128xf32, #tpu.memory_space<hbm>> -> memref<8x128xf32, #tpu.memory_space<hbm>>
      %dma_start3A_1843 = arith.constant 0 : i32
      %dma_start3A_1844 = arith.constant 0 : i32
      %dma_start3A_1845 = tpu.memref_slice %arg4[%add3A_1662, %dma_start3A_1834, %add3A, %dma_start3A_1843, %dma_start3A_1844] : memref<200x8x32x8x128xf32, #tpu.memory_space<hbm>> -> memref<1x1x1x8x128xf32, #tpu.memory_space<hbm>>
      %dma_start3A_1846 = tpu.memref_squeeze %dma_start3A_1845 : memref<1x1x1x8x128xf32, #tpu.memory_space<hbm>> -> memref<8x128xf32, #tpu.memory_space<hbm>>
      %dma_start3A_1847 = arith.constant 0 : i32
      %dma_start3A_1848 = arith.constant 0 : i32
      %dma_start3A_1849 = tpu.memref_slice %arg7[%dma_start3A_1833, %dma_start3A_1847, %dma_start3A_1848] : memref<2x64x128xf32, #tpu.memory_space<vmem>> -> memref<1x8x128xf32, #tpu.memory_space<vmem>>
      %dma_start3A_1850 = tpu.memref_squeeze %dma_start3A_1849 : memref<1x8x128xf32, #tpu.memory_space<vmem>> -> memref<8x128xf32, #tpu.memory_space<vmem>>
      tpu.enqueue_dma source(%dma_start3A_1850 : memref<8x128xf32, #tpu.memory_space<vmem>>) target(%dma_start3A_1846 : memref<8x128xf32, #tpu.memory_space<hbm>>) target_semaphore(%arg10 : memref<!tpu.dma_semaphore, #tpu.memory_space<semaphore_mem>>)
      %dma_start3A_1851 = arith.constant 1 : i32
      %dma_start3A_1852 = arith.constant 1 : i32
      %dma_start3A_1853 = arith.constant 8 : i32
      %dma_start3A_1854 = arith.constant 0 : i32
      %dma_start3A_1855 = tpu.memref_slice %arg7[%dma_start3A_1851, %dma_start3A_1853, %dma_start3A_1854] : memref<2x64x128xf32, #tpu.memory_space<vmem>> -> memref<1x8x128xf32, #tpu.memory_space<vmem>>
      %dma_start3A_1856 = tpu.memref_squeeze %dma_start3A_1855 : memref<1x8x128xf32, #tpu.memory_space<vmem>> -> memref<8x128xf32, #tpu.memory_space<vmem>>
      %dma_start3A_1857 = arith.constant 0 : i32
      %dma_start3A_1858 = arith.constant 0 : i32
      %dma_start3A_1859 = tpu.memref_slice %arg4[%add3A_1662, %dma_start3A_1852, %add3A, %dma_start3A_1857, %dma_start3A_1858] : memref<200x8x32x8x128xf32, #tpu.memory_space<hbm>> -> memref<1x1x1x8x128xf32, #tpu.memory_space<hbm>>
      %dma_start3A_1860 = tpu.memref_squeeze %dma_start3A_1859 : memref<1x1x1x8x128xf32, #tpu.memory_space<hbm>> -> memref<8x128xf32, #tpu.memory_space<hbm>>
      %dma_start3A_1861 = arith.constant 0 : i32
      %dma_start3A_1862 = arith.constant 0 : i32
      %dma_start3A_1863 = tpu.memref_slice %arg4[%add3A_1662, %dma_start3A_1852, %add3A, %dma_start3A_1861, %dma_start3A_1862] : memref<200x8x32x8x128xf32, #tpu.memory_space<hbm>> -> memref<1x1x1x8x128xf32, #tpu.memory_space<hbm>>
      %dma_start3A_1864 = tpu.memref_squeeze %dma_start3A_1863 : memref<1x1x1x8x128xf32, #tpu.memory_space<hbm>> -> memref<8x128xf32, #tpu.memory_space<hbm>>
      %dma_start3A_1865 = arith.constant 8 : i32
      %dma_start3A_1866 = arith.constant 0 : i32
      %dma_start3A_1867 = tpu.memref_slice %arg7[%dma_start3A_1851, %dma_start3A_1865, %dma_start3A_1866] : memref<2x64x128xf32, #tpu.memory_space<vmem>> -> memref<1x8x128xf32, #tpu.memory_space<vmem>>
      %dma_start3A_1868 = tpu.memref_squeeze %dma_start3A_1867 : memref<1x8x128xf32, #tpu.memory_space<vmem>> -> memref<8x128xf32, #tpu.memory_space<vmem>>
      tpu.enqueue_dma source(%dma_start3A_1868 : memref<8x128xf32, #tpu.memory_space<vmem>>) target(%dma_start3A_1864 : memref<8x128xf32, #tpu.memory_space<hbm>>) target_semaphore(%arg10 : memref<!tpu.dma_semaphore, #tpu.memory_space<semaphore_mem>>)
      %dma_start3A_1869 = arith.constant 1 : i32
      %dma_start3A_1870 = arith.constant 2 : i32
      %dma_start3A_1871 = arith.constant 16 : i32
      %dma_start3A_1872 = arith.constant 0 : i32
      %dma_start3A_1873 = tpu.memref_slice %arg7[%dma_start3A_1869, %dma_start3A_1871, %dma_start3A_1872] : memref<2x64x128xf32, #tpu.memory_space<vmem>> -> memref<1x8x128xf32, #tpu.memory_space<vmem>>
      %dma_start3A_1874 = tpu.memref_squeeze %dma_start3A_1873 : memref<1x8x128xf32, #tpu.memory_space<vmem>> -> memref<8x128xf32, #tpu.memory_space<vmem>>
      %dma_start3A_1875 = arith.constant 0 : i32
      %dma_start3A_1876 = arith.constant 0 : i32
      %dma_start3A_1877 = tpu.memref_slice %arg4[%add3A_1662, %dma_start3A_1870, %add3A, %dma_start3A_1875, %dma_start3A_1876] : memref<200x8x32x8x128xf32, #tpu.memory_space<hbm>> -> memref<1x1x1x8x128xf32, #tpu.memory_space<hbm>>
      %dma_start3A_1878 = tpu.memref_squeeze %dma_start3A_1877 : memref<1x1x1x8x128xf32, #tpu.memory_space<hbm>> -> memref<8x128xf32, #tpu.memory_space<hbm>>
      %dma_start3A_1879 = arith.constant 0 : i32
      %dma_start3A_1880 = arith.constant 0 : i32
      %dma_start3A_1881 = tpu.memref_slice %arg4[%add3A_1662, %dma_start3A_1870, %add3A, %dma_start3A_1879, %dma_start3A_1880] : memref<200x8x32x8x128xf32, #tpu.memory_space<hbm>> -> memref<1x1x1x8x128xf32, #tpu.memory_space<hbm>>
      %dma_start3A_1882 = tpu.memref_squeeze %dma_start3A_1881 : memref<1x1x1x8x128xf32, #tpu.memory_space<hbm>> -> memref<8x128xf32, #tpu.memory_space<hbm>>
      %dma_start3A_1883 = arith.constant 16 : i32
      %dma_start3A_1884 = arith.constant 0 : i32
      %dma_start3A_1885 = tpu.memref_slice %arg7[%dma_start3A_1869, %dma_start3A_1883, %dma_start3A_1884] : memref<2x64x128xf32, #tpu.memory_space<vmem>> -> memref<1x8x128xf32, #tpu.memory_space<vmem>>
      %dma_start3A_1886 = tpu.memref_squeeze %dma_start3A_1885 : memref<1x8x128xf32, #tpu.memory_space<vmem>> -> memref<8x128xf32, #tpu.memory_space<vmem>>
      tpu.enqueue_dma source(%dma_start3A_1886 : memref<8x128xf32, #tpu.memory_space<vmem>>) target(%dma_start3A_1882 : memref<8x128xf32, #tpu.memory_space<hbm>>) target_semaphore(%arg10 : memref<!tpu.dma_semaphore, #tpu.memory_space<semaphore_mem>>)
      %dma_start3A_1887 = arith.constant 1 : i32
      %dma_start3A_1888 = arith.constant 3 : i32
      %dma_start3A_1889 = arith.constant 24 : i32
      %dma_start3A_1890 = arith.constant 0 : i32
      %dma_start3A_1891 = tpu.memref_slice %arg7[%dma_start3A_1887, %dma_start3A_1889, %dma_start3A_1890] : memref<2x64x128xf32, #tpu.memory_space<vmem>> -> memref<1x8x128xf32, #tpu.memory_space<vmem>>
      %dma_start3A_1892 = tpu.memref_squeeze %dma_start3A_1891 : memref<1x8x128xf32, #tpu.memory_space<vmem>> -> memref<8x128xf32, #tpu.memory_space<vmem>>
      %dma_start3A_1893 = arith.constant 0 : i32
      %dma_start3A_1894 = arith.constant 0 : i32
      %dma_start3A_1895 = tpu.memref_slice %arg4[%add3A_1662, %dma_start3A_1888, %add3A, %dma_start3A_1893, %dma_start3A_1894] : memref<200x8x32x8x128xf32, #tpu.memory_space<hbm>> -> memref<1x1x1x8x128xf32, #tpu.memory_space<hbm>>
      %dma_start3A_1896 = tpu.memref_squeeze %dma_start3A_1895 : memref<1x1x1x8x128xf32, #tpu.memory_space<hbm>> -> memref<8x128xf32, #tpu.memory_space<hbm>>
      %dma_start3A_1897 = arith.constant 0 : i32
      %dma_start3A_1898 = arith.constant 0 : i32
      %dma_start3A_1899 = tpu.memref_slice %arg4[%add3A_1662, %dma_start3A_1888, %add3A, %dma_start3A_1897, %dma_start3A_1898] : memref<200x8x32x8x128xf32, #tpu.memory_space<hbm>> -> memref<1x1x1x8x128xf32, #tpu.memory_space<hbm>>
      %dma_start3A_1900 = tpu.memref_squeeze %dma_start3A_1899 : memref<1x1x1x8x128xf32, #tpu.memory_space<hbm>> -> memref<8x128xf32, #tpu.memory_space<hbm>>
      %dma_start3A_1901 = arith.constant 24 : i32
      %dma_start3A_1902 = arith.constant 0 : i32
      %dma_start3A_1903 = tpu.memref_slice %arg7[%dma_start3A_1887, %dma_start3A_1901, %dma_start3A_1902] : memref<2x64x128xf32, #tpu.memory_space<vmem>> -> memref<1x8x128xf32, #tpu.memory_space<vmem>>
      %dma_start3A_1904 = tpu.memref_squeeze %dma_start3A_1903 : memref<1x8x128xf32, #tpu.memory_space<vmem>> -> memref<8x128xf32, #tpu.memory_space<vmem>>
      tpu.enqueue_dma source(%dma_start3A_1904 : memref<8x128xf32, #tpu.memory_space<vmem>>) target(%dma_start3A_1900 : memref<8x128xf32, #tpu.memory_space<hbm>>) target_semaphore(%arg10 : memref<!tpu.dma_semaphore, #tpu.memory_space<semaphore_mem>>)
      %dma_start3A_1905 = arith.constant 1 : i32
      %dma_start3A_1906 = arith.constant 4 : i32
      %dma_start3A_1907 = arith.constant 32 : i32
      %dma_start3A_1908 = arith.constant 0 : i32
      %dma_start3A_1909 = tpu.memref_slice %arg7[%dma_start3A_1905, %dma_start3A_1907, %dma_start3A_1908] : memref<2x64x128xf32, #tpu.memory_space<vmem>> -> memref<1x8x128xf32, #tpu.memory_space<vmem>>
      %dma_start3A_1910 = tpu.memref_squeeze %dma_start3A_1909 : memref<1x8x128xf32, #tpu.memory_space<vmem>> -> memref<8x128xf32, #tpu.memory_space<vmem>>
      %dma_start3A_1911 = arith.constant 0 : i32
      %dma_start3A_1912 = arith.constant 0 : i32
      %dma_start3A_1913 = tpu.memref_slice %arg4[%add3A_1662, %dma_start3A_1906, %add3A, %dma_start3A_1911, %dma_start3A_1912] : memref<200x8x32x8x128xf32, #tpu.memory_space<hbm>> -> memref<1x1x1x8x128xf32, #tpu.memory_space<hbm>>
      %dma_start3A_1914 = tpu.memref_squeeze %dma_start3A_1913 : memref<1x1x1x8x128xf32, #tpu.memory_space<hbm>> -> memref<8x128xf32, #tpu.memory_space<hbm>>
      %dma_start3A_1915 = arith.constant 0 : i32
      %dma_start3A_1916 = arith.constant 0 : i32
      %dma_start3A_1917 = tpu.memref_slice %arg4[%add3A_1662, %dma_start3A_1906, %add3A, %dma_start3A_1915, %dma_start3A_1916] : memref<200x8x32x8x128xf32, #tpu.memory_space<hbm>> -> memref<1x1x1x8x128xf32, #tpu.memory_space<hbm>>
      %dma_start3A_1918 = tpu.memref_squeeze %dma_start3A_1917 : memref<1x1x1x8x128xf32, #tpu.memory_space<hbm>> -> memref<8x128xf32, #tpu.memory_space<hbm>>
      %dma_start3A_1919 = arith.constant 32 : i32
      %dma_start3A_1920 = arith.constant 0 : i32
      %dma_start3A_1921 = tpu.memref_slice %arg7[%dma_start3A_1905, %dma_start3A_1919, %dma_start3A_1920] : memref<2x64x128xf32, #tpu.memory_space<vmem>> -> memref<1x8x128xf32, #tpu.memory_space<vmem>>
      %dma_start3A_1922 = tpu.memref_squeeze %dma_start3A_1921 : memref<1x8x128xf32, #tpu.memory_space<vmem>> -> memref<8x128xf32, #tpu.memory_space<vmem>>
      tpu.enqueue_dma source(%dma_start3A_1922 : memref<8x128xf32, #tpu.memory_space<vmem>>) target(%dma_start3A_1918 : memref<8x128xf32, #tpu.memory_space<hbm>>) target_semaphore(%arg10 : memref<!tpu.dma_semaphore, #tpu.memory_space<semaphore_mem>>)
      %dma_start3A_1923 = arith.constant 1 : i32
      %dma_start3A_1924 = arith.constant 5 : i32
      %dma_start3A_1925 = arith.constant 40 : i32
      %dma_start3A_1926 = arith.constant 0 : i32
      %dma_start3A_1927 = tpu.memref_slice %arg7[%dma_start3A_1923, %dma_start3A_1925, %dma_start3A_1926] : memref<2x64x128xf32, #tpu.memory_space<vmem>> -> memref<1x8x128xf32, #tpu.memory_space<vmem>>
      %dma_start3A_1928 = tpu.memref_squeeze %dma_start3A_1927 : memref<1x8x128xf32, #tpu.memory_space<vmem>> -> memref<8x128xf32, #tpu.memory_space<vmem>>
      %dma_start3A_1929 = arith.constant 0 : i32
      %dma_start3A_1930 = arith.constant 0 : i32
      %dma_start3A_1931 = tpu.memref_slice %arg4[%add3A_1662, %dma_start3A_1924, %add3A, %dma_start3A_1929, %dma_start3A_1930] : memref<200x8x32x8x128xf32, #tpu.memory_space<hbm>> -> memref<1x1x1x8x128xf32, #tpu.memory_space<hbm>>
      %dma_start3A_1932 = tpu.memref_squeeze %dma_start3A_1931 : memref<1x1x1x8x128xf32, #tpu.memory_space<hbm>> -> memref<8x128xf32, #tpu.memory_space<hbm>>
      %dma_start3A_1933 = arith.constant 0 : i32
      %dma_start3A_1934 = arith.constant 0 : i32
      %dma_start3A_1935 = tpu.memref_slice %arg4[%add3A_1662, %dma_start3A_1924, %add3A, %dma_start3A_1933, %dma_start3A_1934] : memref<200x8x32x8x128xf32, #tpu.memory_space<hbm>> -> memref<1x1x1x8x128xf32, #tpu.memory_space<hbm>>
      %dma_start3A_1936 = tpu.memref_squeeze %dma_start3A_1935 : memref<1x1x1x8x128xf32, #tpu.memory_space<hbm>> -> memref<8x128xf32, #tpu.memory_space<hbm>>
      %dma_start3A_1937 = arith.constant 40 : i32
      %dma_start3A_1938 = arith.constant 0 : i32
      %dma_start3A_1939 = tpu.memref_slice %arg7[%dma_start3A_1923, %dma_start3A_1937, %dma_start3A_1938] : memref<2x64x128xf32, #tpu.memory_space<vmem>> -> memref<1x8x128xf32, #tpu.memory_space<vmem>>
      %dma_start3A_1940 = tpu.memref_squeeze %dma_start3A_1939 : memref<1x8x128xf32, #tpu.memory_space<vmem>> -> memref<8x128xf32, #tpu.memory_space<vmem>>
      tpu.enqueue_dma source(%dma_start3A_1940 : memref<8x128xf32, #tpu.memory_space<vmem>>) target(%dma_start3A_1936 : memref<8x128xf32, #tpu.memory_space<hbm>>) target_semaphore(%arg10 : memref<!tpu.dma_semaphore, #tpu.memory_space<semaphore_mem>>)
      %dma_start3A_1941 = arith.constant 1 : i32
      %dma_start3A_1942 = arith.constant 6 : i32
      %dma_start3A_1943 = arith.constant 48 : i32
      %dma_start3A_1944 = arith.constant 0 : i32
      %dma_start3A_1945 = tpu.memref_slice %arg7[%dma_start3A_1941, %dma_start3A_1943, %dma_start3A_1944] : memref<2x64x128xf32, #tpu.memory_space<vmem>> -> memref<1x8x128xf32, #tpu.memory_space<vmem>>
      %dma_start3A_1946 = tpu.memref_squeeze %dma_start3A_1945 : memref<1x8x128xf32, #tpu.memory_space<vmem>> -> memref<8x128xf32, #tpu.memory_space<vmem>>
      %dma_start3A_1947 = arith.constant 0 : i32
      %dma_start3A_1948 = arith.constant 0 : i32
      %dma_start3A_1949 = tpu.memref_slice %arg4[%add3A_1662, %dma_start3A_1942, %add3A, %dma_start3A_1947, %dma_start3A_1948] : memref<200x8x32x8x128xf32, #tpu.memory_space<hbm>> -> memref<1x1x1x8x128xf32, #tpu.memory_space<hbm>>
      %dma_start3A_1950 = tpu.memref_squeeze %dma_start3A_1949 : memref<1x1x1x8x128xf32, #tpu.memory_space<hbm>> -> memref<8x128xf32, #tpu.memory_space<hbm>>
      %dma_start3A_1951 = arith.constant 0 : i32
      %dma_start3A_1952 = arith.constant 0 : i32
      %dma_start3A_1953 = tpu.memref_slice %arg4[%add3A_1662, %dma_start3A_1942, %add3A, %dma_start3A_1951, %dma_start3A_1952] : memref<200x8x32x8x128xf32, #tpu.memory_space<hbm>> -> memref<1x1x1x8x128xf32, #tpu.memory_space<hbm>>
      %dma_start3A_1954 = tpu.memref_squeeze %dma_start3A_1953 : memref<1x1x1x8x128xf32, #tpu.memory_space<hbm>> -> memref<8x128xf32, #tpu.memory_space<hbm>>
      %dma_start3A_1955 = arith.constant 48 : i32
      %dma_start3A_1956 = arith.constant 0 : i32
      %dma_start3A_1957 = tpu.memref_slice %arg7[%dma_start3A_1941, %dma_start3A_1955, %dma_start3A_1956] : memref<2x64x128xf32, #tpu.memory_space<vmem>> -> memref<1x8x128xf32, #tpu.memory_space<vmem>>
      %dma_start3A_1958 = tpu.memref_squeeze %dma_start3A_1957 : memref<1x8x128xf32, #tpu.memory_space<vmem>> -> memref<8x128xf32, #tpu.memory_space<vmem>>
      tpu.enqueue_dma source(%dma_start3A_1958 : memref<8x128xf32, #tpu.memory_space<vmem>>) target(%dma_start3A_1954 : memref<8x128xf32, #tpu.memory_space<hbm>>) target_semaphore(%arg10 : memref<!tpu.dma_semaphore, #tpu.memory_space<semaphore_mem>>)
      %dma_start3A_1959 = arith.constant 1 : i32
      %dma_start3A_1960 = arith.constant 7 : i32
      %dma_start3A_1961 = arith.constant 56 : i32
      %dma_start3A_1962 = arith.constant 0 : i32
      %dma_start3A_1963 = tpu.memref_slice %arg7[%dma_start3A_1959, %dma_start3A_1961, %dma_start3A_1962] : memref<2x64x128xf32, #tpu.memory_space<vmem>> -> memref<1x8x128xf32, #tpu.memory_space<vmem>>
      %dma_start3A_1964 = tpu.memref_squeeze %dma_start3A_1963 : memref<1x8x128xf32, #tpu.memory_space<vmem>> -> memref<8x128xf32, #tpu.memory_space<vmem>>
      %dma_start3A_1965 = arith.constant 0 : i32
      %dma_start3A_1966 = arith.constant 0 : i32
      %dma_start3A_1967 = tpu.memref_slice %arg4[%add3A_1662, %dma_start3A_1960, %add3A, %dma_start3A_1965, %dma_start3A_1966] : memref<200x8x32x8x128xf32, #tpu.memory_space<hbm>> -> memref<1x1x1x8x128xf32, #tpu.memory_space<hbm>>
      %dma_start3A_1968 = tpu.memref_squeeze %dma_start3A_1967 : memref<1x1x1x8x128xf32, #tpu.memory_space<hbm>> -> memref<8x128xf32, #tpu.memory_space<hbm>>
      %dma_start3A_1969 = arith.constant 0 : i32
      %dma_start3A_1970 = arith.constant 0 : i32
      %dma_start3A_1971 = tpu.memref_slice %arg4[%add3A_1662, %dma_start3A_1960, %add3A, %dma_start3A_1969, %dma_start3A_1970] : memref<200x8x32x8x128xf32, #tpu.memory_space<hbm>> -> memref<1x1x1x8x128xf32, #tpu.memory_space<hbm>>
      %dma_start3A_1972 = tpu.memref_squeeze %dma_start3A_1971 : memref<1x1x1x8x128xf32, #tpu.memory_space<hbm>> -> memref<8x128xf32, #tpu.memory_space<hbm>>
      %dma_start3A_1973 = arith.constant 56 : i32
      %dma_start3A_1974 = arith.constant 0 : i32
      %dma_start3A_1975 = tpu.memref_slice %arg7[%dma_start3A_1959, %dma_start3A_1973, %dma_start3A_1974] : memref<2x64x128xf32, #tpu.memory_space<vmem>> -> memref<1x8x128xf32, #tpu.memory_space<vmem>>
      %dma_start3A_1976 = tpu.memref_squeeze %dma_start3A_1975 : memref<1x8x128xf32, #tpu.memory_space<vmem>> -> memref<8x128xf32, #tpu.memory_space<vmem>>
      tpu.enqueue_dma source(%dma_start3A_1976 : memref<8x128xf32, #tpu.memory_space<vmem>>) target(%dma_start3A_1972 : memref<8x128xf32, #tpu.memory_space<hbm>>) target_semaphore(%arg10 : memref<!tpu.dma_semaphore, #tpu.memory_space<semaphore_mem>>)
    }
    %scan3A_390 = arith.constant 98 : i32
    %dma_wait3A_391 = arith.constant 0 : i32
    %dma_wait3A_392 = arith.constant 196 : i32
    %dma_wait3A_393 = arith.constant 0 : i32
    %dma_wait3A_394 = arith.constant 0 : i32
    %dma_wait3A_395 = arith.constant 0 : i32
    %dma_wait3A_396 = tpu.memref_slice %arg7[%dma_wait3A_391, %dma_wait3A_394, %dma_wait3A_395] : memref<2x64x128xf32, #tpu.memory_space<vmem>> -> memref<1x8x128xf32, #tpu.memory_space<vmem>>
    %dma_wait3A_397 = tpu.memref_squeeze %dma_wait3A_396 : memref<1x8x128xf32, #tpu.memory_space<vmem>> -> memref<8x128xf32, #tpu.memory_space<vmem>>
    %dma_wait3A_398 = arith.constant 0 : i32
    %dma_wait3A_399 = arith.constant 0 : i32
    %dma_wait3A_400 = tpu.memref_slice %arg4[%dma_wait3A_392, %dma_wait3A_393, %add3A, %dma_wait3A_398, %dma_wait3A_399] : memref<200x8x32x8x128xf32, #tpu.memory_space<hbm>> -> memref<1x1x1x8x128xf32, #tpu.memory_space<hbm>>
    %dma_wait3A_401 = tpu.memref_squeeze %dma_wait3A_400 : memref<1x1x1x8x128xf32, #tpu.memory_space<hbm>> -> memref<8x128xf32, #tpu.memory_space<hbm>>
    %dma_wait3A_402 = arith.constant 0 : i32
    %dma_wait3A_403 = arith.constant 0 : i32
    %dma_wait3A_404 = tpu.memref_slice %arg4[%dma_wait3A_392, %dma_wait3A_393, %add3A, %dma_wait3A_402, %dma_wait3A_403] : memref<200x8x32x8x128xf32, #tpu.memory_space<hbm>> -> memref<1x1x1x8x128xf32, #tpu.memory_space<hbm>>
    %dma_wait3A_405 = tpu.memref_squeeze %dma_wait3A_404 : memref<1x1x1x8x128xf32, #tpu.memory_space<hbm>> -> memref<8x128xf32, #tpu.memory_space<hbm>>
    %dma_wait3A_406 = arith.constant 0 : i32
    %dma_wait3A_407 = arith.constant 0 : i32
    %dma_wait3A_408 = tpu.memref_slice %arg7[%dma_wait3A_391, %dma_wait3A_406, %dma_wait3A_407] : memref<2x64x128xf32, #tpu.memory_space<vmem>> -> memref<1x8x128xf32, #tpu.memory_space<vmem>>
    %dma_wait3A_409 = tpu.memref_squeeze %dma_wait3A_408 : memref<1x8x128xf32, #tpu.memory_space<vmem>> -> memref<8x128xf32, #tpu.memory_space<vmem>>
    tpu.wait_dma2 semaphore(%arg10 : memref<!tpu.dma_semaphore, #tpu.memory_space<semaphore_mem>>) src(%dma_wait3A_409 : memref<8x128xf32, #tpu.memory_space<vmem>>) dst(%dma_wait3A_405 : memref<8x128xf32, #tpu.memory_space<hbm>>)
    %dma_wait3A_410 = arith.constant 0 : i32
    %dma_wait3A_411 = arith.constant 196 : i32
    %dma_wait3A_412 = arith.constant 1 : i32
    %dma_wait3A_413 = arith.constant 8 : i32
    %dma_wait3A_414 = arith.constant 0 : i32
    %dma_wait3A_415 = tpu.memref_slice %arg7[%dma_wait3A_410, %dma_wait3A_413, %dma_wait3A_414] : memref<2x64x128xf32, #tpu.memory_space<vmem>> -> memref<1x8x128xf32, #tpu.memory_space<vmem>>
    %dma_wait3A_416 = tpu.memref_squeeze %dma_wait3A_415 : memref<1x8x128xf32, #tpu.memory_space<vmem>> -> memref<8x128xf32, #tpu.memory_space<vmem>>
    %dma_wait3A_417 = arith.constant 0 : i32
    %dma_wait3A_418 = arith.constant 0 : i32
    %dma_wait3A_419 = tpu.memref_slice %arg4[%dma_wait3A_411, %dma_wait3A_412, %add3A, %dma_wait3A_417, %dma_wait3A_418] : memref<200x8x32x8x128xf32, #tpu.memory_space<hbm>> -> memref<1x1x1x8x128xf32, #tpu.memory_space<hbm>>
    %dma_wait3A_420 = tpu.memref_squeeze %dma_wait3A_419 : memref<1x1x1x8x128xf32, #tpu.memory_space<hbm>> -> memref<8x128xf32, #tpu.memory_space<hbm>>
    %dma_wait3A_421 = arith.constant 0 : i32
    %dma_wait3A_422 = arith.constant 0 : i32
    %dma_wait3A_423 = tpu.memref_slice %arg4[%dma_wait3A_411, %dma_wait3A_412, %add3A, %dma_wait3A_421, %dma_wait3A_422] : memref<200x8x32x8x128xf32, #tpu.memory_space<hbm>> -> memref<1x1x1x8x128xf32, #tpu.memory_space<hbm>>
    %dma_wait3A_424 = tpu.memref_squeeze %dma_wait3A_423 : memref<1x1x1x8x128xf32, #tpu.memory_space<hbm>> -> memref<8x128xf32, #tpu.memory_space<hbm>>
    %dma_wait3A_425 = arith.constant 8 : i32
    %dma_wait3A_426 = arith.constant 0 : i32
    %dma_wait3A_427 = tpu.memref_slice %arg7[%dma_wait3A_410, %dma_wait3A_425, %dma_wait3A_426] : memref<2x64x128xf32, #tpu.memory_space<vmem>> -> memref<1x8x128xf32, #tpu.memory_space<vmem>>
    %dma_wait3A_428 = tpu.memref_squeeze %dma_wait3A_427 : memref<1x8x128xf32, #tpu.memory_space<vmem>> -> memref<8x128xf32, #tpu.memory_space<vmem>>
    tpu.wait_dma2 semaphore(%arg10 : memref<!tpu.dma_semaphore, #tpu.memory_space<semaphore_mem>>) src(%dma_wait3A_428 : memref<8x128xf32, #tpu.memory_space<vmem>>) dst(%dma_wait3A_424 : memref<8x128xf32, #tpu.memory_space<hbm>>)
    %dma_wait3A_429 = arith.constant 0 : i32
    %dma_wait3A_430 = arith.constant 196 : i32
    %dma_wait3A_431 = arith.constant 2 : i32
    %dma_wait3A_432 = arith.constant 16 : i32
    %dma_wait3A_433 = arith.constant 0 : i32
    %dma_wait3A_434 = tpu.memref_slice %arg7[%dma_wait3A_429, %dma_wait3A_432, %dma_wait3A_433] : memref<2x64x128xf32, #tpu.memory_space<vmem>> -> memref<1x8x128xf32, #tpu.memory_space<vmem>>
    %dma_wait3A_435 = tpu.memref_squeeze %dma_wait3A_434 : memref<1x8x128xf32, #tpu.memory_space<vmem>> -> memref<8x128xf32, #tpu.memory_space<vmem>>
    %dma_wait3A_436 = arith.constant 0 : i32
    %dma_wait3A_437 = arith.constant 0 : i32
    %dma_wait3A_438 = tpu.memref_slice %arg4[%dma_wait3A_430, %dma_wait3A_431, %add3A, %dma_wait3A_436, %dma_wait3A_437] : memref<200x8x32x8x128xf32, #tpu.memory_space<hbm>> -> memref<1x1x1x8x128xf32, #tpu.memory_space<hbm>>
    %dma_wait3A_439 = tpu.memref_squeeze %dma_wait3A_438 : memref<1x1x1x8x128xf32, #tpu.memory_space<hbm>> -> memref<8x128xf32, #tpu.memory_space<hbm>>
    %dma_wait3A_440 = arith.constant 0 : i32
    %dma_wait3A_441 = arith.constant 0 : i32
    %dma_wait3A_442 = tpu.memref_slice %arg4[%dma_wait3A_430, %dma_wait3A_431, %add3A, %dma_wait3A_440, %dma_wait3A_441] : memref<200x8x32x8x128xf32, #tpu.memory_space<hbm>> -> memref<1x1x1x8x128xf32, #tpu.memory_space<hbm>>
    %dma_wait3A_443 = tpu.memref_squeeze %dma_wait3A_442 : memref<1x1x1x8x128xf32, #tpu.memory_space<hbm>> -> memref<8x128xf32, #tpu.memory_space<hbm>>
    %dma_wait3A_444 = arith.constant 16 : i32
    %dma_wait3A_445 = arith.constant 0 : i32
    %dma_wait3A_446 = tpu.memref_slice %arg7[%dma_wait3A_429, %dma_wait3A_444, %dma_wait3A_445] : memref<2x64x128xf32, #tpu.memory_space<vmem>> -> memref<1x8x128xf32, #tpu.memory_space<vmem>>
    %dma_wait3A_447 = tpu.memref_squeeze %dma_wait3A_446 : memref<1x8x128xf32, #tpu.memory_space<vmem>> -> memref<8x128xf32, #tpu.memory_space<vmem>>
    tpu.wait_dma2 semaphore(%arg10 : memref<!tpu.dma_semaphore, #tpu.memory_space<semaphore_mem>>) src(%dma_wait3A_447 : memref<8x128xf32, #tpu.memory_space<vmem>>) dst(%dma_wait3A_443 : memref<8x128xf32, #tpu.memory_space<hbm>>)
    %dma_wait3A_448 = arith.constant 0 : i32
    %dma_wait3A_449 = arith.constant 196 : i32
    %dma_wait3A_450 = arith.constant 3 : i32
    %dma_wait3A_451 = arith.constant 24 : i32
    %dma_wait3A_452 = arith.constant 0 : i32
    %dma_wait3A_453 = tpu.memref_slice %arg7[%dma_wait3A_448, %dma_wait3A_451, %dma_wait3A_452] : memref<2x64x128xf32, #tpu.memory_space<vmem>> -> memref<1x8x128xf32, #tpu.memory_space<vmem>>
    %dma_wait3A_454 = tpu.memref_squeeze %dma_wait3A_453 : memref<1x8x128xf32, #tpu.memory_space<vmem>> -> memref<8x128xf32, #tpu.memory_space<vmem>>
    %dma_wait3A_455 = arith.constant 0 : i32
    %dma_wait3A_456 = arith.constant 0 : i32
    %dma_wait3A_457 = tpu.memref_slice %arg4[%dma_wait3A_449, %dma_wait3A_450, %add3A, %dma_wait3A_455, %dma_wait3A_456] : memref<200x8x32x8x128xf32, #tpu.memory_space<hbm>> -> memref<1x1x1x8x128xf32, #tpu.memory_space<hbm>>
    %dma_wait3A_458 = tpu.memref_squeeze %dma_wait3A_457 : memref<1x1x1x8x128xf32, #tpu.memory_space<hbm>> -> memref<8x128xf32, #tpu.memory_space<hbm>>
    %dma_wait3A_459 = arith.constant 0 : i32
    %dma_wait3A_460 = arith.constant 0 : i32
    %dma_wait3A_461 = tpu.memref_slice %arg4[%dma_wait3A_449, %dma_wait3A_450, %add3A, %dma_wait3A_459, %dma_wait3A_460] : memref<200x8x32x8x128xf32, #tpu.memory_space<hbm>> -> memref<1x1x1x8x128xf32, #tpu.memory_space<hbm>>
    %dma_wait3A_462 = tpu.memref_squeeze %dma_wait3A_461 : memref<1x1x1x8x128xf32, #tpu.memory_space<hbm>> -> memref<8x128xf32, #tpu.memory_space<hbm>>
    %dma_wait3A_463 = arith.constant 24 : i32
    %dma_wait3A_464 = arith.constant 0 : i32
    %dma_wait3A_465 = tpu.memref_slice %arg7[%dma_wait3A_448, %dma_wait3A_463, %dma_wait3A_464] : memref<2x64x128xf32, #tpu.memory_space<vmem>> -> memref<1x8x128xf32, #tpu.memory_space<vmem>>
    %dma_wait3A_466 = tpu.memref_squeeze %dma_wait3A_465 : memref<1x8x128xf32, #tpu.memory_space<vmem>> -> memref<8x128xf32, #tpu.memory_space<vmem>>
    tpu.wait_dma2 semaphore(%arg10 : memref<!tpu.dma_semaphore, #tpu.memory_space<semaphore_mem>>) src(%dma_wait3A_466 : memref<8x128xf32, #tpu.memory_space<vmem>>) dst(%dma_wait3A_462 : memref<8x128xf32, #tpu.memory_space<hbm>>)
    %dma_wait3A_467 = arith.constant 0 : i32
    %dma_wait3A_468 = arith.constant 196 : i32
    %dma_wait3A_469 = arith.constant 4 : i32
    %dma_wait3A_470 = arith.constant 32 : i32
    %dma_wait3A_471 = arith.constant 0 : i32
    %dma_wait3A_472 = tpu.memref_slice %arg7[%dma_wait3A_467, %dma_wait3A_470, %dma_wait3A_471] : memref<2x64x128xf32, #tpu.memory_space<vmem>> -> memref<1x8x128xf32, #tpu.memory_space<vmem>>
    %dma_wait3A_473 = tpu.memref_squeeze %dma_wait3A_472 : memref<1x8x128xf32, #tpu.memory_space<vmem>> -> memref<8x128xf32, #tpu.memory_space<vmem>>
    %dma_wait3A_474 = arith.constant 0 : i32
    %dma_wait3A_475 = arith.constant 0 : i32
    %dma_wait3A_476 = tpu.memref_slice %arg4[%dma_wait3A_468, %dma_wait3A_469, %add3A, %dma_wait3A_474, %dma_wait3A_475] : memref<200x8x32x8x128xf32, #tpu.memory_space<hbm>> -> memref<1x1x1x8x128xf32, #tpu.memory_space<hbm>>
    %dma_wait3A_477 = tpu.memref_squeeze %dma_wait3A_476 : memref<1x1x1x8x128xf32, #tpu.memory_space<hbm>> -> memref<8x128xf32, #tpu.memory_space<hbm>>
    %dma_wait3A_478 = arith.constant 0 : i32
    %dma_wait3A_479 = arith.constant 0 : i32
    %dma_wait3A_480 = tpu.memref_slice %arg4[%dma_wait3A_468, %dma_wait3A_469, %add3A, %dma_wait3A_478, %dma_wait3A_479] : memref<200x8x32x8x128xf32, #tpu.memory_space<hbm>> -> memref<1x1x1x8x128xf32, #tpu.memory_space<hbm>>
    %dma_wait3A_481 = tpu.memref_squeeze %dma_wait3A_480 : memref<1x1x1x8x128xf32, #tpu.memory_space<hbm>> -> memref<8x128xf32, #tpu.memory_space<hbm>>
    %dma_wait3A_482 = arith.constant 32 : i32
    %dma_wait3A_483 = arith.constant 0 : i32
    %dma_wait3A_484 = tpu.memref_slice %arg7[%dma_wait3A_467, %dma_wait3A_482, %dma_wait3A_483] : memref<2x64x128xf32, #tpu.memory_space<vmem>> -> memref<1x8x128xf32, #tpu.memory_space<vmem>>
    %dma_wait3A_485 = tpu.memref_squeeze %dma_wait3A_484 : memref<1x8x128xf32, #tpu.memory_space<vmem>> -> memref<8x128xf32, #tpu.memory_space<vmem>>
    tpu.wait_dma2 semaphore(%arg10 : memref<!tpu.dma_semaphore, #tpu.memory_space<semaphore_mem>>) src(%dma_wait3A_485 : memref<8x128xf32, #tpu.memory_space<vmem>>) dst(%dma_wait3A_481 : memref<8x128xf32, #tpu.memory_space<hbm>>)
    %dma_wait3A_486 = arith.constant 0 : i32
    %dma_wait3A_487 = arith.constant 196 : i32
    %dma_wait3A_488 = arith.constant 5 : i32
    %dma_wait3A_489 = arith.constant 40 : i32
    %dma_wait3A_490 = arith.constant 0 : i32
    %dma_wait3A_491 = tpu.memref_slice %arg7[%dma_wait3A_486, %dma_wait3A_489, %dma_wait3A_490] : memref<2x64x128xf32, #tpu.memory_space<vmem>> -> memref<1x8x128xf32, #tpu.memory_space<vmem>>
    %dma_wait3A_492 = tpu.memref_squeeze %dma_wait3A_491 : memref<1x8x128xf32, #tpu.memory_space<vmem>> -> memref<8x128xf32, #tpu.memory_space<vmem>>
    %dma_wait3A_493 = arith.constant 0 : i32
    %dma_wait3A_494 = arith.constant 0 : i32
    %dma_wait3A_495 = tpu.memref_slice %arg4[%dma_wait3A_487, %dma_wait3A_488, %add3A, %dma_wait3A_493, %dma_wait3A_494] : memref<200x8x32x8x128xf32, #tpu.memory_space<hbm>> -> memref<1x1x1x8x128xf32, #tpu.memory_space<hbm>>
    %dma_wait3A_496 = tpu.memref_squeeze %dma_wait3A_495 : memref<1x1x1x8x128xf32, #tpu.memory_space<hbm>> -> memref<8x128xf32, #tpu.memory_space<hbm>>
    %dma_wait3A_497 = arith.constant 0 : i32
    %dma_wait3A_498 = arith.constant 0 : i32
    %dma_wait3A_499 = tpu.memref_slice %arg4[%dma_wait3A_487, %dma_wait3A_488, %add3A, %dma_wait3A_497, %dma_wait3A_498] : memref<200x8x32x8x128xf32, #tpu.memory_space<hbm>> -> memref<1x1x1x8x128xf32, #tpu.memory_space<hbm>>
    %dma_wait3A_500 = tpu.memref_squeeze %dma_wait3A_499 : memref<1x1x1x8x128xf32, #tpu.memory_space<hbm>> -> memref<8x128xf32, #tpu.memory_space<hbm>>
    %dma_wait3A_501 = arith.constant 40 : i32
    %dma_wait3A_502 = arith.constant 0 : i32
    %dma_wait3A_503 = tpu.memref_slice %arg7[%dma_wait3A_486, %dma_wait3A_501, %dma_wait3A_502] : memref<2x64x128xf32, #tpu.memory_space<vmem>> -> memref<1x8x128xf32, #tpu.memory_space<vmem>>
    %dma_wait3A_504 = tpu.memref_squeeze %dma_wait3A_503 : memref<1x8x128xf32, #tpu.memory_space<vmem>> -> memref<8x128xf32, #tpu.memory_space<vmem>>
    tpu.wait_dma2 semaphore(%arg10 : memref<!tpu.dma_semaphore, #tpu.memory_space<semaphore_mem>>) src(%dma_wait3A_504 : memref<8x128xf32, #tpu.memory_space<vmem>>) dst(%dma_wait3A_500 : memref<8x128xf32, #tpu.memory_space<hbm>>)
    %dma_wait3A_505 = arith.constant 0 : i32
    %dma_wait3A_506 = arith.constant 196 : i32
    %dma_wait3A_507 = arith.constant 6 : i32
    %dma_wait3A_508 = arith.constant 48 : i32
    %dma_wait3A_509 = arith.constant 0 : i32
    %dma_wait3A_510 = tpu.memref_slice %arg7[%dma_wait3A_505, %dma_wait3A_508, %dma_wait3A_509] : memref<2x64x128xf32, #tpu.memory_space<vmem>> -> memref<1x8x128xf32, #tpu.memory_space<vmem>>
    %dma_wait3A_511 = tpu.memref_squeeze %dma_wait3A_510 : memref<1x8x128xf32, #tpu.memory_space<vmem>> -> memref<8x128xf32, #tpu.memory_space<vmem>>
    %dma_wait3A_512 = arith.constant 0 : i32
    %dma_wait3A_513 = arith.constant 0 : i32
    %dma_wait3A_514 = tpu.memref_slice %arg4[%dma_wait3A_506, %dma_wait3A_507, %add3A, %dma_wait3A_512, %dma_wait3A_513] : memref<200x8x32x8x128xf32, #tpu.memory_space<hbm>> -> memref<1x1x1x8x128xf32, #tpu.memory_space<hbm>>
    %dma_wait3A_515 = tpu.memref_squeeze %dma_wait3A_514 : memref<1x1x1x8x128xf32, #tpu.memory_space<hbm>> -> memref<8x128xf32, #tpu.memory_space<hbm>>
    %dma_wait3A_516 = arith.constant 0 : i32
    %dma_wait3A_517 = arith.constant 0 : i32
    %dma_wait3A_518 = tpu.memref_slice %arg4[%dma_wait3A_506, %dma_wait3A_507, %add3A, %dma_wait3A_516, %dma_wait3A_517] : memref<200x8x32x8x128xf32, #tpu.memory_space<hbm>> -> memref<1x1x1x8x128xf32, #tpu.memory_space<hbm>>
    %dma_wait3A_519 = tpu.memref_squeeze %dma_wait3A_518 : memref<1x1x1x8x128xf32, #tpu.memory_space<hbm>> -> memref<8x128xf32, #tpu.memory_space<hbm>>
    %dma_wait3A_520 = arith.constant 48 : i32
    %dma_wait3A_521 = arith.constant 0 : i32
    %dma_wait3A_522 = tpu.memref_slice %arg7[%dma_wait3A_505, %dma_wait3A_520, %dma_wait3A_521] : memref<2x64x128xf32, #tpu.memory_space<vmem>> -> memref<1x8x128xf32, #tpu.memory_space<vmem>>
    %dma_wait3A_523 = tpu.memref_squeeze %dma_wait3A_522 : memref<1x8x128xf32, #tpu.memory_space<vmem>> -> memref<8x128xf32, #tpu.memory_space<vmem>>
    tpu.wait_dma2 semaphore(%arg10 : memref<!tpu.dma_semaphore, #tpu.memory_space<semaphore_mem>>) src(%dma_wait3A_523 : memref<8x128xf32, #tpu.memory_space<vmem>>) dst(%dma_wait3A_519 : memref<8x128xf32, #tpu.memory_space<hbm>>)
    %dma_wait3A_524 = arith.constant 0 : i32
    %dma_wait3A_525 = arith.constant 196 : i32
    %dma_wait3A_526 = arith.constant 7 : i32
    %dma_wait3A_527 = arith.constant 56 : i32
    %dma_wait3A_528 = arith.constant 0 : i32
    %dma_wait3A_529 = tpu.memref_slice %arg7[%dma_wait3A_524, %dma_wait3A_527, %dma_wait3A_528] : memref<2x64x128xf32, #tpu.memory_space<vmem>> -> memref<1x8x128xf32, #tpu.memory_space<vmem>>
    %dma_wait3A_530 = tpu.memref_squeeze %dma_wait3A_529 : memref<1x8x128xf32, #tpu.memory_space<vmem>> -> memref<8x128xf32, #tpu.memory_space<vmem>>
    %dma_wait3A_531 = arith.constant 0 : i32
    %dma_wait3A_532 = arith.constant 0 : i32
    %dma_wait3A_533 = tpu.memref_slice %arg4[%dma_wait3A_525, %dma_wait3A_526, %add3A, %dma_wait3A_531, %dma_wait3A_532] : memref<200x8x32x8x128xf32, #tpu.memory_space<hbm>> -> memref<1x1x1x8x128xf32, #tpu.memory_space<hbm>>
    %dma_wait3A_534 = tpu.memref_squeeze %dma_wait3A_533 : memref<1x1x1x8x128xf32, #tpu.memory_space<hbm>> -> memref<8x128xf32, #tpu.memory_space<hbm>>
    %dma_wait3A_535 = arith.constant 0 : i32
    %dma_wait3A_536 = arith.constant 0 : i32
    %dma_wait3A_537 = tpu.memref_slice %arg4[%dma_wait3A_525, %dma_wait3A_526, %add3A, %dma_wait3A_535, %dma_wait3A_536] : memref<200x8x32x8x128xf32, #tpu.memory_space<hbm>> -> memref<1x1x1x8x128xf32, #tpu.memory_space<hbm>>
    %dma_wait3A_538 = tpu.memref_squeeze %dma_wait3A_537 : memref<1x1x1x8x128xf32, #tpu.memory_space<hbm>> -> memref<8x128xf32, #tpu.memory_space<hbm>>
    %dma_wait3A_539 = arith.constant 56 : i32
    %dma_wait3A_540 = arith.constant 0 : i32
    %dma_wait3A_541 = tpu.memref_slice %arg7[%dma_wait3A_524, %dma_wait3A_539, %dma_wait3A_540] : memref<2x64x128xf32, #tpu.memory_space<vmem>> -> memref<1x8x128xf32, #tpu.memory_space<vmem>>
    %dma_wait3A_542 = tpu.memref_squeeze %dma_wait3A_541 : memref<1x8x128xf32, #tpu.memory_space<vmem>> -> memref<8x128xf32, #tpu.memory_space<vmem>>
    tpu.wait_dma2 semaphore(%arg10 : memref<!tpu.dma_semaphore, #tpu.memory_space<semaphore_mem>>) src(%dma_wait3A_542 : memref<8x128xf32, #tpu.memory_space<vmem>>) dst(%dma_wait3A_538 : memref<8x128xf32, #tpu.memory_space<hbm>>)
    %dma_start3A_543 = arith.constant 199 : i32
    %dma_start3A_544 = arith.constant 1 : i32
    %dma_start3A_545 = arith.constant 0 : i32
    %dma_start3A_546 = arith.constant 0 : i32
    %dma_start3A_547 = tpu.memref_slice %arg6[%dma_start3A_544, %dma_start3A_545, %dma_start3A_546] : memref<2x128x128xf32, #tpu.memory_space<vmem>> -> memref<1x128x128xf32, #tpu.memory_space<vmem>>
    %dma_start3A_548 = tpu.memref_squeeze %dma_start3A_547 : memref<1x128x128xf32, #tpu.memory_space<vmem>> -> memref<128x128xf32, #tpu.memory_space<vmem>>
    %dma_start3A_549 = arith.constant 0 : i32
    %dma_start3A_550 = tpu.memref_slice %arg5[%dma_start3A_543, %dma_start3A_549] : memref<200x128xi32, #tpu.memory_space<vmem>> -> memref<1x128xi32, #tpu.memory_space<vmem>>
    %dma_start3A_551 = tpu.memref_squeeze %dma_start3A_550 : memref<1x128xi32, #tpu.memory_space<vmem>> -> memref<128xi32, #tpu.memory_space<vmem>>
    %dma_start3A_552 = arith.constant 0 : i32
    %dma_start3A_553 = arith.constant 0 : i32
    %dma_start3A_554 = tpu.memref_slice %arg2[%dma_start3A_552, %dma_start3A_553] : memref<1000000x128xf32, #tpu.memory_space<hbm>> -> memref<1000000x128xf32, #tpu.memory_space<hbm>>
    tpu.enqueue_indirect_dma source(%dma_start3A_554 : memref<1000000x128xf32, #tpu.memory_space<hbm>>) target(%dma_start3A_548 : memref<128x128xf32, #tpu.memory_space<vmem>>) offsets(%dma_start3A_551 : memref<128xi32, #tpu.memory_space<vmem>>) semaphore(%arg9 : memref<!tpu.dma_semaphore, #tpu.memory_space<semaphore_mem>>)
    %dma_wait3A_555 = arith.constant 198 : i32
    %dma_wait3A_556 = arith.constant 0 : i32
    %dma_wait3A_557 = arith.constant 0 : i32
    %dma_wait3A_558 = arith.constant 0 : i32
    %dma_wait3A_559 = tpu.memref_slice %arg6[%dma_wait3A_556, %dma_wait3A_557, %dma_wait3A_558] : memref<2x128x128xf32, #tpu.memory_space<vmem>> -> memref<1x128x128xf32, #tpu.memory_space<vmem>>
    %dma_wait3A_560 = tpu.memref_squeeze %dma_wait3A_559 : memref<1x128x128xf32, #tpu.memory_space<vmem>> -> memref<128x128xf32, #tpu.memory_space<vmem>>
    %dma_wait3A_561 = arith.constant 0 : i32
    %dma_wait3A_562 = tpu.memref_slice %arg5[%dma_wait3A_555, %dma_wait3A_561] : memref<200x128xi32, #tpu.memory_space<vmem>> -> memref<1x128xi32, #tpu.memory_space<vmem>>
    %dma_wait3A_563 = tpu.memref_squeeze %dma_wait3A_562 : memref<1x128xi32, #tpu.memory_space<vmem>> -> memref<128xi32, #tpu.memory_space<vmem>>
    %dma_wait3A_564 = arith.constant 0 : i32
    %dma_wait3A_565 = arith.constant 0 : i32
    %dma_wait3A_566 = tpu.memref_slice %arg2[%dma_wait3A_564, %dma_wait3A_565] : memref<1000000x128xf32, #tpu.memory_space<hbm>> -> memref<1000000x128xf32, #tpu.memory_space<hbm>>
    tpu.wait_indirect_dma semaphore(%arg8 : memref<!tpu.dma_semaphore, #tpu.memory_space<semaphore_mem>>) src(%dma_wait3A_566 : memref<1000000x128xf32, #tpu.memory_space<hbm>>) dst(%dma_wait3A_560 : memref<128x128xf32, #tpu.memory_space<vmem>>)
    %dma_start3A_567 = arith.constant 0 : i32
    %dma_start3A_568 = arith.constant 198 : i32
    %dma_start3A_569 = arith.constant 0 : i32
    %dma_start3A_570 = arith.constant 0 : i32
    %dma_start3A_571 = arith.constant 0 : i32
    %dma_start3A_572 = tpu.memref_slice %arg7[%dma_start3A_567, %dma_start3A_570, %dma_start3A_571] : memref<2x64x128xf32, #tpu.memory_space<vmem>> -> memref<1x8x128xf32, #tpu.memory_space<vmem>>
    %dma_start3A_573 = tpu.memref_squeeze %dma_start3A_572 : memref<1x8x128xf32, #tpu.memory_space<vmem>> -> memref<8x128xf32, #tpu.memory_space<vmem>>
    %dma_start3A_574 = arith.constant 0 : i32
    %dma_start3A_575 = arith.constant 0 : i32
    %dma_start3A_576 = tpu.memref_slice %arg4[%dma_start3A_568, %dma_start3A_569, %add3A, %dma_start3A_574, %dma_start3A_575] : memref<200x8x32x8x128xf32, #tpu.memory_space<hbm>> -> memref<1x1x1x8x128xf32, #tpu.memory_space<hbm>>
    %dma_start3A_577 = tpu.memref_squeeze %dma_start3A_576 : memref<1x1x1x8x128xf32, #tpu.memory_space<hbm>> -> memref<8x128xf32, #tpu.memory_space<hbm>>
    %dma_start3A_578 = arith.constant 0 : i32
    %dma_start3A_579 = arith.constant 0 : i32
    %dma_start3A_580 = tpu.memref_slice %arg4[%dma_start3A_568, %dma_start3A_569, %add3A, %dma_start3A_578, %dma_start3A_579] : memref<200x8x32x8x128xf32, #tpu.memory_space<hbm>> -> memref<1x1x1x8x128xf32, #tpu.memory_space<hbm>>
    %dma_start3A_581 = tpu.memref_squeeze %dma_start3A_580 : memref<1x1x1x8x128xf32, #tpu.memory_space<hbm>> -> memref<8x128xf32, #tpu.memory_space<hbm>>
    %dma_start3A_582 = arith.constant 0 : i32
    %dma_start3A_583 = arith.constant 0 : i32
    %dma_start3A_584 = tpu.memref_slice %arg7[%dma_start3A_567, %dma_start3A_582, %dma_start3A_583] : memref<2x64x128xf32, #tpu.memory_space<vmem>> -> memref<1x8x128xf32, #tpu.memory_space<vmem>>
    %dma_start3A_585 = tpu.memref_squeeze %dma_start3A_584 : memref<1x8x128xf32, #tpu.memory_space<vmem>> -> memref<8x128xf32, #tpu.memory_space<vmem>>
    tpu.enqueue_dma source(%dma_start3A_585 : memref<8x128xf32, #tpu.memory_space<vmem>>) target(%dma_start3A_581 : memref<8x128xf32, #tpu.memory_space<hbm>>) target_semaphore(%arg10 : memref<!tpu.dma_semaphore, #tpu.memory_space<semaphore_mem>>)
    %dma_start3A_586 = arith.constant 0 : i32
    %dma_start3A_587 = arith.constant 198 : i32
    %dma_start3A_588 = arith.constant 1 : i32
    %dma_start3A_589 = arith.constant 8 : i32
    %dma_start3A_590 = arith.constant 0 : i32
    %dma_start3A_591 = tpu.memref_slice %arg7[%dma_start3A_586, %dma_start3A_589, %dma_start3A_590] : memref<2x64x128xf32, #tpu.memory_space<vmem>> -> memref<1x8x128xf32, #tpu.memory_space<vmem>>
    %dma_start3A_592 = tpu.memref_squeeze %dma_start3A_591 : memref<1x8x128xf32, #tpu.memory_space<vmem>> -> memref<8x128xf32, #tpu.memory_space<vmem>>
    %dma_start3A_593 = arith.constant 0 : i32
    %dma_start3A_594 = arith.constant 0 : i32
    %dma_start3A_595 = tpu.memref_slice %arg4[%dma_start3A_587, %dma_start3A_588, %add3A, %dma_start3A_593, %dma_start3A_594] : memref<200x8x32x8x128xf32, #tpu.memory_space<hbm>> -> memref<1x1x1x8x128xf32, #tpu.memory_space<hbm>>
    %dma_start3A_596 = tpu.memref_squeeze %dma_start3A_595 : memref<1x1x1x8x128xf32, #tpu.memory_space<hbm>> -> memref<8x128xf32, #tpu.memory_space<hbm>>
    %dma_start3A_597 = arith.constant 0 : i32
    %dma_start3A_598 = arith.constant 0 : i32
    %dma_start3A_599 = tpu.memref_slice %arg4[%dma_start3A_587, %dma_start3A_588, %add3A, %dma_start3A_597, %dma_start3A_598] : memref<200x8x32x8x128xf32, #tpu.memory_space<hbm>> -> memref<1x1x1x8x128xf32, #tpu.memory_space<hbm>>
    %dma_start3A_600 = tpu.memref_squeeze %dma_start3A_599 : memref<1x1x1x8x128xf32, #tpu.memory_space<hbm>> -> memref<8x128xf32, #tpu.memory_space<hbm>>
    %dma_start3A_601 = arith.constant 8 : i32
    %dma_start3A_602 = arith.constant 0 : i32
    %dma_start3A_603 = tpu.memref_slice %arg7[%dma_start3A_586, %dma_start3A_601, %dma_start3A_602] : memref<2x64x128xf32, #tpu.memory_space<vmem>> -> memref<1x8x128xf32, #tpu.memory_space<vmem>>
    %dma_start3A_604 = tpu.memref_squeeze %dma_start3A_603 : memref<1x8x128xf32, #tpu.memory_space<vmem>> -> memref<8x128xf32, #tpu.memory_space<vmem>>
    tpu.enqueue_dma source(%dma_start3A_604 : memref<8x128xf32, #tpu.memory_space<vmem>>) target(%dma_start3A_600 : memref<8x128xf32, #tpu.memory_space<hbm>>) target_semaphore(%arg10 : memref<!tpu.dma_semaphore, #tpu.memory_space<semaphore_mem>>)
    %dma_start3A_605 = arith.constant 0 : i32
    %dma_start3A_606 = arith.constant 198 : i32
    %dma_start3A_607 = arith.constant 2 : i32
    %dma_start3A_608 = arith.constant 16 : i32
    %dma_start3A_609 = arith.constant 0 : i32
    %dma_start3A_610 = tpu.memref_slice %arg7[%dma_start3A_605, %dma_start3A_608, %dma_start3A_609] : memref<2x64x128xf32, #tpu.memory_space<vmem>> -> memref<1x8x128xf32, #tpu.memory_space<vmem>>
    %dma_start3A_611 = tpu.memref_squeeze %dma_start3A_610 : memref<1x8x128xf32, #tpu.memory_space<vmem>> -> memref<8x128xf32, #tpu.memory_space<vmem>>
    %dma_start3A_612 = arith.constant 0 : i32
    %dma_start3A_613 = arith.constant 0 : i32
    %dma_start3A_614 = tpu.memref_slice %arg4[%dma_start3A_606, %dma_start3A_607, %add3A, %dma_start3A_612, %dma_start3A_613] : memref<200x8x32x8x128xf32, #tpu.memory_space<hbm>> -> memref<1x1x1x8x128xf32, #tpu.memory_space<hbm>>
    %dma_start3A_615 = tpu.memref_squeeze %dma_start3A_614 : memref<1x1x1x8x128xf32, #tpu.memory_space<hbm>> -> memref<8x128xf32, #tpu.memory_space<hbm>>
    %dma_start3A_616 = arith.constant 0 : i32
    %dma_start3A_617 = arith.constant 0 : i32
    %dma_start3A_618 = tpu.memref_slice %arg4[%dma_start3A_606, %dma_start3A_607, %add3A, %dma_start3A_616, %dma_start3A_617] : memref<200x8x32x8x128xf32, #tpu.memory_space<hbm>> -> memref<1x1x1x8x128xf32, #tpu.memory_space<hbm>>
    %dma_start3A_619 = tpu.memref_squeeze %dma_start3A_618 : memref<1x1x1x8x128xf32, #tpu.memory_space<hbm>> -> memref<8x128xf32, #tpu.memory_space<hbm>>
    %dma_start3A_620 = arith.constant 16 : i32
    %dma_start3A_621 = arith.constant 0 : i32
    %dma_start3A_622 = tpu.memref_slice %arg7[%dma_start3A_605, %dma_start3A_620, %dma_start3A_621] : memref<2x64x128xf32, #tpu.memory_space<vmem>> -> memref<1x8x128xf32, #tpu.memory_space<vmem>>
    %dma_start3A_623 = tpu.memref_squeeze %dma_start3A_622 : memref<1x8x128xf32, #tpu.memory_space<vmem>> -> memref<8x128xf32, #tpu.memory_space<vmem>>
    tpu.enqueue_dma source(%dma_start3A_623 : memref<8x128xf32, #tpu.memory_space<vmem>>) target(%dma_start3A_619 : memref<8x128xf32, #tpu.memory_space<hbm>>) target_semaphore(%arg10 : memref<!tpu.dma_semaphore, #tpu.memory_space<semaphore_mem>>)
    %dma_start3A_624 = arith.constant 0 : i32
    %dma_start3A_625 = arith.constant 198 : i32
    %dma_start3A_626 = arith.constant 3 : i32
    %dma_start3A_627 = arith.constant 24 : i32
    %dma_start3A_628 = arith.constant 0 : i32
    %dma_start3A_629 = tpu.memref_slice %arg7[%dma_start3A_624, %dma_start3A_627, %dma_start3A_628] : memref<2x64x128xf32, #tpu.memory_space<vmem>> -> memref<1x8x128xf32, #tpu.memory_space<vmem>>
    %dma_start3A_630 = tpu.memref_squeeze %dma_start3A_629 : memref<1x8x128xf32, #tpu.memory_space<vmem>> -> memref<8x128xf32, #tpu.memory_space<vmem>>
    %dma_start3A_631 = arith.constant 0 : i32
    %dma_start3A_632 = arith.constant 0 : i32
    %dma_start3A_633 = tpu.memref_slice %arg4[%dma_start3A_625, %dma_start3A_626, %add3A, %dma_start3A_631, %dma_start3A_632] : memref<200x8x32x8x128xf32, #tpu.memory_space<hbm>> -> memref<1x1x1x8x128xf32, #tpu.memory_space<hbm>>
    %dma_start3A_634 = tpu.memref_squeeze %dma_start3A_633 : memref<1x1x1x8x128xf32, #tpu.memory_space<hbm>> -> memref<8x128xf32, #tpu.memory_space<hbm>>
    %dma_start3A_635 = arith.constant 0 : i32
    %dma_start3A_636 = arith.constant 0 : i32
    %dma_start3A_637 = tpu.memref_slice %arg4[%dma_start3A_625, %dma_start3A_626, %add3A, %dma_start3A_635, %dma_start3A_636] : memref<200x8x32x8x128xf32, #tpu.memory_space<hbm>> -> memref<1x1x1x8x128xf32, #tpu.memory_space<hbm>>
    %dma_start3A_638 = tpu.memref_squeeze %dma_start3A_637 : memref<1x1x1x8x128xf32, #tpu.memory_space<hbm>> -> memref<8x128xf32, #tpu.memory_space<hbm>>
    %dma_start3A_639 = arith.constant 24 : i32
    %dma_start3A_640 = arith.constant 0 : i32
    %dma_start3A_641 = tpu.memref_slice %arg7[%dma_start3A_624, %dma_start3A_639, %dma_start3A_640] : memref<2x64x128xf32, #tpu.memory_space<vmem>> -> memref<1x8x128xf32, #tpu.memory_space<vmem>>
    %dma_start3A_642 = tpu.memref_squeeze %dma_start3A_641 : memref<1x8x128xf32, #tpu.memory_space<vmem>> -> memref<8x128xf32, #tpu.memory_space<vmem>>
    tpu.enqueue_dma source(%dma_start3A_642 : memref<8x128xf32, #tpu.memory_space<vmem>>) target(%dma_start3A_638 : memref<8x128xf32, #tpu.memory_space<hbm>>) target_semaphore(%arg10 : memref<!tpu.dma_semaphore, #tpu.memory_space<semaphore_mem>>)
    %dma_start3A_643 = arith.constant 0 : i32
    %dma_start3A_644 = arith.constant 198 : i32
    %dma_start3A_645 = arith.constant 4 : i32
    %dma_start3A_646 = arith.constant 32 : i32
    %dma_start3A_647 = arith.constant 0 : i32
    %dma_start3A_648 = tpu.memref_slice %arg7[%dma_start3A_643, %dma_start3A_646, %dma_start3A_647] : memref<2x64x128xf32, #tpu.memory_space<vmem>> -> memref<1x8x128xf32, #tpu.memory_space<vmem>>
    %dma_start3A_649 = tpu.memref_squeeze %dma_start3A_648 : memref<1x8x128xf32, #tpu.memory_space<vmem>> -> memref<8x128xf32, #tpu.memory_space<vmem>>
    %dma_start3A_650 = arith.constant 0 : i32
    %dma_start3A_651 = arith.constant 0 : i32
    %dma_start3A_652 = tpu.memref_slice %arg4[%dma_start3A_644, %dma_start3A_645, %add3A, %dma_start3A_650, %dma_start3A_651] : memref<200x8x32x8x128xf32, #tpu.memory_space<hbm>> -> memref<1x1x1x8x128xf32, #tpu.memory_space<hbm>>
    %dma_start3A_653 = tpu.memref_squeeze %dma_start3A_652 : memref<1x1x1x8x128xf32, #tpu.memory_space<hbm>> -> memref<8x128xf32, #tpu.memory_space<hbm>>
    %dma_start3A_654 = arith.constant 0 : i32
    %dma_start3A_655 = arith.constant 0 : i32
    %dma_start3A_656 = tpu.memref_slice %arg4[%dma_start3A_644, %dma_start3A_645, %add3A, %dma_start3A_654, %dma_start3A_655] : memref<200x8x32x8x128xf32, #tpu.memory_space<hbm>> -> memref<1x1x1x8x128xf32, #tpu.memory_space<hbm>>
    %dma_start3A_657 = tpu.memref_squeeze %dma_start3A_656 : memref<1x1x1x8x128xf32, #tpu.memory_space<hbm>> -> memref<8x128xf32, #tpu.memory_space<hbm>>
    %dma_start3A_658 = arith.constant 32 : i32
    %dma_start3A_659 = arith.constant 0 : i32
    %dma_start3A_660 = tpu.memref_slice %arg7[%dma_start3A_643, %dma_start3A_658, %dma_start3A_659] : memref<2x64x128xf32, #tpu.memory_space<vmem>> -> memref<1x8x128xf32, #tpu.memory_space<vmem>>
    %dma_start3A_661 = tpu.memref_squeeze %dma_start3A_660 : memref<1x8x128xf32, #tpu.memory_space<vmem>> -> memref<8x128xf32, #tpu.memory_space<vmem>>
    tpu.enqueue_dma source(%dma_start3A_661 : memref<8x128xf32, #tpu.memory_space<vmem>>) target(%dma_start3A_657 : memref<8x128xf32, #tpu.memory_space<hbm>>) target_semaphore(%arg10 : memref<!tpu.dma_semaphore, #tpu.memory_space<semaphore_mem>>)
    %dma_start3A_662 = arith.constant 0 : i32
    %dma_start3A_663 = arith.constant 198 : i32
    %dma_start3A_664 = arith.constant 5 : i32
    %dma_start3A_665 = arith.constant 40 : i32
    %dma_start3A_666 = arith.constant 0 : i32
    %dma_start3A_667 = tpu.memref_slice %arg7[%dma_start3A_662, %dma_start3A_665, %dma_start3A_666] : memref<2x64x128xf32, #tpu.memory_space<vmem>> -> memref<1x8x128xf32, #tpu.memory_space<vmem>>
    %dma_start3A_668 = tpu.memref_squeeze %dma_start3A_667 : memref<1x8x128xf32, #tpu.memory_space<vmem>> -> memref<8x128xf32, #tpu.memory_space<vmem>>
    %dma_start3A_669 = arith.constant 0 : i32
    %dma_start3A_670 = arith.constant 0 : i32
    %dma_start3A_671 = tpu.memref_slice %arg4[%dma_start3A_663, %dma_start3A_664, %add3A, %dma_start3A_669, %dma_start3A_670] : memref<200x8x32x8x128xf32, #tpu.memory_space<hbm>> -> memref<1x1x1x8x128xf32, #tpu.memory_space<hbm>>
    %dma_start3A_672 = tpu.memref_squeeze %dma_start3A_671 : memref<1x1x1x8x128xf32, #tpu.memory_space<hbm>> -> memref<8x128xf32, #tpu.memory_space<hbm>>
    %dma_start3A_673 = arith.constant 0 : i32
    %dma_start3A_674 = arith.constant 0 : i32
    %dma_start3A_675 = tpu.memref_slice %arg4[%dma_start3A_663, %dma_start3A_664, %add3A, %dma_start3A_673, %dma_start3A_674] : memref<200x8x32x8x128xf32, #tpu.memory_space<hbm>> -> memref<1x1x1x8x128xf32, #tpu.memory_space<hbm>>
    %dma_start3A_676 = tpu.memref_squeeze %dma_start3A_675 : memref<1x1x1x8x128xf32, #tpu.memory_space<hbm>> -> memref<8x128xf32, #tpu.memory_space<hbm>>
    %dma_start3A_677 = arith.constant 40 : i32
    %dma_start3A_678 = arith.constant 0 : i32
    %dma_start3A_679 = tpu.memref_slice %arg7[%dma_start3A_662, %dma_start3A_677, %dma_start3A_678] : memref<2x64x128xf32, #tpu.memory_space<vmem>> -> memref<1x8x128xf32, #tpu.memory_space<vmem>>
    %dma_start3A_680 = tpu.memref_squeeze %dma_start3A_679 : memref<1x8x128xf32, #tpu.memory_space<vmem>> -> memref<8x128xf32, #tpu.memory_space<vmem>>
    tpu.enqueue_dma source(%dma_start3A_680 : memref<8x128xf32, #tpu.memory_space<vmem>>) target(%dma_start3A_676 : memref<8x128xf32, #tpu.memory_space<hbm>>) target_semaphore(%arg10 : memref<!tpu.dma_semaphore, #tpu.memory_space<semaphore_mem>>)
    %dma_start3A_681 = arith.constant 0 : i32
    %dma_start3A_682 = arith.constant 198 : i32
    %dma_start3A_683 = arith.constant 6 : i32
    %dma_start3A_684 = arith.constant 48 : i32
    %dma_start3A_685 = arith.constant 0 : i32
    %dma_start3A_686 = tpu.memref_slice %arg7[%dma_start3A_681, %dma_start3A_684, %dma_start3A_685] : memref<2x64x128xf32, #tpu.memory_space<vmem>> -> memref<1x8x128xf32, #tpu.memory_space<vmem>>
    %dma_start3A_687 = tpu.memref_squeeze %dma_start3A_686 : memref<1x8x128xf32, #tpu.memory_space<vmem>> -> memref<8x128xf32, #tpu.memory_space<vmem>>
    %dma_start3A_688 = arith.constant 0 : i32
    %dma_start3A_689 = arith.constant 0 : i32
    %dma_start3A_690 = tpu.memref_slice %arg4[%dma_start3A_682, %dma_start3A_683, %add3A, %dma_start3A_688, %dma_start3A_689] : memref<200x8x32x8x128xf32, #tpu.memory_space<hbm>> -> memref<1x1x1x8x128xf32, #tpu.memory_space<hbm>>
    %dma_start3A_691 = tpu.memref_squeeze %dma_start3A_690 : memref<1x1x1x8x128xf32, #tpu.memory_space<hbm>> -> memref<8x128xf32, #tpu.memory_space<hbm>>
    %dma_start3A_692 = arith.constant 0 : i32
    %dma_start3A_693 = arith.constant 0 : i32
    %dma_start3A_694 = tpu.memref_slice %arg4[%dma_start3A_682, %dma_start3A_683, %add3A, %dma_start3A_692, %dma_start3A_693] : memref<200x8x32x8x128xf32, #tpu.memory_space<hbm>> -> memref<1x1x1x8x128xf32, #tpu.memory_space<hbm>>
    %dma_start3A_695 = tpu.memref_squeeze %dma_start3A_694 : memref<1x1x1x8x128xf32, #tpu.memory_space<hbm>> -> memref<8x128xf32, #tpu.memory_space<hbm>>
    %dma_start3A_696 = arith.constant 48 : i32
    %dma_start3A_697 = arith.constant 0 : i32
    %dma_start3A_698 = tpu.memref_slice %arg7[%dma_start3A_681, %dma_start3A_696, %dma_start3A_697] : memref<2x64x128xf32, #tpu.memory_space<vmem>> -> memref<1x8x128xf32, #tpu.memory_space<vmem>>
    %dma_start3A_699 = tpu.memref_squeeze %dma_start3A_698 : memref<1x8x128xf32, #tpu.memory_space<vmem>> -> memref<8x128xf32, #tpu.memory_space<vmem>>
    tpu.enqueue_dma source(%dma_start3A_699 : memref<8x128xf32, #tpu.memory_space<vmem>>) target(%dma_start3A_695 : memref<8x128xf32, #tpu.memory_space<hbm>>) target_semaphore(%arg10 : memref<!tpu.dma_semaphore, #tpu.memory_space<semaphore_mem>>)
    %dma_start3A_700 = arith.constant 0 : i32
    %dma_start3A_701 = arith.constant 198 : i32
    %dma_start3A_702 = arith.constant 7 : i32
    %dma_start3A_703 = arith.constant 56 : i32
    %dma_start3A_704 = arith.constant 0 : i32
    %dma_start3A_705 = tpu.memref_slice %arg7[%dma_start3A_700, %dma_start3A_703, %dma_start3A_704] : memref<2x64x128xf32, #tpu.memory_space<vmem>> -> memref<1x8x128xf32, #tpu.memory_space<vmem>>
    %dma_start3A_706 = tpu.memref_squeeze %dma_start3A_705 : memref<1x8x128xf32, #tpu.memory_space<vmem>> -> memref<8x128xf32, #tpu.memory_space<vmem>>
    %dma_start3A_707 = arith.constant 0 : i32
    %dma_start3A_708 = arith.constant 0 : i32
    %dma_start3A_709 = tpu.memref_slice %arg4[%dma_start3A_701, %dma_start3A_702, %add3A, %dma_start3A_707, %dma_start3A_708] : memref<200x8x32x8x128xf32, #tpu.memory_space<hbm>> -> memref<1x1x1x8x128xf32, #tpu.memory_space<hbm>>
    %dma_start3A_710 = tpu.memref_squeeze %dma_start3A_709 : memref<1x1x1x8x128xf32, #tpu.memory_space<hbm>> -> memref<8x128xf32, #tpu.memory_space<hbm>>
    %dma_start3A_711 = arith.constant 0 : i32
    %dma_start3A_712 = arith.constant 0 : i32
    %dma_start3A_713 = tpu.memref_slice %arg4[%dma_start3A_701, %dma_start3A_702, %add3A, %dma_start3A_711, %dma_start3A_712] : memref<200x8x32x8x128xf32, #tpu.memory_space<hbm>> -> memref<1x1x1x8x128xf32, #tpu.memory_space<hbm>>
    %dma_start3A_714 = tpu.memref_squeeze %dma_start3A_713 : memref<1x1x1x8x128xf32, #tpu.memory_space<hbm>> -> memref<8x128xf32, #tpu.memory_space<hbm>>
    %dma_start3A_715 = arith.constant 56 : i32
    %dma_start3A_716 = arith.constant 0 : i32
    %dma_start3A_717 = tpu.memref_slice %arg7[%dma_start3A_700, %dma_start3A_715, %dma_start3A_716] : memref<2x64x128xf32, #tpu.memory_space<vmem>> -> memref<1x8x128xf32, #tpu.memory_space<vmem>>
    %dma_start3A_718 = tpu.memref_squeeze %dma_start3A_717 : memref<1x8x128xf32, #tpu.memory_space<vmem>> -> memref<8x128xf32, #tpu.memory_space<vmem>>
    tpu.enqueue_dma source(%dma_start3A_718 : memref<8x128xf32, #tpu.memory_space<vmem>>) target(%dma_start3A_714 : memref<8x128xf32, #tpu.memory_space<hbm>>) target_semaphore(%arg10 : memref<!tpu.dma_semaphore, #tpu.memory_space<semaphore_mem>>)
    %dma_wait3A_719 = arith.constant 1 : i32
    %dma_wait3A_720 = arith.constant 197 : i32
    %dma_wait3A_721 = arith.constant 0 : i32
    %dma_wait3A_722 = arith.constant 0 : i32
    %dma_wait3A_723 = arith.constant 0 : i32
    %dma_wait3A_724 = tpu.memref_slice %arg7[%dma_wait3A_719, %dma_wait3A_722, %dma_wait3A_723] : memref<2x64x128xf32, #tpu.memory_space<vmem>> -> memref<1x8x128xf32, #tpu.memory_space<vmem>>
    %dma_wait3A_725 = tpu.memref_squeeze %dma_wait3A_724 : memref<1x8x128xf32, #tpu.memory_space<vmem>> -> memref<8x128xf32, #tpu.memory_space<vmem>>
    %dma_wait3A_726 = arith.constant 0 : i32
    %dma_wait3A_727 = arith.constant 0 : i32
    %dma_wait3A_728 = tpu.memref_slice %arg4[%dma_wait3A_720, %dma_wait3A_721, %add3A, %dma_wait3A_726, %dma_wait3A_727] : memref<200x8x32x8x128xf32, #tpu.memory_space<hbm>> -> memref<1x1x1x8x128xf32, #tpu.memory_space<hbm>>
    %dma_wait3A_729 = tpu.memref_squeeze %dma_wait3A_728 : memref<1x1x1x8x128xf32, #tpu.memory_space<hbm>> -> memref<8x128xf32, #tpu.memory_space<hbm>>
    %dma_wait3A_730 = arith.constant 0 : i32
    %dma_wait3A_731 = arith.constant 0 : i32
    %dma_wait3A_732 = tpu.memref_slice %arg4[%dma_wait3A_720, %dma_wait3A_721, %add3A, %dma_wait3A_730, %dma_wait3A_731] : memref<200x8x32x8x128xf32, #tpu.memory_space<hbm>> -> memref<1x1x1x8x128xf32, #tpu.memory_space<hbm>>
    %dma_wait3A_733 = tpu.memref_squeeze %dma_wait3A_732 : memref<1x1x1x8x128xf32, #tpu.memory_space<hbm>> -> memref<8x128xf32, #tpu.memory_space<hbm>>
    %dma_wait3A_734 = arith.constant 0 : i32
    %dma_wait3A_735 = arith.constant 0 : i32
    %dma_wait3A_736 = tpu.memref_slice %arg7[%dma_wait3A_719, %dma_wait3A_734, %dma_wait3A_735] : memref<2x64x128xf32, #tpu.memory_space<vmem>> -> memref<1x8x128xf32, #tpu.memory_space<vmem>>
    %dma_wait3A_737 = tpu.memref_squeeze %dma_wait3A_736 : memref<1x8x128xf32, #tpu.memory_space<vmem>> -> memref<8x128xf32, #tpu.memory_space<vmem>>
    tpu.wait_dma2 semaphore(%arg10 : memref<!tpu.dma_semaphore, #tpu.memory_space<semaphore_mem>>) src(%dma_wait3A_737 : memref<8x128xf32, #tpu.memory_space<vmem>>) dst(%dma_wait3A_733 : memref<8x128xf32, #tpu.memory_space<hbm>>)
    %dma_wait3A_738 = arith.constant 1 : i32
    %dma_wait3A_739 = arith.constant 197 : i32
    %dma_wait3A_740 = arith.constant 1 : i32
    %dma_wait3A_741 = arith.constant 8 : i32
    %dma_wait3A_742 = arith.constant 0 : i32
    %dma_wait3A_743 = tpu.memref_slice %arg7[%dma_wait3A_738, %dma_wait3A_741, %dma_wait3A_742] : memref<2x64x128xf32, #tpu.memory_space<vmem>> -> memref<1x8x128xf32, #tpu.memory_space<vmem>>
    %dma_wait3A_744 = tpu.memref_squeeze %dma_wait3A_743 : memref<1x8x128xf32, #tpu.memory_space<vmem>> -> memref<8x128xf32, #tpu.memory_space<vmem>>
    %dma_wait3A_745 = arith.constant 0 : i32
    %dma_wait3A_746 = arith.constant 0 : i32
    %dma_wait3A_747 = tpu.memref_slice %arg4[%dma_wait3A_739, %dma_wait3A_740, %add3A, %dma_wait3A_745, %dma_wait3A_746] : memref<200x8x32x8x128xf32, #tpu.memory_space<hbm>> -> memref<1x1x1x8x128xf32, #tpu.memory_space<hbm>>
    %dma_wait3A_748 = tpu.memref_squeeze %dma_wait3A_747 : memref<1x1x1x8x128xf32, #tpu.memory_space<hbm>> -> memref<8x128xf32, #tpu.memory_space<hbm>>
    %dma_wait3A_749 = arith.constant 0 : i32
    %dma_wait3A_750 = arith.constant 0 : i32
    %dma_wait3A_751 = tpu.memref_slice %arg4[%dma_wait3A_739, %dma_wait3A_740, %add3A, %dma_wait3A_749, %dma_wait3A_750] : memref<200x8x32x8x128xf32, #tpu.memory_space<hbm>> -> memref<1x1x1x8x128xf32, #tpu.memory_space<hbm>>
    %dma_wait3A_752 = tpu.memref_squeeze %dma_wait3A_751 : memref<1x1x1x8x128xf32, #tpu.memory_space<hbm>> -> memref<8x128xf32, #tpu.memory_space<hbm>>
    %dma_wait3A_753 = arith.constant 8 : i32
    %dma_wait3A_754 = arith.constant 0 : i32
    %dma_wait3A_755 = tpu.memref_slice %arg7[%dma_wait3A_738, %dma_wait3A_753, %dma_wait3A_754] : memref<2x64x128xf32, #tpu.memory_space<vmem>> -> memref<1x8x128xf32, #tpu.memory_space<vmem>>
    %dma_wait3A_756 = tpu.memref_squeeze %dma_wait3A_755 : memref<1x8x128xf32, #tpu.memory_space<vmem>> -> memref<8x128xf32, #tpu.memory_space<vmem>>
    tpu.wait_dma2 semaphore(%arg10 : memref<!tpu.dma_semaphore, #tpu.memory_space<semaphore_mem>>) src(%dma_wait3A_756 : memref<8x128xf32, #tpu.memory_space<vmem>>) dst(%dma_wait3A_752 : memref<8x128xf32, #tpu.memory_space<hbm>>)
    %dma_wait3A_757 = arith.constant 1 : i32
    %dma_wait3A_758 = arith.constant 197 : i32
    %dma_wait3A_759 = arith.constant 2 : i32
    %dma_wait3A_760 = arith.constant 16 : i32
    %dma_wait3A_761 = arith.constant 0 : i32
    %dma_wait3A_762 = tpu.memref_slice %arg7[%dma_wait3A_757, %dma_wait3A_760, %dma_wait3A_761] : memref<2x64x128xf32, #tpu.memory_space<vmem>> -> memref<1x8x128xf32, #tpu.memory_space<vmem>>
    %dma_wait3A_763 = tpu.memref_squeeze %dma_wait3A_762 : memref<1x8x128xf32, #tpu.memory_space<vmem>> -> memref<8x128xf32, #tpu.memory_space<vmem>>
    %dma_wait3A_764 = arith.constant 0 : i32
    %dma_wait3A_765 = arith.constant 0 : i32
    %dma_wait3A_766 = tpu.memref_slice %arg4[%dma_wait3A_758, %dma_wait3A_759, %add3A, %dma_wait3A_764, %dma_wait3A_765] : memref<200x8x32x8x128xf32, #tpu.memory_space<hbm>> -> memref<1x1x1x8x128xf32, #tpu.memory_space<hbm>>
    %dma_wait3A_767 = tpu.memref_squeeze %dma_wait3A_766 : memref<1x1x1x8x128xf32, #tpu.memory_space<hbm>> -> memref<8x128xf32, #tpu.memory_space<hbm>>
    %dma_wait3A_768 = arith.constant 0 : i32
    %dma_wait3A_769 = arith.constant 0 : i32
    %dma_wait3A_770 = tpu.memref_slice %arg4[%dma_wait3A_758, %dma_wait3A_759, %add3A, %dma_wait3A_768, %dma_wait3A_769] : memref<200x8x32x8x128xf32, #tpu.memory_space<hbm>> -> memref<1x1x1x8x128xf32, #tpu.memory_space<hbm>>
    %dma_wait3A_771 = tpu.memref_squeeze %dma_wait3A_770 : memref<1x1x1x8x128xf32, #tpu.memory_space<hbm>> -> memref<8x128xf32, #tpu.memory_space<hbm>>
    %dma_wait3A_772 = arith.constant 16 : i32
    %dma_wait3A_773 = arith.constant 0 : i32
    %dma_wait3A_774 = tpu.memref_slice %arg7[%dma_wait3A_757, %dma_wait3A_772, %dma_wait3A_773] : memref<2x64x128xf32, #tpu.memory_space<vmem>> -> memref<1x8x128xf32, #tpu.memory_space<vmem>>
    %dma_wait3A_775 = tpu.memref_squeeze %dma_wait3A_774 : memref<1x8x128xf32, #tpu.memory_space<vmem>> -> memref<8x128xf32, #tpu.memory_space<vmem>>
    tpu.wait_dma2 semaphore(%arg10 : memref<!tpu.dma_semaphore, #tpu.memory_space<semaphore_mem>>) src(%dma_wait3A_775 : memref<8x128xf32, #tpu.memory_space<vmem>>) dst(%dma_wait3A_771 : memref<8x128xf32, #tpu.memory_space<hbm>>)
    %dma_wait3A_776 = arith.constant 1 : i32
    %dma_wait3A_777 = arith.constant 197 : i32
    %dma_wait3A_778 = arith.constant 3 : i32
    %dma_wait3A_779 = arith.constant 24 : i32
    %dma_wait3A_780 = arith.constant 0 : i32
    %dma_wait3A_781 = tpu.memref_slice %arg7[%dma_wait3A_776, %dma_wait3A_779, %dma_wait3A_780] : memref<2x64x128xf32, #tpu.memory_space<vmem>> -> memref<1x8x128xf32, #tpu.memory_space<vmem>>
    %dma_wait3A_782 = tpu.memref_squeeze %dma_wait3A_781 : memref<1x8x128xf32, #tpu.memory_space<vmem>> -> memref<8x128xf32, #tpu.memory_space<vmem>>
    %dma_wait3A_783 = arith.constant 0 : i32
    %dma_wait3A_784 = arith.constant 0 : i32
    %dma_wait3A_785 = tpu.memref_slice %arg4[%dma_wait3A_777, %dma_wait3A_778, %add3A, %dma_wait3A_783, %dma_wait3A_784] : memref<200x8x32x8x128xf32, #tpu.memory_space<hbm>> -> memref<1x1x1x8x128xf32, #tpu.memory_space<hbm>>
    %dma_wait3A_786 = tpu.memref_squeeze %dma_wait3A_785 : memref<1x1x1x8x128xf32, #tpu.memory_space<hbm>> -> memref<8x128xf32, #tpu.memory_space<hbm>>
    %dma_wait3A_787 = arith.constant 0 : i32
    %dma_wait3A_788 = arith.constant 0 : i32
    %dma_wait3A_789 = tpu.memref_slice %arg4[%dma_wait3A_777, %dma_wait3A_778, %add3A, %dma_wait3A_787, %dma_wait3A_788] : memref<200x8x32x8x128xf32, #tpu.memory_space<hbm>> -> memref<1x1x1x8x128xf32, #tpu.memory_space<hbm>>
    %dma_wait3A_790 = tpu.memref_squeeze %dma_wait3A_789 : memref<1x1x1x8x128xf32, #tpu.memory_space<hbm>> -> memref<8x128xf32, #tpu.memory_space<hbm>>
    %dma_wait3A_791 = arith.constant 24 : i32
    %dma_wait3A_792 = arith.constant 0 : i32
    %dma_wait3A_793 = tpu.memref_slice %arg7[%dma_wait3A_776, %dma_wait3A_791, %dma_wait3A_792] : memref<2x64x128xf32, #tpu.memory_space<vmem>> -> memref<1x8x128xf32, #tpu.memory_space<vmem>>
    %dma_wait3A_794 = tpu.memref_squeeze %dma_wait3A_793 : memref<1x8x128xf32, #tpu.memory_space<vmem>> -> memref<8x128xf32, #tpu.memory_space<vmem>>
    tpu.wait_dma2 semaphore(%arg10 : memref<!tpu.dma_semaphore, #tpu.memory_space<semaphore_mem>>) src(%dma_wait3A_794 : memref<8x128xf32, #tpu.memory_space<vmem>>) dst(%dma_wait3A_790 : memref<8x128xf32, #tpu.memory_space<hbm>>)
    %dma_wait3A_795 = arith.constant 1 : i32
    %dma_wait3A_796 = arith.constant 197 : i32
    %dma_wait3A_797 = arith.constant 4 : i32
    %dma_wait3A_798 = arith.constant 32 : i32
    %dma_wait3A_799 = arith.constant 0 : i32
    %dma_wait3A_800 = tpu.memref_slice %arg7[%dma_wait3A_795, %dma_wait3A_798, %dma_wait3A_799] : memref<2x64x128xf32, #tpu.memory_space<vmem>> -> memref<1x8x128xf32, #tpu.memory_space<vmem>>
    %dma_wait3A_801 = tpu.memref_squeeze %dma_wait3A_800 : memref<1x8x128xf32, #tpu.memory_space<vmem>> -> memref<8x128xf32, #tpu.memory_space<vmem>>
    %dma_wait3A_802 = arith.constant 0 : i32
    %dma_wait3A_803 = arith.constant 0 : i32
    %dma_wait3A_804 = tpu.memref_slice %arg4[%dma_wait3A_796, %dma_wait3A_797, %add3A, %dma_wait3A_802, %dma_wait3A_803] : memref<200x8x32x8x128xf32, #tpu.memory_space<hbm>> -> memref<1x1x1x8x128xf32, #tpu.memory_space<hbm>>
    %dma_wait3A_805 = tpu.memref_squeeze %dma_wait3A_804 : memref<1x1x1x8x128xf32, #tpu.memory_space<hbm>> -> memref<8x128xf32, #tpu.memory_space<hbm>>
    %dma_wait3A_806 = arith.constant 0 : i32
    %dma_wait3A_807 = arith.constant 0 : i32
    %dma_wait3A_808 = tpu.memref_slice %arg4[%dma_wait3A_796, %dma_wait3A_797, %add3A, %dma_wait3A_806, %dma_wait3A_807] : memref<200x8x32x8x128xf32, #tpu.memory_space<hbm>> -> memref<1x1x1x8x128xf32, #tpu.memory_space<hbm>>
    %dma_wait3A_809 = tpu.memref_squeeze %dma_wait3A_808 : memref<1x1x1x8x128xf32, #tpu.memory_space<hbm>> -> memref<8x128xf32, #tpu.memory_space<hbm>>
    %dma_wait3A_810 = arith.constant 32 : i32
    %dma_wait3A_811 = arith.constant 0 : i32
    %dma_wait3A_812 = tpu.memref_slice %arg7[%dma_wait3A_795, %dma_wait3A_810, %dma_wait3A_811] : memref<2x64x128xf32, #tpu.memory_space<vmem>> -> memref<1x8x128xf32, #tpu.memory_space<vmem>>
    %dma_wait3A_813 = tpu.memref_squeeze %dma_wait3A_812 : memref<1x8x128xf32, #tpu.memory_space<vmem>> -> memref<8x128xf32, #tpu.memory_space<vmem>>
    tpu.wait_dma2 semaphore(%arg10 : memref<!tpu.dma_semaphore, #tpu.memory_space<semaphore_mem>>) src(%dma_wait3A_813 : memref<8x128xf32, #tpu.memory_space<vmem>>) dst(%dma_wait3A_809 : memref<8x128xf32, #tpu.memory_space<hbm>>)
    %dma_wait3A_814 = arith.constant 1 : i32
    %dma_wait3A_815 = arith.constant 197 : i32
    %dma_wait3A_816 = arith.constant 5 : i32
    %dma_wait3A_817 = arith.constant 40 : i32
    %dma_wait3A_818 = arith.constant 0 : i32
    %dma_wait3A_819 = tpu.memref_slice %arg7[%dma_wait3A_814, %dma_wait3A_817, %dma_wait3A_818] : memref<2x64x128xf32, #tpu.memory_space<vmem>> -> memref<1x8x128xf32, #tpu.memory_space<vmem>>
    %dma_wait3A_820 = tpu.memref_squeeze %dma_wait3A_819 : memref<1x8x128xf32, #tpu.memory_space<vmem>> -> memref<8x128xf32, #tpu.memory_space<vmem>>
    %dma_wait3A_821 = arith.constant 0 : i32
    %dma_wait3A_822 = arith.constant 0 : i32
    %dma_wait3A_823 = tpu.memref_slice %arg4[%dma_wait3A_815, %dma_wait3A_816, %add3A, %dma_wait3A_821, %dma_wait3A_822] : memref<200x8x32x8x128xf32, #tpu.memory_space<hbm>> -> memref<1x1x1x8x128xf32, #tpu.memory_space<hbm>>
    %dma_wait3A_824 = tpu.memref_squeeze %dma_wait3A_823 : memref<1x1x1x8x128xf32, #tpu.memory_space<hbm>> -> memref<8x128xf32, #tpu.memory_space<hbm>>
    %dma_wait3A_825 = arith.constant 0 : i32
    %dma_wait3A_826 = arith.constant 0 : i32
    %dma_wait3A_827 = tpu.memref_slice %arg4[%dma_wait3A_815, %dma_wait3A_816, %add3A, %dma_wait3A_825, %dma_wait3A_826] : memref<200x8x32x8x128xf32, #tpu.memory_space<hbm>> -> memref<1x1x1x8x128xf32, #tpu.memory_space<hbm>>
    %dma_wait3A_828 = tpu.memref_squeeze %dma_wait3A_827 : memref<1x1x1x8x128xf32, #tpu.memory_space<hbm>> -> memref<8x128xf32, #tpu.memory_space<hbm>>
    %dma_wait3A_829 = arith.constant 40 : i32
    %dma_wait3A_830 = arith.constant 0 : i32
    %dma_wait3A_831 = tpu.memref_slice %arg7[%dma_wait3A_814, %dma_wait3A_829, %dma_wait3A_830] : memref<2x64x128xf32, #tpu.memory_space<vmem>> -> memref<1x8x128xf32, #tpu.memory_space<vmem>>
    %dma_wait3A_832 = tpu.memref_squeeze %dma_wait3A_831 : memref<1x8x128xf32, #tpu.memory_space<vmem>> -> memref<8x128xf32, #tpu.memory_space<vmem>>
    tpu.wait_dma2 semaphore(%arg10 : memref<!tpu.dma_semaphore, #tpu.memory_space<semaphore_mem>>) src(%dma_wait3A_832 : memref<8x128xf32, #tpu.memory_space<vmem>>) dst(%dma_wait3A_828 : memref<8x128xf32, #tpu.memory_space<hbm>>)
    %dma_wait3A_833 = arith.constant 1 : i32
    %dma_wait3A_834 = arith.constant 197 : i32
    %dma_wait3A_835 = arith.constant 6 : i32
    %dma_wait3A_836 = arith.constant 48 : i32
    %dma_wait3A_837 = arith.constant 0 : i32
    %dma_wait3A_838 = tpu.memref_slice %arg7[%dma_wait3A_833, %dma_wait3A_836, %dma_wait3A_837] : memref<2x64x128xf32, #tpu.memory_space<vmem>> -> memref<1x8x128xf32, #tpu.memory_space<vmem>>
    %dma_wait3A_839 = tpu.memref_squeeze %dma_wait3A_838 : memref<1x8x128xf32, #tpu.memory_space<vmem>> -> memref<8x128xf32, #tpu.memory_space<vmem>>
    %dma_wait3A_840 = arith.constant 0 : i32
    %dma_wait3A_841 = arith.constant 0 : i32
    %dma_wait3A_842 = tpu.memref_slice %arg4[%dma_wait3A_834, %dma_wait3A_835, %add3A, %dma_wait3A_840, %dma_wait3A_841] : memref<200x8x32x8x128xf32, #tpu.memory_space<hbm>> -> memref<1x1x1x8x128xf32, #tpu.memory_space<hbm>>
    %dma_wait3A_843 = tpu.memref_squeeze %dma_wait3A_842 : memref<1x1x1x8x128xf32, #tpu.memory_space<hbm>> -> memref<8x128xf32, #tpu.memory_space<hbm>>
    %dma_wait3A_844 = arith.constant 0 : i32
    %dma_wait3A_845 = arith.constant 0 : i32
    %dma_wait3A_846 = tpu.memref_slice %arg4[%dma_wait3A_834, %dma_wait3A_835, %add3A, %dma_wait3A_844, %dma_wait3A_845] : memref<200x8x32x8x128xf32, #tpu.memory_space<hbm>> -> memref<1x1x1x8x128xf32, #tpu.memory_space<hbm>>
    %dma_wait3A_847 = tpu.memref_squeeze %dma_wait3A_846 : memref<1x1x1x8x128xf32, #tpu.memory_space<hbm>> -> memref<8x128xf32, #tpu.memory_space<hbm>>
    %dma_wait3A_848 = arith.constant 48 : i32
    %dma_wait3A_849 = arith.constant 0 : i32
    %dma_wait3A_850 = tpu.memref_slice %arg7[%dma_wait3A_833, %dma_wait3A_848, %dma_wait3A_849] : memref<2x64x128xf32, #tpu.memory_space<vmem>> -> memref<1x8x128xf32, #tpu.memory_space<vmem>>
    %dma_wait3A_851 = tpu.memref_squeeze %dma_wait3A_850 : memref<1x8x128xf32, #tpu.memory_space<vmem>> -> memref<8x128xf32, #tpu.memory_space<vmem>>
    tpu.wait_dma2 semaphore(%arg10 : memref<!tpu.dma_semaphore, #tpu.memory_space<semaphore_mem>>) src(%dma_wait3A_851 : memref<8x128xf32, #tpu.memory_space<vmem>>) dst(%dma_wait3A_847 : memref<8x128xf32, #tpu.memory_space<hbm>>)
    %dma_wait3A_852 = arith.constant 1 : i32
    %dma_wait3A_853 = arith.constant 197 : i32
    %dma_wait3A_854 = arith.constant 7 : i32
    %dma_wait3A_855 = arith.constant 56 : i32
    %dma_wait3A_856 = arith.constant 0 : i32
    %dma_wait3A_857 = tpu.memref_slice %arg7[%dma_wait3A_852, %dma_wait3A_855, %dma_wait3A_856] : memref<2x64x128xf32, #tpu.memory_space<vmem>> -> memref<1x8x128xf32, #tpu.memory_space<vmem>>
    %dma_wait3A_858 = tpu.memref_squeeze %dma_wait3A_857 : memref<1x8x128xf32, #tpu.memory_space<vmem>> -> memref<8x128xf32, #tpu.memory_space<vmem>>
    %dma_wait3A_859 = arith.constant 0 : i32
    %dma_wait3A_860 = arith.constant 0 : i32
    %dma_wait3A_861 = tpu.memref_slice %arg4[%dma_wait3A_853, %dma_wait3A_854, %add3A, %dma_wait3A_859, %dma_wait3A_860] : memref<200x8x32x8x128xf32, #tpu.memory_space<hbm>> -> memref<1x1x1x8x128xf32, #tpu.memory_space<hbm>>
    %dma_wait3A_862 = tpu.memref_squeeze %dma_wait3A_861 : memref<1x1x1x8x128xf32, #tpu.memory_space<hbm>> -> memref<8x128xf32, #tpu.memory_space<hbm>>
    %dma_wait3A_863 = arith.constant 0 : i32
    %dma_wait3A_864 = arith.constant 0 : i32
    %dma_wait3A_865 = tpu.memref_slice %arg4[%dma_wait3A_853, %dma_wait3A_854, %add3A, %dma_wait3A_863, %dma_wait3A_864] : memref<200x8x32x8x128xf32, #tpu.memory_space<hbm>> -> memref<1x1x1x8x128xf32, #tpu.memory_space<hbm>>
    %dma_wait3A_866 = tpu.memref_squeeze %dma_wait3A_865 : memref<1x1x1x8x128xf32, #tpu.memory_space<hbm>> -> memref<8x128xf32, #tpu.memory_space<hbm>>
    %dma_wait3A_867 = arith.constant 56 : i32
    %dma_wait3A_868 = arith.constant 0 : i32
    %dma_wait3A_869 = tpu.memref_slice %arg7[%dma_wait3A_852, %dma_wait3A_867, %dma_wait3A_868] : memref<2x64x128xf32, #tpu.memory_space<vmem>> -> memref<1x8x128xf32, #tpu.memory_space<vmem>>
    %dma_wait3A_870 = tpu.memref_squeeze %dma_wait3A_869 : memref<1x8x128xf32, #tpu.memory_space<vmem>> -> memref<8x128xf32, #tpu.memory_space<vmem>>
    tpu.wait_dma2 semaphore(%arg10 : memref<!tpu.dma_semaphore, #tpu.memory_space<semaphore_mem>>) src(%dma_wait3A_870 : memref<8x128xf32, #tpu.memory_space<vmem>>) dst(%dma_wait3A_866 : memref<8x128xf32, #tpu.memory_space<hbm>>)
    %dma_wait3A_871 = arith.constant 199 : i32
    %dma_wait3A_872 = arith.constant 1 : i32
    %dma_wait3A_873 = arith.constant 0 : i32
    %dma_wait3A_874 = arith.constant 0 : i32
    %dma_wait3A_875 = tpu.memref_slice %arg6[%dma_wait3A_872, %dma_wait3A_873, %dma_wait3A_874] : memref<2x128x128xf32, #tpu.memory_space<vmem>> -> memref<1x128x128xf32, #tpu.memory_space<vmem>>
    %dma_wait3A_876 = tpu.memref_squeeze %dma_wait3A_875 : memref<1x128x128xf32, #tpu.memory_space<vmem>> -> memref<128x128xf32, #tpu.memory_space<vmem>>
    %dma_wait3A_877 = arith.constant 0 : i32
    %dma_wait3A_878 = tpu.memref_slice %arg5[%dma_wait3A_871, %dma_wait3A_877] : memref<200x128xi32, #tpu.memory_space<vmem>> -> memref<1x128xi32, #tpu.memory_space<vmem>>
    %dma_wait3A_879 = tpu.memref_squeeze %dma_wait3A_878 : memref<1x128xi32, #tpu.memory_space<vmem>> -> memref<128xi32, #tpu.memory_space<vmem>>
    %dma_wait3A_880 = arith.constant 0 : i32
    %dma_wait3A_881 = arith.constant 0 : i32
    %dma_wait3A_882 = tpu.memref_slice %arg2[%dma_wait3A_880, %dma_wait3A_881] : memref<1000000x128xf32, #tpu.memory_space<hbm>> -> memref<1000000x128xf32, #tpu.memory_space<hbm>>
    tpu.wait_indirect_dma semaphore(%arg9 : memref<!tpu.dma_semaphore, #tpu.memory_space<semaphore_mem>>) src(%dma_wait3A_882 : memref<1000000x128xf32, #tpu.memory_space<hbm>>) dst(%dma_wait3A_876 : memref<128x128xf32, #tpu.memory_space<vmem>>)
    %dma_start3A_883 = arith.constant 1 : i32
    %dma_start3A_884 = arith.constant 199 : i32
    %dma_start3A_885 = arith.constant 0 : i32
    %dma_start3A_886 = arith.constant 0 : i32
    %dma_start3A_887 = arith.constant 0 : i32
    %dma_start3A_888 = tpu.memref_slice %arg7[%dma_start3A_883, %dma_start3A_886, %dma_start3A_887] : memref<2x64x128xf32, #tpu.memory_space<vmem>> -> memref<1x8x128xf32, #tpu.memory_space<vmem>>
    %dma_start3A_889 = tpu.memref_squeeze %dma_start3A_888 : memref<1x8x128xf32, #tpu.memory_space<vmem>> -> memref<8x128xf32, #tpu.memory_space<vmem>>
    %dma_start3A_890 = arith.constant 0 : i32
    %dma_start3A_891 = arith.constant 0 : i32
    %dma_start3A_892 = tpu.memref_slice %arg4[%dma_start3A_884, %dma_start3A_885, %add3A, %dma_start3A_890, %dma_start3A_891] : memref<200x8x32x8x128xf32, #tpu.memory_space<hbm>> -> memref<1x1x1x8x128xf32, #tpu.memory_space<hbm>>
    %dma_start3A_893 = tpu.memref_squeeze %dma_start3A_892 : memref<1x1x1x8x128xf32, #tpu.memory_space<hbm>> -> memref<8x128xf32, #tpu.memory_space<hbm>>
    %dma_start3A_894 = arith.constant 0 : i32
    %dma_start3A_895 = arith.constant 0 : i32
    %dma_start3A_896 = tpu.memref_slice %arg4[%dma_start3A_884, %dma_start3A_885, %add3A, %dma_start3A_894, %dma_start3A_895] : memref<200x8x32x8x128xf32, #tpu.memory_space<hbm>> -> memref<1x1x1x8x128xf32, #tpu.memory_space<hbm>>
    %dma_start3A_897 = tpu.memref_squeeze %dma_start3A_896 : memref<1x1x1x8x128xf32, #tpu.memory_space<hbm>> -> memref<8x128xf32, #tpu.memory_space<hbm>>
    %dma_start3A_898 = arith.constant 0 : i32
    %dma_start3A_899 = arith.constant 0 : i32
    %dma_start3A_900 = tpu.memref_slice %arg7[%dma_start3A_883, %dma_start3A_898, %dma_start3A_899] : memref<2x64x128xf32, #tpu.memory_space<vmem>> -> memref<1x8x128xf32, #tpu.memory_space<vmem>>
    %dma_start3A_901 = tpu.memref_squeeze %dma_start3A_900 : memref<1x8x128xf32, #tpu.memory_space<vmem>> -> memref<8x128xf32, #tpu.memory_space<vmem>>
    tpu.enqueue_dma source(%dma_start3A_901 : memref<8x128xf32, #tpu.memory_space<vmem>>) target(%dma_start3A_897 : memref<8x128xf32, #tpu.memory_space<hbm>>) target_semaphore(%arg10 : memref<!tpu.dma_semaphore, #tpu.memory_space<semaphore_mem>>)
    %dma_start3A_902 = arith.constant 1 : i32
    %dma_start3A_903 = arith.constant 199 : i32
    %dma_start3A_904 = arith.constant 1 : i32
    %dma_start3A_905 = arith.constant 8 : i32
    %dma_start3A_906 = arith.constant 0 : i32
    %dma_start3A_907 = tpu.memref_slice %arg7[%dma_start3A_902, %dma_start3A_905, %dma_start3A_906] : memref<2x64x128xf32, #tpu.memory_space<vmem>> -> memref<1x8x128xf32, #tpu.memory_space<vmem>>
    %dma_start3A_908 = tpu.memref_squeeze %dma_start3A_907 : memref<1x8x128xf32, #tpu.memory_space<vmem>> -> memref<8x128xf32, #tpu.memory_space<vmem>>
    %dma_start3A_909 = arith.constant 0 : i32
    %dma_start3A_910 = arith.constant 0 : i32
    %dma_start3A_911 = tpu.memref_slice %arg4[%dma_start3A_903, %dma_start3A_904, %add3A, %dma_start3A_909, %dma_start3A_910] : memref<200x8x32x8x128xf32, #tpu.memory_space<hbm>> -> memref<1x1x1x8x128xf32, #tpu.memory_space<hbm>>
    %dma_start3A_912 = tpu.memref_squeeze %dma_start3A_911 : memref<1x1x1x8x128xf32, #tpu.memory_space<hbm>> -> memref<8x128xf32, #tpu.memory_space<hbm>>
    %dma_start3A_913 = arith.constant 0 : i32
    %dma_start3A_914 = arith.constant 0 : i32
    %dma_start3A_915 = tpu.memref_slice %arg4[%dma_start3A_903, %dma_start3A_904, %add3A, %dma_start3A_913, %dma_start3A_914] : memref<200x8x32x8x128xf32, #tpu.memory_space<hbm>> -> memref<1x1x1x8x128xf32, #tpu.memory_space<hbm>>
    %dma_start3A_916 = tpu.memref_squeeze %dma_start3A_915 : memref<1x1x1x8x128xf32, #tpu.memory_space<hbm>> -> memref<8x128xf32, #tpu.memory_space<hbm>>
    %dma_start3A_917 = arith.constant 8 : i32
    %dma_start3A_918 = arith.constant 0 : i32
    %dma_start3A_919 = tpu.memref_slice %arg7[%dma_start3A_902, %dma_start3A_917, %dma_start3A_918] : memref<2x64x128xf32, #tpu.memory_space<vmem>> -> memref<1x8x128xf32, #tpu.memory_space<vmem>>
    %dma_start3A_920 = tpu.memref_squeeze %dma_start3A_919 : memref<1x8x128xf32, #tpu.memory_space<vmem>> -> memref<8x128xf32, #tpu.memory_space<vmem>>
    tpu.enqueue_dma source(%dma_start3A_920 : memref<8x128xf32, #tpu.memory_space<vmem>>) target(%dma_start3A_916 : memref<8x128xf32, #tpu.memory_space<hbm>>) target_semaphore(%arg10 : memref<!tpu.dma_semaphore, #tpu.memory_space<semaphore_mem>>)
    %dma_start3A_921 = arith.constant 1 : i32
    %dma_start3A_922 = arith.constant 199 : i32
    %dma_start3A_923 = arith.constant 2 : i32
    %dma_start3A_924 = arith.constant 16 : i32
    %dma_start3A_925 = arith.constant 0 : i32
    %dma_start3A_926 = tpu.memref_slice %arg7[%dma_start3A_921, %dma_start3A_924, %dma_start3A_925] : memref<2x64x128xf32, #tpu.memory_space<vmem>> -> memref<1x8x128xf32, #tpu.memory_space<vmem>>
    %dma_start3A_927 = tpu.memref_squeeze %dma_start3A_926 : memref<1x8x128xf32, #tpu.memory_space<vmem>> -> memref<8x128xf32, #tpu.memory_space<vmem>>
    %dma_start3A_928 = arith.constant 0 : i32
    %dma_start3A_929 = arith.constant 0 : i32
    %dma_start3A_930 = tpu.memref_slice %arg4[%dma_start3A_922, %dma_start3A_923, %add3A, %dma_start3A_928, %dma_start3A_929] : memref<200x8x32x8x128xf32, #tpu.memory_space<hbm>> -> memref<1x1x1x8x128xf32, #tpu.memory_space<hbm>>
    %dma_start3A_931 = tpu.memref_squeeze %dma_start3A_930 : memref<1x1x1x8x128xf32, #tpu.memory_space<hbm>> -> memref<8x128xf32, #tpu.memory_space<hbm>>
    %dma_start3A_932 = arith.constant 0 : i32
    %dma_start3A_933 = arith.constant 0 : i32
    %dma_start3A_934 = tpu.memref_slice %arg4[%dma_start3A_922, %dma_start3A_923, %add3A, %dma_start3A_932, %dma_start3A_933] : memref<200x8x32x8x128xf32, #tpu.memory_space<hbm>> -> memref<1x1x1x8x128xf32, #tpu.memory_space<hbm>>
    %dma_start3A_935 = tpu.memref_squeeze %dma_start3A_934 : memref<1x1x1x8x128xf32, #tpu.memory_space<hbm>> -> memref<8x128xf32, #tpu.memory_space<hbm>>
    %dma_start3A_936 = arith.constant 16 : i32
    %dma_start3A_937 = arith.constant 0 : i32
    %dma_start3A_938 = tpu.memref_slice %arg7[%dma_start3A_921, %dma_start3A_936, %dma_start3A_937] : memref<2x64x128xf32, #tpu.memory_space<vmem>> -> memref<1x8x128xf32, #tpu.memory_space<vmem>>
    %dma_start3A_939 = tpu.memref_squeeze %dma_start3A_938 : memref<1x8x128xf32, #tpu.memory_space<vmem>> -> memref<8x128xf32, #tpu.memory_space<vmem>>
    tpu.enqueue_dma source(%dma_start3A_939 : memref<8x128xf32, #tpu.memory_space<vmem>>) target(%dma_start3A_935 : memref<8x128xf32, #tpu.memory_space<hbm>>) target_semaphore(%arg10 : memref<!tpu.dma_semaphore, #tpu.memory_space<semaphore_mem>>)
    %dma_start3A_940 = arith.constant 1 : i32
    %dma_start3A_941 = arith.constant 199 : i32
    %dma_start3A_942 = arith.constant 3 : i32
    %dma_start3A_943 = arith.constant 24 : i32
    %dma_start3A_944 = arith.constant 0 : i32
    %dma_start3A_945 = tpu.memref_slice %arg7[%dma_start3A_940, %dma_start3A_943, %dma_start3A_944] : memref<2x64x128xf32, #tpu.memory_space<vmem>> -> memref<1x8x128xf32, #tpu.memory_space<vmem>>
    %dma_start3A_946 = tpu.memref_squeeze %dma_start3A_945 : memref<1x8x128xf32, #tpu.memory_space<vmem>> -> memref<8x128xf32, #tpu.memory_space<vmem>>
    %dma_start3A_947 = arith.constant 0 : i32
    %dma_start3A_948 = arith.constant 0 : i32
    %dma_start3A_949 = tpu.memref_slice %arg4[%dma_start3A_941, %dma_start3A_942, %add3A, %dma_start3A_947, %dma_start3A_948] : memref<200x8x32x8x128xf32, #tpu.memory_space<hbm>> -> memref<1x1x1x8x128xf32, #tpu.memory_space<hbm>>
    %dma_start3A_950 = tpu.memref_squeeze %dma_start3A_949 : memref<1x1x1x8x128xf32, #tpu.memory_space<hbm>> -> memref<8x128xf32, #tpu.memory_space<hbm>>
    %dma_start3A_951 = arith.constant 0 : i32
    %dma_start3A_952 = arith.constant 0 : i32
    %dma_start3A_953 = tpu.memref_slice %arg4[%dma_start3A_941, %dma_start3A_942, %add3A, %dma_start3A_951, %dma_start3A_952] : memref<200x8x32x8x128xf32, #tpu.memory_space<hbm>> -> memref<1x1x1x8x128xf32, #tpu.memory_space<hbm>>
    %dma_start3A_954 = tpu.memref_squeeze %dma_start3A_953 : memref<1x1x1x8x128xf32, #tpu.memory_space<hbm>> -> memref<8x128xf32, #tpu.memory_space<hbm>>
    %dma_start3A_955 = arith.constant 24 : i32
    %dma_start3A_956 = arith.constant 0 : i32
    %dma_start3A_957 = tpu.memref_slice %arg7[%dma_start3A_940, %dma_start3A_955, %dma_start3A_956] : memref<2x64x128xf32, #tpu.memory_space<vmem>> -> memref<1x8x128xf32, #tpu.memory_space<vmem>>
    %dma_start3A_958 = tpu.memref_squeeze %dma_start3A_957 : memref<1x8x128xf32, #tpu.memory_space<vmem>> -> memref<8x128xf32, #tpu.memory_space<vmem>>
    tpu.enqueue_dma source(%dma_start3A_958 : memref<8x128xf32, #tpu.memory_space<vmem>>) target(%dma_start3A_954 : memref<8x128xf32, #tpu.memory_space<hbm>>) target_semaphore(%arg10 : memref<!tpu.dma_semaphore, #tpu.memory_space<semaphore_mem>>)
    %dma_start3A_959 = arith.constant 1 : i32
    %dma_start3A_960 = arith.constant 199 : i32
    %dma_start3A_961 = arith.constant 4 : i32
    %dma_start3A_962 = arith.constant 32 : i32
    %dma_start3A_963 = arith.constant 0 : i32
    %dma_start3A_964 = tpu.memref_slice %arg7[%dma_start3A_959, %dma_start3A_962, %dma_start3A_963] : memref<2x64x128xf32, #tpu.memory_space<vmem>> -> memref<1x8x128xf32, #tpu.memory_space<vmem>>
    %dma_start3A_965 = tpu.memref_squeeze %dma_start3A_964 : memref<1x8x128xf32, #tpu.memory_space<vmem>> -> memref<8x128xf32, #tpu.memory_space<vmem>>
    %dma_start3A_966 = arith.constant 0 : i32
    %dma_start3A_967 = arith.constant 0 : i32
    %dma_start3A_968 = tpu.memref_slice %arg4[%dma_start3A_960, %dma_start3A_961, %add3A, %dma_start3A_966, %dma_start3A_967] : memref<200x8x32x8x128xf32, #tpu.memory_space<hbm>> -> memref<1x1x1x8x128xf32, #tpu.memory_space<hbm>>
    %dma_start3A_969 = tpu.memref_squeeze %dma_start3A_968 : memref<1x1x1x8x128xf32, #tpu.memory_space<hbm>> -> memref<8x128xf32, #tpu.memory_space<hbm>>
    %dma_start3A_970 = arith.constant 0 : i32
    %dma_start3A_971 = arith.constant 0 : i32
    %dma_start3A_972 = tpu.memref_slice %arg4[%dma_start3A_960, %dma_start3A_961, %add3A, %dma_start3A_970, %dma_start3A_971] : memref<200x8x32x8x128xf32, #tpu.memory_space<hbm>> -> memref<1x1x1x8x128xf32, #tpu.memory_space<hbm>>
    %dma_start3A_973 = tpu.memref_squeeze %dma_start3A_972 : memref<1x1x1x8x128xf32, #tpu.memory_space<hbm>> -> memref<8x128xf32, #tpu.memory_space<hbm>>
    %dma_start3A_974 = arith.constant 32 : i32
    %dma_start3A_975 = arith.constant 0 : i32
    %dma_start3A_976 = tpu.memref_slice %arg7[%dma_start3A_959, %dma_start3A_974, %dma_start3A_975] : memref<2x64x128xf32, #tpu.memory_space<vmem>> -> memref<1x8x128xf32, #tpu.memory_space<vmem>>
    %dma_start3A_977 = tpu.memref_squeeze %dma_start3A_976 : memref<1x8x128xf32, #tpu.memory_space<vmem>> -> memref<8x128xf32, #tpu.memory_space<vmem>>
    tpu.enqueue_dma source(%dma_start3A_977 : memref<8x128xf32, #tpu.memory_space<vmem>>) target(%dma_start3A_973 : memref<8x128xf32, #tpu.memory_space<hbm>>) target_semaphore(%arg10 : memref<!tpu.dma_semaphore, #tpu.memory_space<semaphore_mem>>)
    %dma_start3A_978 = arith.constant 1 : i32
    %dma_start3A_979 = arith.constant 199 : i32
    %dma_start3A_980 = arith.constant 5 : i32
    %dma_start3A_981 = arith.constant 40 : i32
    %dma_start3A_982 = arith.constant 0 : i32
    %dma_start3A_983 = tpu.memref_slice %arg7[%dma_start3A_978, %dma_start3A_981, %dma_start3A_982] : memref<2x64x128xf32, #tpu.memory_space<vmem>> -> memref<1x8x128xf32, #tpu.memory_space<vmem>>
    %dma_start3A_984 = tpu.memref_squeeze %dma_start3A_983 : memref<1x8x128xf32, #tpu.memory_space<vmem>> -> memref<8x128xf32, #tpu.memory_space<vmem>>
    %dma_start3A_985 = arith.constant 0 : i32
    %dma_start3A_986 = arith.constant 0 : i32
    %dma_start3A_987 = tpu.memref_slice %arg4[%dma_start3A_979, %dma_start3A_980, %add3A, %dma_start3A_985, %dma_start3A_986] : memref<200x8x32x8x128xf32, #tpu.memory_space<hbm>> -> memref<1x1x1x8x128xf32, #tpu.memory_space<hbm>>
    %dma_start3A_988 = tpu.memref_squeeze %dma_start3A_987 : memref<1x1x1x8x128xf32, #tpu.memory_space<hbm>> -> memref<8x128xf32, #tpu.memory_space<hbm>>
    %dma_start3A_989 = arith.constant 0 : i32
    %dma_start3A_990 = arith.constant 0 : i32
    %dma_start3A_991 = tpu.memref_slice %arg4[%dma_start3A_979, %dma_start3A_980, %add3A, %dma_start3A_989, %dma_start3A_990] : memref<200x8x32x8x128xf32, #tpu.memory_space<hbm>> -> memref<1x1x1x8x128xf32, #tpu.memory_space<hbm>>
    %dma_start3A_992 = tpu.memref_squeeze %dma_start3A_991 : memref<1x1x1x8x128xf32, #tpu.memory_space<hbm>> -> memref<8x128xf32, #tpu.memory_space<hbm>>
    %dma_start3A_993 = arith.constant 40 : i32
    %dma_start3A_994 = arith.constant 0 : i32
    %dma_start3A_995 = tpu.memref_slice %arg7[%dma_start3A_978, %dma_start3A_993, %dma_start3A_994] : memref<2x64x128xf32, #tpu.memory_space<vmem>> -> memref<1x8x128xf32, #tpu.memory_space<vmem>>
    %dma_start3A_996 = tpu.memref_squeeze %dma_start3A_995 : memref<1x8x128xf32, #tpu.memory_space<vmem>> -> memref<8x128xf32, #tpu.memory_space<vmem>>
    tpu.enqueue_dma source(%dma_start3A_996 : memref<8x128xf32, #tpu.memory_space<vmem>>) target(%dma_start3A_992 : memref<8x128xf32, #tpu.memory_space<hbm>>) target_semaphore(%arg10 : memref<!tpu.dma_semaphore, #tpu.memory_space<semaphore_mem>>)
    %dma_start3A_997 = arith.constant 1 : i32
    %dma_start3A_998 = arith.constant 199 : i32
    %dma_start3A_999 = arith.constant 6 : i32
    %dma_start3A_1000 = arith.constant 48 : i32
    %dma_start3A_1001 = arith.constant 0 : i32
    %dma_start3A_1002 = tpu.memref_slice %arg7[%dma_start3A_997, %dma_start3A_1000, %dma_start3A_1001] : memref<2x64x128xf32, #tpu.memory_space<vmem>> -> memref<1x8x128xf32, #tpu.memory_space<vmem>>
    %dma_start3A_1003 = tpu.memref_squeeze %dma_start3A_1002 : memref<1x8x128xf32, #tpu.memory_space<vmem>> -> memref<8x128xf32, #tpu.memory_space<vmem>>
    %dma_start3A_1004 = arith.constant 0 : i32
    %dma_start3A_1005 = arith.constant 0 : i32
    %dma_start3A_1006 = tpu.memref_slice %arg4[%dma_start3A_998, %dma_start3A_999, %add3A, %dma_start3A_1004, %dma_start3A_1005] : memref<200x8x32x8x128xf32, #tpu.memory_space<hbm>> -> memref<1x1x1x8x128xf32, #tpu.memory_space<hbm>>
    %dma_start3A_1007 = tpu.memref_squeeze %dma_start3A_1006 : memref<1x1x1x8x128xf32, #tpu.memory_space<hbm>> -> memref<8x128xf32, #tpu.memory_space<hbm>>
    %dma_start3A_1008 = arith.constant 0 : i32
    %dma_start3A_1009 = arith.constant 0 : i32
    %dma_start3A_1010 = tpu.memref_slice %arg4[%dma_start3A_998, %dma_start3A_999, %add3A, %dma_start3A_1008, %dma_start3A_1009] : memref<200x8x32x8x128xf32, #tpu.memory_space<hbm>> -> memref<1x1x1x8x128xf32, #tpu.memory_space<hbm>>
    %dma_start3A_1011 = tpu.memref_squeeze %dma_start3A_1010 : memref<1x1x1x8x128xf32, #tpu.memory_space<hbm>> -> memref<8x128xf32, #tpu.memory_space<hbm>>
    %dma_start3A_1012 = arith.constant 48 : i32
    %dma_start3A_1013 = arith.constant 0 : i32
    %dma_start3A_1014 = tpu.memref_slice %arg7[%dma_start3A_997, %dma_start3A_1012, %dma_start3A_1013] : memref<2x64x128xf32, #tpu.memory_space<vmem>> -> memref<1x8x128xf32, #tpu.memory_space<vmem>>
    %dma_start3A_1015 = tpu.memref_squeeze %dma_start3A_1014 : memref<1x8x128xf32, #tpu.memory_space<vmem>> -> memref<8x128xf32, #tpu.memory_space<vmem>>
    tpu.enqueue_dma source(%dma_start3A_1015 : memref<8x128xf32, #tpu.memory_space<vmem>>) target(%dma_start3A_1011 : memref<8x128xf32, #tpu.memory_space<hbm>>) target_semaphore(%arg10 : memref<!tpu.dma_semaphore, #tpu.memory_space<semaphore_mem>>)
    %dma_start3A_1016 = arith.constant 1 : i32
    %dma_start3A_1017 = arith.constant 199 : i32
    %dma_start3A_1018 = arith.constant 7 : i32
    %dma_start3A_1019 = arith.constant 56 : i32
    %dma_start3A_1020 = arith.constant 0 : i32
    %dma_start3A_1021 = tpu.memref_slice %arg7[%dma_start3A_1016, %dma_start3A_1019, %dma_start3A_1020] : memref<2x64x128xf32, #tpu.memory_space<vmem>> -> memref<1x8x128xf32, #tpu.memory_space<vmem>>
    %dma_start3A_1022 = tpu.memref_squeeze %dma_start3A_1021 : memref<1x8x128xf32, #tpu.memory_space<vmem>> -> memref<8x128xf32, #tpu.memory_space<vmem>>
    %dma_start3A_1023 = arith.constant 0 : i32
    %dma_start3A_1024 = arith.constant 0 : i32
    %dma_start3A_1025 = tpu.memref_slice %arg4[%dma_start3A_1017, %dma_start3A_1018, %add3A, %dma_start3A_1023, %dma_start3A_1024] : memref<200x8x32x8x128xf32, #tpu.memory_space<hbm>> -> memref<1x1x1x8x128xf32, #tpu.memory_space<hbm>>
    %dma_start3A_1026 = tpu.memref_squeeze %dma_start3A_1025 : memref<1x1x1x8x128xf32, #tpu.memory_space<hbm>> -> memref<8x128xf32, #tpu.memory_space<hbm>>
    %dma_start3A_1027 = arith.constant 0 : i32
    %dma_start3A_1028 = arith.constant 0 : i32
    %dma_start3A_1029 = tpu.memref_slice %arg4[%dma_start3A_1017, %dma_start3A_1018, %add3A, %dma_start3A_1027, %dma_start3A_1028] : memref<200x8x32x8x128xf32, #tpu.memory_space<hbm>> -> memref<1x1x1x8x128xf32, #tpu.memory_space<hbm>>
    %dma_start3A_1030 = tpu.memref_squeeze %dma_start3A_1029 : memref<1x1x1x8x128xf32, #tpu.memory_space<hbm>> -> memref<8x128xf32, #tpu.memory_space<hbm>>
    %dma_start3A_1031 = arith.constant 56 : i32
    %dma_start3A_1032 = arith.constant 0 : i32
    %dma_start3A_1033 = tpu.memref_slice %arg7[%dma_start3A_1016, %dma_start3A_1031, %dma_start3A_1032] : memref<2x64x128xf32, #tpu.memory_space<vmem>> -> memref<1x8x128xf32, #tpu.memory_space<vmem>>
    %dma_start3A_1034 = tpu.memref_squeeze %dma_start3A_1033 : memref<1x8x128xf32, #tpu.memory_space<vmem>> -> memref<8x128xf32, #tpu.memory_space<vmem>>
    tpu.enqueue_dma source(%dma_start3A_1034 : memref<8x128xf32, #tpu.memory_space<vmem>>) target(%dma_start3A_1030 : memref<8x128xf32, #tpu.memory_space<hbm>>) target_semaphore(%arg10 : memref<!tpu.dma_semaphore, #tpu.memory_space<semaphore_mem>>)
    %dma_wait3A_1035 = arith.constant 0 : i32
    %dma_wait3A_1036 = arith.constant 198 : i32
    %dma_wait3A_1037 = arith.constant 0 : i32
    %dma_wait3A_1038 = arith.constant 0 : i32
    %dma_wait3A_1039 = arith.constant 0 : i32
    %dma_wait3A_1040 = tpu.memref_slice %arg7[%dma_wait3A_1035, %dma_wait3A_1038, %dma_wait3A_1039] : memref<2x64x128xf32, #tpu.memory_space<vmem>> -> memref<1x8x128xf32, #tpu.memory_space<vmem>>
    %dma_wait3A_1041 = tpu.memref_squeeze %dma_wait3A_1040 : memref<1x8x128xf32, #tpu.memory_space<vmem>> -> memref<8x128xf32, #tpu.memory_space<vmem>>
    %dma_wait3A_1042 = arith.constant 0 : i32
    %dma_wait3A_1043 = arith.constant 0 : i32
    %dma_wait3A_1044 = tpu.memref_slice %arg4[%dma_wait3A_1036, %dma_wait3A_1037, %add3A, %dma_wait3A_1042, %dma_wait3A_1043] : memref<200x8x32x8x128xf32, #tpu.memory_space<hbm>> -> memref<1x1x1x8x128xf32, #tpu.memory_space<hbm>>
    %dma_wait3A_1045 = tpu.memref_squeeze %dma_wait3A_1044 : memref<1x1x1x8x128xf32, #tpu.memory_space<hbm>> -> memref<8x128xf32, #tpu.memory_space<hbm>>
    %dma_wait3A_1046 = arith.constant 0 : i32
    %dma_wait3A_1047 = arith.constant 0 : i32
    %dma_wait3A_1048 = tpu.memref_slice %arg4[%dma_wait3A_1036, %dma_wait3A_1037, %add3A, %dma_wait3A_1046, %dma_wait3A_1047] : memref<200x8x32x8x128xf32, #tpu.memory_space<hbm>> -> memref<1x1x1x8x128xf32, #tpu.memory_space<hbm>>
    %dma_wait3A_1049 = tpu.memref_squeeze %dma_wait3A_1048 : memref<1x1x1x8x128xf32, #tpu.memory_space<hbm>> -> memref<8x128xf32, #tpu.memory_space<hbm>>
    %dma_wait3A_1050 = arith.constant 0 : i32
    %dma_wait3A_1051 = arith.constant 0 : i32
    %dma_wait3A_1052 = tpu.memref_slice %arg7[%dma_wait3A_1035, %dma_wait3A_1050, %dma_wait3A_1051] : memref<2x64x128xf32, #tpu.memory_space<vmem>> -> memref<1x8x128xf32, #tpu.memory_space<vmem>>
    %dma_wait3A_1053 = tpu.memref_squeeze %dma_wait3A_1052 : memref<1x8x128xf32, #tpu.memory_space<vmem>> -> memref<8x128xf32, #tpu.memory_space<vmem>>
    tpu.wait_dma2 semaphore(%arg10 : memref<!tpu.dma_semaphore, #tpu.memory_space<semaphore_mem>>) src(%dma_wait3A_1053 : memref<8x128xf32, #tpu.memory_space<vmem>>) dst(%dma_wait3A_1049 : memref<8x128xf32, #tpu.memory_space<hbm>>)
    %dma_wait3A_1054 = arith.constant 0 : i32
    %dma_wait3A_1055 = arith.constant 198 : i32
    %dma_wait3A_1056 = arith.constant 1 : i32
    %dma_wait3A_1057 = arith.constant 8 : i32
    %dma_wait3A_1058 = arith.constant 0 : i32
    %dma_wait3A_1059 = tpu.memref_slice %arg7[%dma_wait3A_1054, %dma_wait3A_1057, %dma_wait3A_1058] : memref<2x64x128xf32, #tpu.memory_space<vmem>> -> memref<1x8x128xf32, #tpu.memory_space<vmem>>
    %dma_wait3A_1060 = tpu.memref_squeeze %dma_wait3A_1059 : memref<1x8x128xf32, #tpu.memory_space<vmem>> -> memref<8x128xf32, #tpu.memory_space<vmem>>
    %dma_wait3A_1061 = arith.constant 0 : i32
    %dma_wait3A_1062 = arith.constant 0 : i32
    %dma_wait3A_1063 = tpu.memref_slice %arg4[%dma_wait3A_1055, %dma_wait3A_1056, %add3A, %dma_wait3A_1061, %dma_wait3A_1062] : memref<200x8x32x8x128xf32, #tpu.memory_space<hbm>> -> memref<1x1x1x8x128xf32, #tpu.memory_space<hbm>>
    %dma_wait3A_1064 = tpu.memref_squeeze %dma_wait3A_1063 : memref<1x1x1x8x128xf32, #tpu.memory_space<hbm>> -> memref<8x128xf32, #tpu.memory_space<hbm>>
    %dma_wait3A_1065 = arith.constant 0 : i32
    %dma_wait3A_1066 = arith.constant 0 : i32
    %dma_wait3A_1067 = tpu.memref_slice %arg4[%dma_wait3A_1055, %dma_wait3A_1056, %add3A, %dma_wait3A_1065, %dma_wait3A_1066] : memref<200x8x32x8x128xf32, #tpu.memory_space<hbm>> -> memref<1x1x1x8x128xf32, #tpu.memory_space<hbm>>
    %dma_wait3A_1068 = tpu.memref_squeeze %dma_wait3A_1067 : memref<1x1x1x8x128xf32, #tpu.memory_space<hbm>> -> memref<8x128xf32, #tpu.memory_space<hbm>>
    %dma_wait3A_1069 = arith.constant 8 : i32
    %dma_wait3A_1070 = arith.constant 0 : i32
    %dma_wait3A_1071 = tpu.memref_slice %arg7[%dma_wait3A_1054, %dma_wait3A_1069, %dma_wait3A_1070] : memref<2x64x128xf32, #tpu.memory_space<vmem>> -> memref<1x8x128xf32, #tpu.memory_space<vmem>>
    %dma_wait3A_1072 = tpu.memref_squeeze %dma_wait3A_1071 : memref<1x8x128xf32, #tpu.memory_space<vmem>> -> memref<8x128xf32, #tpu.memory_space<vmem>>
    tpu.wait_dma2 semaphore(%arg10 : memref<!tpu.dma_semaphore, #tpu.memory_space<semaphore_mem>>) src(%dma_wait3A_1072 : memref<8x128xf32, #tpu.memory_space<vmem>>) dst(%dma_wait3A_1068 : memref<8x128xf32, #tpu.memory_space<hbm>>)
    %dma_wait3A_1073 = arith.constant 0 : i32
    %dma_wait3A_1074 = arith.constant 198 : i32
    %dma_wait3A_1075 = arith.constant 2 : i32
    %dma_wait3A_1076 = arith.constant 16 : i32
    %dma_wait3A_1077 = arith.constant 0 : i32
    %dma_wait3A_1078 = tpu.memref_slice %arg7[%dma_wait3A_1073, %dma_wait3A_1076, %dma_wait3A_1077] : memref<2x64x128xf32, #tpu.memory_space<vmem>> -> memref<1x8x128xf32, #tpu.memory_space<vmem>>
    %dma_wait3A_1079 = tpu.memref_squeeze %dma_wait3A_1078 : memref<1x8x128xf32, #tpu.memory_space<vmem>> -> memref<8x128xf32, #tpu.memory_space<vmem>>
    %dma_wait3A_1080 = arith.constant 0 : i32
    %dma_wait3A_1081 = arith.constant 0 : i32
    %dma_wait3A_1082 = tpu.memref_slice %arg4[%dma_wait3A_1074, %dma_wait3A_1075, %add3A, %dma_wait3A_1080, %dma_wait3A_1081] : memref<200x8x32x8x128xf32, #tpu.memory_space<hbm>> -> memref<1x1x1x8x128xf32, #tpu.memory_space<hbm>>
    %dma_wait3A_1083 = tpu.memref_squeeze %dma_wait3A_1082 : memref<1x1x1x8x128xf32, #tpu.memory_space<hbm>> -> memref<8x128xf32, #tpu.memory_space<hbm>>
    %dma_wait3A_1084 = arith.constant 0 : i32
    %dma_wait3A_1085 = arith.constant 0 : i32
    %dma_wait3A_1086 = tpu.memref_slice %arg4[%dma_wait3A_1074, %dma_wait3A_1075, %add3A, %dma_wait3A_1084, %dma_wait3A_1085] : memref<200x8x32x8x128xf32, #tpu.memory_space<hbm>> -> memref<1x1x1x8x128xf32, #tpu.memory_space<hbm>>
    %dma_wait3A_1087 = tpu.memref_squeeze %dma_wait3A_1086 : memref<1x1x1x8x128xf32, #tpu.memory_space<hbm>> -> memref<8x128xf32, #tpu.memory_space<hbm>>
    %dma_wait3A_1088 = arith.constant 16 : i32
    %dma_wait3A_1089 = arith.constant 0 : i32
    %dma_wait3A_1090 = tpu.memref_slice %arg7[%dma_wait3A_1073, %dma_wait3A_1088, %dma_wait3A_1089] : memref<2x64x128xf32, #tpu.memory_space<vmem>> -> memref<1x8x128xf32, #tpu.memory_space<vmem>>
    %dma_wait3A_1091 = tpu.memref_squeeze %dma_wait3A_1090 : memref<1x8x128xf32, #tpu.memory_space<vmem>> -> memref<8x128xf32, #tpu.memory_space<vmem>>
    tpu.wait_dma2 semaphore(%arg10 : memref<!tpu.dma_semaphore, #tpu.memory_space<semaphore_mem>>) src(%dma_wait3A_1091 : memref<8x128xf32, #tpu.memory_space<vmem>>) dst(%dma_wait3A_1087 : memref<8x128xf32, #tpu.memory_space<hbm>>)
    %dma_wait3A_1092 = arith.constant 0 : i32
    %dma_wait3A_1093 = arith.constant 198 : i32
    %dma_wait3A_1094 = arith.constant 3 : i32
    %dma_wait3A_1095 = arith.constant 24 : i32
    %dma_wait3A_1096 = arith.constant 0 : i32
    %dma_wait3A_1097 = tpu.memref_slice %arg7[%dma_wait3A_1092, %dma_wait3A_1095, %dma_wait3A_1096] : memref<2x64x128xf32, #tpu.memory_space<vmem>> -> memref<1x8x128xf32, #tpu.memory_space<vmem>>
    %dma_wait3A_1098 = tpu.memref_squeeze %dma_wait3A_1097 : memref<1x8x128xf32, #tpu.memory_space<vmem>> -> memref<8x128xf32, #tpu.memory_space<vmem>>
    %dma_wait3A_1099 = arith.constant 0 : i32
    %dma_wait3A_1100 = arith.constant 0 : i32
    %dma_wait3A_1101 = tpu.memref_slice %arg4[%dma_wait3A_1093, %dma_wait3A_1094, %add3A, %dma_wait3A_1099, %dma_wait3A_1100] : memref<200x8x32x8x128xf32, #tpu.memory_space<hbm>> -> memref<1x1x1x8x128xf32, #tpu.memory_space<hbm>>
    %dma_wait3A_1102 = tpu.memref_squeeze %dma_wait3A_1101 : memref<1x1x1x8x128xf32, #tpu.memory_space<hbm>> -> memref<8x128xf32, #tpu.memory_space<hbm>>
    %dma_wait3A_1103 = arith.constant 0 : i32
    %dma_wait3A_1104 = arith.constant 0 : i32
    %dma_wait3A_1105 = tpu.memref_slice %arg4[%dma_wait3A_1093, %dma_wait3A_1094, %add3A, %dma_wait3A_1103, %dma_wait3A_1104] : memref<200x8x32x8x128xf32, #tpu.memory_space<hbm>> -> memref<1x1x1x8x128xf32, #tpu.memory_space<hbm>>
    %dma_wait3A_1106 = tpu.memref_squeeze %dma_wait3A_1105 : memref<1x1x1x8x128xf32, #tpu.memory_space<hbm>> -> memref<8x128xf32, #tpu.memory_space<hbm>>
    %dma_wait3A_1107 = arith.constant 24 : i32
    %dma_wait3A_1108 = arith.constant 0 : i32
    %dma_wait3A_1109 = tpu.memref_slice %arg7[%dma_wait3A_1092, %dma_wait3A_1107, %dma_wait3A_1108] : memref<2x64x128xf32, #tpu.memory_space<vmem>> -> memref<1x8x128xf32, #tpu.memory_space<vmem>>
    %dma_wait3A_1110 = tpu.memref_squeeze %dma_wait3A_1109 : memref<1x8x128xf32, #tpu.memory_space<vmem>> -> memref<8x128xf32, #tpu.memory_space<vmem>>
    tpu.wait_dma2 semaphore(%arg10 : memref<!tpu.dma_semaphore, #tpu.memory_space<semaphore_mem>>) src(%dma_wait3A_1110 : memref<8x128xf32, #tpu.memory_space<vmem>>) dst(%dma_wait3A_1106 : memref<8x128xf32, #tpu.memory_space<hbm>>)
    %dma_wait3A_1111 = arith.constant 0 : i32
    %dma_wait3A_1112 = arith.constant 198 : i32
    %dma_wait3A_1113 = arith.constant 4 : i32
    %dma_wait3A_1114 = arith.constant 32 : i32
    %dma_wait3A_1115 = arith.constant 0 : i32
    %dma_wait3A_1116 = tpu.memref_slice %arg7[%dma_wait3A_1111, %dma_wait3A_1114, %dma_wait3A_1115] : memref<2x64x128xf32, #tpu.memory_space<vmem>> -> memref<1x8x128xf32, #tpu.memory_space<vmem>>
    %dma_wait3A_1117 = tpu.memref_squeeze %dma_wait3A_1116 : memref<1x8x128xf32, #tpu.memory_space<vmem>> -> memref<8x128xf32, #tpu.memory_space<vmem>>
    %dma_wait3A_1118 = arith.constant 0 : i32
    %dma_wait3A_1119 = arith.constant 0 : i32
    %dma_wait3A_1120 = tpu.memref_slice %arg4[%dma_wait3A_1112, %dma_wait3A_1113, %add3A, %dma_wait3A_1118, %dma_wait3A_1119] : memref<200x8x32x8x128xf32, #tpu.memory_space<hbm>> -> memref<1x1x1x8x128xf32, #tpu.memory_space<hbm>>
    %dma_wait3A_1121 = tpu.memref_squeeze %dma_wait3A_1120 : memref<1x1x1x8x128xf32, #tpu.memory_space<hbm>> -> memref<8x128xf32, #tpu.memory_space<hbm>>
    %dma_wait3A_1122 = arith.constant 0 : i32
    %dma_wait3A_1123 = arith.constant 0 : i32
    %dma_wait3A_1124 = tpu.memref_slice %arg4[%dma_wait3A_1112, %dma_wait3A_1113, %add3A, %dma_wait3A_1122, %dma_wait3A_1123] : memref<200x8x32x8x128xf32, #tpu.memory_space<hbm>> -> memref<1x1x1x8x128xf32, #tpu.memory_space<hbm>>
    %dma_wait3A_1125 = tpu.memref_squeeze %dma_wait3A_1124 : memref<1x1x1x8x128xf32, #tpu.memory_space<hbm>> -> memref<8x128xf32, #tpu.memory_space<hbm>>
    %dma_wait3A_1126 = arith.constant 32 : i32
    %dma_wait3A_1127 = arith.constant 0 : i32
    %dma_wait3A_1128 = tpu.memref_slice %arg7[%dma_wait3A_1111, %dma_wait3A_1126, %dma_wait3A_1127] : memref<2x64x128xf32, #tpu.memory_space<vmem>> -> memref<1x8x128xf32, #tpu.memory_space<vmem>>
    %dma_wait3A_1129 = tpu.memref_squeeze %dma_wait3A_1128 : memref<1x8x128xf32, #tpu.memory_space<vmem>> -> memref<8x128xf32, #tpu.memory_space<vmem>>
    tpu.wait_dma2 semaphore(%arg10 : memref<!tpu.dma_semaphore, #tpu.memory_space<semaphore_mem>>) src(%dma_wait3A_1129 : memref<8x128xf32, #tpu.memory_space<vmem>>) dst(%dma_wait3A_1125 : memref<8x128xf32, #tpu.memory_space<hbm>>)
    %dma_wait3A_1130 = arith.constant 0 : i32
    %dma_wait3A_1131 = arith.constant 198 : i32
    %dma_wait3A_1132 = arith.constant 5 : i32
    %dma_wait3A_1133 = arith.constant 40 : i32
    %dma_wait3A_1134 = arith.constant 0 : i32
    %dma_wait3A_1135 = tpu.memref_slice %arg7[%dma_wait3A_1130, %dma_wait3A_1133, %dma_wait3A_1134] : memref<2x64x128xf32, #tpu.memory_space<vmem>> -> memref<1x8x128xf32, #tpu.memory_space<vmem>>
    %dma_wait3A_1136 = tpu.memref_squeeze %dma_wait3A_1135 : memref<1x8x128xf32, #tpu.memory_space<vmem>> -> memref<8x128xf32, #tpu.memory_space<vmem>>
    %dma_wait3A_1137 = arith.constant 0 : i32
    %dma_wait3A_1138 = arith.constant 0 : i32
    %dma_wait3A_1139 = tpu.memref_slice %arg4[%dma_wait3A_1131, %dma_wait3A_1132, %add3A, %dma_wait3A_1137, %dma_wait3A_1138] : memref<200x8x32x8x128xf32, #tpu.memory_space<hbm>> -> memref<1x1x1x8x128xf32, #tpu.memory_space<hbm>>
    %dma_wait3A_1140 = tpu.memref_squeeze %dma_wait3A_1139 : memref<1x1x1x8x128xf32, #tpu.memory_space<hbm>> -> memref<8x128xf32, #tpu.memory_space<hbm>>
    %dma_wait3A_1141 = arith.constant 0 : i32
    %dma_wait3A_1142 = arith.constant 0 : i32
    %dma_wait3A_1143 = tpu.memref_slice %arg4[%dma_wait3A_1131, %dma_wait3A_1132, %add3A, %dma_wait3A_1141, %dma_wait3A_1142] : memref<200x8x32x8x128xf32, #tpu.memory_space<hbm>> -> memref<1x1x1x8x128xf32, #tpu.memory_space<hbm>>
    %dma_wait3A_1144 = tpu.memref_squeeze %dma_wait3A_1143 : memref<1x1x1x8x128xf32, #tpu.memory_space<hbm>> -> memref<8x128xf32, #tpu.memory_space<hbm>>
    %dma_wait3A_1145 = arith.constant 40 : i32
    %dma_wait3A_1146 = arith.constant 0 : i32
    %dma_wait3A_1147 = tpu.memref_slice %arg7[%dma_wait3A_1130, %dma_wait3A_1145, %dma_wait3A_1146] : memref<2x64x128xf32, #tpu.memory_space<vmem>> -> memref<1x8x128xf32, #tpu.memory_space<vmem>>
    %dma_wait3A_1148 = tpu.memref_squeeze %dma_wait3A_1147 : memref<1x8x128xf32, #tpu.memory_space<vmem>> -> memref<8x128xf32, #tpu.memory_space<vmem>>
    tpu.wait_dma2 semaphore(%arg10 : memref<!tpu.dma_semaphore, #tpu.memory_space<semaphore_mem>>) src(%dma_wait3A_1148 : memref<8x128xf32, #tpu.memory_space<vmem>>) dst(%dma_wait3A_1144 : memref<8x128xf32, #tpu.memory_space<hbm>>)
    %dma_wait3A_1149 = arith.constant 0 : i32
    %dma_wait3A_1150 = arith.constant 198 : i32
    %dma_wait3A_1151 = arith.constant 6 : i32
    %dma_wait3A_1152 = arith.constant 48 : i32
    %dma_wait3A_1153 = arith.constant 0 : i32
    %dma_wait3A_1154 = tpu.memref_slice %arg7[%dma_wait3A_1149, %dma_wait3A_1152, %dma_wait3A_1153] : memref<2x64x128xf32, #tpu.memory_space<vmem>> -> memref<1x8x128xf32, #tpu.memory_space<vmem>>
    %dma_wait3A_1155 = tpu.memref_squeeze %dma_wait3A_1154 : memref<1x8x128xf32, #tpu.memory_space<vmem>> -> memref<8x128xf32, #tpu.memory_space<vmem>>
    %dma_wait3A_1156 = arith.constant 0 : i32
    %dma_wait3A_1157 = arith.constant 0 : i32
    %dma_wait3A_1158 = tpu.memref_slice %arg4[%dma_wait3A_1150, %dma_wait3A_1151, %add3A, %dma_wait3A_1156, %dma_wait3A_1157] : memref<200x8x32x8x128xf32, #tpu.memory_space<hbm>> -> memref<1x1x1x8x128xf32, #tpu.memory_space<hbm>>
    %dma_wait3A_1159 = tpu.memref_squeeze %dma_wait3A_1158 : memref<1x1x1x8x128xf32, #tpu.memory_space<hbm>> -> memref<8x128xf32, #tpu.memory_space<hbm>>
    %dma_wait3A_1160 = arith.constant 0 : i32
    %dma_wait3A_1161 = arith.constant 0 : i32
    %dma_wait3A_1162 = tpu.memref_slice %arg4[%dma_wait3A_1150, %dma_wait3A_1151, %add3A, %dma_wait3A_1160, %dma_wait3A_1161] : memref<200x8x32x8x128xf32, #tpu.memory_space<hbm>> -> memref<1x1x1x8x128xf32, #tpu.memory_space<hbm>>
    %dma_wait3A_1163 = tpu.memref_squeeze %dma_wait3A_1162 : memref<1x1x1x8x128xf32, #tpu.memory_space<hbm>> -> memref<8x128xf32, #tpu.memory_space<hbm>>
    %dma_wait3A_1164 = arith.constant 48 : i32
    %dma_wait3A_1165 = arith.constant 0 : i32
    %dma_wait3A_1166 = tpu.memref_slice %arg7[%dma_wait3A_1149, %dma_wait3A_1164, %dma_wait3A_1165] : memref<2x64x128xf32, #tpu.memory_space<vmem>> -> memref<1x8x128xf32, #tpu.memory_space<vmem>>
    %dma_wait3A_1167 = tpu.memref_squeeze %dma_wait3A_1166 : memref<1x8x128xf32, #tpu.memory_space<vmem>> -> memref<8x128xf32, #tpu.memory_space<vmem>>
    tpu.wait_dma2 semaphore(%arg10 : memref<!tpu.dma_semaphore, #tpu.memory_space<semaphore_mem>>) src(%dma_wait3A_1167 : memref<8x128xf32, #tpu.memory_space<vmem>>) dst(%dma_wait3A_1163 : memref<8x128xf32, #tpu.memory_space<hbm>>)
    %dma_wait3A_1168 = arith.constant 0 : i32
    %dma_wait3A_1169 = arith.constant 198 : i32
    %dma_wait3A_1170 = arith.constant 7 : i32
    %dma_wait3A_1171 = arith.constant 56 : i32
    %dma_wait3A_1172 = arith.constant 0 : i32
    %dma_wait3A_1173 = tpu.memref_slice %arg7[%dma_wait3A_1168, %dma_wait3A_1171, %dma_wait3A_1172] : memref<2x64x128xf32, #tpu.memory_space<vmem>> -> memref<1x8x128xf32, #tpu.memory_space<vmem>>
    %dma_wait3A_1174 = tpu.memref_squeeze %dma_wait3A_1173 : memref<1x8x128xf32, #tpu.memory_space<vmem>> -> memref<8x128xf32, #tpu.memory_space<vmem>>
    %dma_wait3A_1175 = arith.constant 0 : i32
    %dma_wait3A_1176 = arith.constant 0 : i32
    %dma_wait3A_1177 = tpu.memref_slice %arg4[%dma_wait3A_1169, %dma_wait3A_1170, %add3A, %dma_wait3A_1175, %dma_wait3A_1176] : memref<200x8x32x8x128xf32, #tpu.memory_space<hbm>> -> memref<1x1x1x8x128xf32, #tpu.memory_space<hbm>>
    %dma_wait3A_1178 = tpu.memref_squeeze %dma_wait3A_1177 : memref<1x1x1x8x128xf32, #tpu.memory_space<hbm>> -> memref<8x128xf32, #tpu.memory_space<hbm>>
    %dma_wait3A_1179 = arith.constant 0 : i32
    %dma_wait3A_1180 = arith.constant 0 : i32
    %dma_wait3A_1181 = tpu.memref_slice %arg4[%dma_wait3A_1169, %dma_wait3A_1170, %add3A, %dma_wait3A_1179, %dma_wait3A_1180] : memref<200x8x32x8x128xf32, #tpu.memory_space<hbm>> -> memref<1x1x1x8x128xf32, #tpu.memory_space<hbm>>
    %dma_wait3A_1182 = tpu.memref_squeeze %dma_wait3A_1181 : memref<1x1x1x8x128xf32, #tpu.memory_space<hbm>> -> memref<8x128xf32, #tpu.memory_space<hbm>>
    %dma_wait3A_1183 = arith.constant 56 : i32
    %dma_wait3A_1184 = arith.constant 0 : i32
    %dma_wait3A_1185 = tpu.memref_slice %arg7[%dma_wait3A_1168, %dma_wait3A_1183, %dma_wait3A_1184] : memref<2x64x128xf32, #tpu.memory_space<vmem>> -> memref<1x8x128xf32, #tpu.memory_space<vmem>>
    %dma_wait3A_1186 = tpu.memref_squeeze %dma_wait3A_1185 : memref<1x8x128xf32, #tpu.memory_space<vmem>> -> memref<8x128xf32, #tpu.memory_space<vmem>>
    tpu.wait_dma2 semaphore(%arg10 : memref<!tpu.dma_semaphore, #tpu.memory_space<semaphore_mem>>) src(%dma_wait3A_1186 : memref<8x128xf32, #tpu.memory_space<vmem>>) dst(%dma_wait3A_1182 : memref<8x128xf32, #tpu.memory_space<hbm>>)
    %dma_wait3A_1187 = arith.constant 1 : i32
    %dma_wait3A_1188 = arith.constant 199 : i32
    %dma_wait3A_1189 = arith.constant 0 : i32
    %dma_wait3A_1190 = arith.constant 0 : i32
    %dma_wait3A_1191 = arith.constant 0 : i32
    %dma_wait3A_1192 = tpu.memref_slice %arg7[%dma_wait3A_1187, %dma_wait3A_1190, %dma_wait3A_1191] : memref<2x64x128xf32, #tpu.memory_space<vmem>> -> memref<1x8x128xf32, #tpu.memory_space<vmem>>
    %dma_wait3A_1193 = tpu.memref_squeeze %dma_wait3A_1192 : memref<1x8x128xf32, #tpu.memory_space<vmem>> -> memref<8x128xf32, #tpu.memory_space<vmem>>
    %dma_wait3A_1194 = arith.constant 0 : i32
    %dma_wait3A_1195 = arith.constant 0 : i32
    %dma_wait3A_1196 = tpu.memref_slice %arg4[%dma_wait3A_1188, %dma_wait3A_1189, %add3A, %dma_wait3A_1194, %dma_wait3A_1195] : memref<200x8x32x8x128xf32, #tpu.memory_space<hbm>> -> memref<1x1x1x8x128xf32, #tpu.memory_space<hbm>>
    %dma_wait3A_1197 = tpu.memref_squeeze %dma_wait3A_1196 : memref<1x1x1x8x128xf32, #tpu.memory_space<hbm>> -> memref<8x128xf32, #tpu.memory_space<hbm>>
    %dma_wait3A_1198 = arith.constant 0 : i32
    %dma_wait3A_1199 = arith.constant 0 : i32
    %dma_wait3A_1200 = tpu.memref_slice %arg4[%dma_wait3A_1188, %dma_wait3A_1189, %add3A, %dma_wait3A_1198, %dma_wait3A_1199] : memref<200x8x32x8x128xf32, #tpu.memory_space<hbm>> -> memref<1x1x1x8x128xf32, #tpu.memory_space<hbm>>
    %dma_wait3A_1201 = tpu.memref_squeeze %dma_wait3A_1200 : memref<1x1x1x8x128xf32, #tpu.memory_space<hbm>> -> memref<8x128xf32, #tpu.memory_space<hbm>>
    %dma_wait3A_1202 = arith.constant 0 : i32
    %dma_wait3A_1203 = arith.constant 0 : i32
    %dma_wait3A_1204 = tpu.memref_slice %arg7[%dma_wait3A_1187, %dma_wait3A_1202, %dma_wait3A_1203] : memref<2x64x128xf32, #tpu.memory_space<vmem>> -> memref<1x8x128xf32, #tpu.memory_space<vmem>>
    %dma_wait3A_1205 = tpu.memref_squeeze %dma_wait3A_1204 : memref<1x8x128xf32, #tpu.memory_space<vmem>> -> memref<8x128xf32, #tpu.memory_space<vmem>>
    tpu.wait_dma2 semaphore(%arg10 : memref<!tpu.dma_semaphore, #tpu.memory_space<semaphore_mem>>) src(%dma_wait3A_1205 : memref<8x128xf32, #tpu.memory_space<vmem>>) dst(%dma_wait3A_1201 : memref<8x128xf32, #tpu.memory_space<hbm>>)
    %dma_wait3A_1206 = arith.constant 1 : i32
    %dma_wait3A_1207 = arith.constant 199 : i32
    %dma_wait3A_1208 = arith.constant 1 : i32
    %dma_wait3A_1209 = arith.constant 8 : i32
    %dma_wait3A_1210 = arith.constant 0 : i32
    %dma_wait3A_1211 = tpu.memref_slice %arg7[%dma_wait3A_1206, %dma_wait3A_1209, %dma_wait3A_1210] : memref<2x64x128xf32, #tpu.memory_space<vmem>> -> memref<1x8x128xf32, #tpu.memory_space<vmem>>
    %dma_wait3A_1212 = tpu.memref_squeeze %dma_wait3A_1211 : memref<1x8x128xf32, #tpu.memory_space<vmem>> -> memref<8x128xf32, #tpu.memory_space<vmem>>
    %dma_wait3A_1213 = arith.constant 0 : i32
    %dma_wait3A_1214 = arith.constant 0 : i32
    %dma_wait3A_1215 = tpu.memref_slice %arg4[%dma_wait3A_1207, %dma_wait3A_1208, %add3A, %dma_wait3A_1213, %dma_wait3A_1214] : memref<200x8x32x8x128xf32, #tpu.memory_space<hbm>> -> memref<1x1x1x8x128xf32, #tpu.memory_space<hbm>>
    %dma_wait3A_1216 = tpu.memref_squeeze %dma_wait3A_1215 : memref<1x1x1x8x128xf32, #tpu.memory_space<hbm>> -> memref<8x128xf32, #tpu.memory_space<hbm>>
    %dma_wait3A_1217 = arith.constant 0 : i32
    %dma_wait3A_1218 = arith.constant 0 : i32
    %dma_wait3A_1219 = tpu.memref_slice %arg4[%dma_wait3A_1207, %dma_wait3A_1208, %add3A, %dma_wait3A_1217, %dma_wait3A_1218] : memref<200x8x32x8x128xf32, #tpu.memory_space<hbm>> -> memref<1x1x1x8x128xf32, #tpu.memory_space<hbm>>
    %dma_wait3A_1220 = tpu.memref_squeeze %dma_wait3A_1219 : memref<1x1x1x8x128xf32, #tpu.memory_space<hbm>> -> memref<8x128xf32, #tpu.memory_space<hbm>>
    %dma_wait3A_1221 = arith.constant 8 : i32
    %dma_wait3A_1222 = arith.constant 0 : i32
    %dma_wait3A_1223 = tpu.memref_slice %arg7[%dma_wait3A_1206, %dma_wait3A_1221, %dma_wait3A_1222] : memref<2x64x128xf32, #tpu.memory_space<vmem>> -> memref<1x8x128xf32, #tpu.memory_space<vmem>>
    %dma_wait3A_1224 = tpu.memref_squeeze %dma_wait3A_1223 : memref<1x8x128xf32, #tpu.memory_space<vmem>> -> memref<8x128xf32, #tpu.memory_space<vmem>>
    tpu.wait_dma2 semaphore(%arg10 : memref<!tpu.dma_semaphore, #tpu.memory_space<semaphore_mem>>) src(%dma_wait3A_1224 : memref<8x128xf32, #tpu.memory_space<vmem>>) dst(%dma_wait3A_1220 : memref<8x128xf32, #tpu.memory_space<hbm>>)
    %dma_wait3A_1225 = arith.constant 1 : i32
    %dma_wait3A_1226 = arith.constant 199 : i32
    %dma_wait3A_1227 = arith.constant 2 : i32
    %dma_wait3A_1228 = arith.constant 16 : i32
    %dma_wait3A_1229 = arith.constant 0 : i32
    %dma_wait3A_1230 = tpu.memref_slice %arg7[%dma_wait3A_1225, %dma_wait3A_1228, %dma_wait3A_1229] : memref<2x64x128xf32, #tpu.memory_space<vmem>> -> memref<1x8x128xf32, #tpu.memory_space<vmem>>
    %dma_wait3A_1231 = tpu.memref_squeeze %dma_wait3A_1230 : memref<1x8x128xf32, #tpu.memory_space<vmem>> -> memref<8x128xf32, #tpu.memory_space<vmem>>
    %dma_wait3A_1232 = arith.constant 0 : i32
    %dma_wait3A_1233 = arith.constant 0 : i32
    %dma_wait3A_1234 = tpu.memref_slice %arg4[%dma_wait3A_1226, %dma_wait3A_1227, %add3A, %dma_wait3A_1232, %dma_wait3A_1233] : memref<200x8x32x8x128xf32, #tpu.memory_space<hbm>> -> memref<1x1x1x8x128xf32, #tpu.memory_space<hbm>>
    %dma_wait3A_1235 = tpu.memref_squeeze %dma_wait3A_1234 : memref<1x1x1x8x128xf32, #tpu.memory_space<hbm>> -> memref<8x128xf32, #tpu.memory_space<hbm>>
    %dma_wait3A_1236 = arith.constant 0 : i32
    %dma_wait3A_1237 = arith.constant 0 : i32
    %dma_wait3A_1238 = tpu.memref_slice %arg4[%dma_wait3A_1226, %dma_wait3A_1227, %add3A, %dma_wait3A_1236, %dma_wait3A_1237] : memref<200x8x32x8x128xf32, #tpu.memory_space<hbm>> -> memref<1x1x1x8x128xf32, #tpu.memory_space<hbm>>
    %dma_wait3A_1239 = tpu.memref_squeeze %dma_wait3A_1238 : memref<1x1x1x8x128xf32, #tpu.memory_space<hbm>> -> memref<8x128xf32, #tpu.memory_space<hbm>>
    %dma_wait3A_1240 = arith.constant 16 : i32
    %dma_wait3A_1241 = arith.constant 0 : i32
    %dma_wait3A_1242 = tpu.memref_slice %arg7[%dma_wait3A_1225, %dma_wait3A_1240, %dma_wait3A_1241] : memref<2x64x128xf32, #tpu.memory_space<vmem>> -> memref<1x8x128xf32, #tpu.memory_space<vmem>>
    %dma_wait3A_1243 = tpu.memref_squeeze %dma_wait3A_1242 : memref<1x8x128xf32, #tpu.memory_space<vmem>> -> memref<8x128xf32, #tpu.memory_space<vmem>>
    tpu.wait_dma2 semaphore(%arg10 : memref<!tpu.dma_semaphore, #tpu.memory_space<semaphore_mem>>) src(%dma_wait3A_1243 : memref<8x128xf32, #tpu.memory_space<vmem>>) dst(%dma_wait3A_1239 : memref<8x128xf32, #tpu.memory_space<hbm>>)
    %dma_wait3A_1244 = arith.constant 1 : i32
    %dma_wait3A_1245 = arith.constant 199 : i32
    %dma_wait3A_1246 = arith.constant 3 : i32
    %dma_wait3A_1247 = arith.constant 24 : i32
    %dma_wait3A_1248 = arith.constant 0 : i32
    %dma_wait3A_1249 = tpu.memref_slice %arg7[%dma_wait3A_1244, %dma_wait3A_1247, %dma_wait3A_1248] : memref<2x64x128xf32, #tpu.memory_space<vmem>> -> memref<1x8x128xf32, #tpu.memory_space<vmem>>
    %dma_wait3A_1250 = tpu.memref_squeeze %dma_wait3A_1249 : memref<1x8x128xf32, #tpu.memory_space<vmem>> -> memref<8x128xf32, #tpu.memory_space<vmem>>
    %dma_wait3A_1251 = arith.constant 0 : i32
    %dma_wait3A_1252 = arith.constant 0 : i32
    %dma_wait3A_1253 = tpu.memref_slice %arg4[%dma_wait3A_1245, %dma_wait3A_1246, %add3A, %dma_wait3A_1251, %dma_wait3A_1252] : memref<200x8x32x8x128xf32, #tpu.memory_space<hbm>> -> memref<1x1x1x8x128xf32, #tpu.memory_space<hbm>>
    %dma_wait3A_1254 = tpu.memref_squeeze %dma_wait3A_1253 : memref<1x1x1x8x128xf32, #tpu.memory_space<hbm>> -> memref<8x128xf32, #tpu.memory_space<hbm>>
    %dma_wait3A_1255 = arith.constant 0 : i32
    %dma_wait3A_1256 = arith.constant 0 : i32
    %dma_wait3A_1257 = tpu.memref_slice %arg4[%dma_wait3A_1245, %dma_wait3A_1246, %add3A, %dma_wait3A_1255, %dma_wait3A_1256] : memref<200x8x32x8x128xf32, #tpu.memory_space<hbm>> -> memref<1x1x1x8x128xf32, #tpu.memory_space<hbm>>
    %dma_wait3A_1258 = tpu.memref_squeeze %dma_wait3A_1257 : memref<1x1x1x8x128xf32, #tpu.memory_space<hbm>> -> memref<8x128xf32, #tpu.memory_space<hbm>>
    %dma_wait3A_1259 = arith.constant 24 : i32
    %dma_wait3A_1260 = arith.constant 0 : i32
    %dma_wait3A_1261 = tpu.memref_slice %arg7[%dma_wait3A_1244, %dma_wait3A_1259, %dma_wait3A_1260] : memref<2x64x128xf32, #tpu.memory_space<vmem>> -> memref<1x8x128xf32, #tpu.memory_space<vmem>>
    %dma_wait3A_1262 = tpu.memref_squeeze %dma_wait3A_1261 : memref<1x8x128xf32, #tpu.memory_space<vmem>> -> memref<8x128xf32, #tpu.memory_space<vmem>>
    tpu.wait_dma2 semaphore(%arg10 : memref<!tpu.dma_semaphore, #tpu.memory_space<semaphore_mem>>) src(%dma_wait3A_1262 : memref<8x128xf32, #tpu.memory_space<vmem>>) dst(%dma_wait3A_1258 : memref<8x128xf32, #tpu.memory_space<hbm>>)
    %dma_wait3A_1263 = arith.constant 1 : i32
    %dma_wait3A_1264 = arith.constant 199 : i32
    %dma_wait3A_1265 = arith.constant 4 : i32
    %dma_wait3A_1266 = arith.constant 32 : i32
    %dma_wait3A_1267 = arith.constant 0 : i32
    %dma_wait3A_1268 = tpu.memref_slice %arg7[%dma_wait3A_1263, %dma_wait3A_1266, %dma_wait3A_1267] : memref<2x64x128xf32, #tpu.memory_space<vmem>> -> memref<1x8x128xf32, #tpu.memory_space<vmem>>
    %dma_wait3A_1269 = tpu.memref_squeeze %dma_wait3A_1268 : memref<1x8x128xf32, #tpu.memory_space<vmem>> -> memref<8x128xf32, #tpu.memory_space<vmem>>
    %dma_wait3A_1270 = arith.constant 0 : i32
    %dma_wait3A_1271 = arith.constant 0 : i32
    %dma_wait3A_1272 = tpu.memref_slice %arg4[%dma_wait3A_1264, %dma_wait3A_1265, %add3A, %dma_wait3A_1270, %dma_wait3A_1271] : memref<200x8x32x8x128xf32, #tpu.memory_space<hbm>> -> memref<1x1x1x8x128xf32, #tpu.memory_space<hbm>>
    %dma_wait3A_1273 = tpu.memref_squeeze %dma_wait3A_1272 : memref<1x1x1x8x128xf32, #tpu.memory_space<hbm>> -> memref<8x128xf32, #tpu.memory_space<hbm>>
    %dma_wait3A_1274 = arith.constant 0 : i32
    %dma_wait3A_1275 = arith.constant 0 : i32
    %dma_wait3A_1276 = tpu.memref_slice %arg4[%dma_wait3A_1264, %dma_wait3A_1265, %add3A, %dma_wait3A_1274, %dma_wait3A_1275] : memref<200x8x32x8x128xf32, #tpu.memory_space<hbm>> -> memref<1x1x1x8x128xf32, #tpu.memory_space<hbm>>
    %dma_wait3A_1277 = tpu.memref_squeeze %dma_wait3A_1276 : memref<1x1x1x8x128xf32, #tpu.memory_space<hbm>> -> memref<8x128xf32, #tpu.memory_space<hbm>>
    %dma_wait3A_1278 = arith.constant 32 : i32
    %dma_wait3A_1279 = arith.constant 0 : i32
    %dma_wait3A_1280 = tpu.memref_slice %arg7[%dma_wait3A_1263, %dma_wait3A_1278, %dma_wait3A_1279] : memref<2x64x128xf32, #tpu.memory_space<vmem>> -> memref<1x8x128xf32, #tpu.memory_space<vmem>>
    %dma_wait3A_1281 = tpu.memref_squeeze %dma_wait3A_1280 : memref<1x8x128xf32, #tpu.memory_space<vmem>> -> memref<8x128xf32, #tpu.memory_space<vmem>>
    tpu.wait_dma2 semaphore(%arg10 : memref<!tpu.dma_semaphore, #tpu.memory_space<semaphore_mem>>) src(%dma_wait3A_1281 : memref<8x128xf32, #tpu.memory_space<vmem>>) dst(%dma_wait3A_1277 : memref<8x128xf32, #tpu.memory_space<hbm>>)
    %dma_wait3A_1282 = arith.constant 1 : i32
    %dma_wait3A_1283 = arith.constant 199 : i32
    %dma_wait3A_1284 = arith.constant 5 : i32
    %dma_wait3A_1285 = arith.constant 40 : i32
    %dma_wait3A_1286 = arith.constant 0 : i32
    %dma_wait3A_1287 = tpu.memref_slice %arg7[%dma_wait3A_1282, %dma_wait3A_1285, %dma_wait3A_1286] : memref<2x64x128xf32, #tpu.memory_space<vmem>> -> memref<1x8x128xf32, #tpu.memory_space<vmem>>
    %dma_wait3A_1288 = tpu.memref_squeeze %dma_wait3A_1287 : memref<1x8x128xf32, #tpu.memory_space<vmem>> -> memref<8x128xf32, #tpu.memory_space<vmem>>
    %dma_wait3A_1289 = arith.constant 0 : i32
    %dma_wait3A_1290 = arith.constant 0 : i32
    %dma_wait3A_1291 = tpu.memref_slice %arg4[%dma_wait3A_1283, %dma_wait3A_1284, %add3A, %dma_wait3A_1289, %dma_wait3A_1290] : memref<200x8x32x8x128xf32, #tpu.memory_space<hbm>> -> memref<1x1x1x8x128xf32, #tpu.memory_space<hbm>>
    %dma_wait3A_1292 = tpu.memref_squeeze %dma_wait3A_1291 : memref<1x1x1x8x128xf32, #tpu.memory_space<hbm>> -> memref<8x128xf32, #tpu.memory_space<hbm>>
    %dma_wait3A_1293 = arith.constant 0 : i32
    %dma_wait3A_1294 = arith.constant 0 : i32
    %dma_wait3A_1295 = tpu.memref_slice %arg4[%dma_wait3A_1283, %dma_wait3A_1284, %add3A, %dma_wait3A_1293, %dma_wait3A_1294] : memref<200x8x32x8x128xf32, #tpu.memory_space<hbm>> -> memref<1x1x1x8x128xf32, #tpu.memory_space<hbm>>
    %dma_wait3A_1296 = tpu.memref_squeeze %dma_wait3A_1295 : memref<1x1x1x8x128xf32, #tpu.memory_space<hbm>> -> memref<8x128xf32, #tpu.memory_space<hbm>>
    %dma_wait3A_1297 = arith.constant 40 : i32
    %dma_wait3A_1298 = arith.constant 0 : i32
    %dma_wait3A_1299 = tpu.memref_slice %arg7[%dma_wait3A_1282, %dma_wait3A_1297, %dma_wait3A_1298] : memref<2x64x128xf32, #tpu.memory_space<vmem>> -> memref<1x8x128xf32, #tpu.memory_space<vmem>>
    %dma_wait3A_1300 = tpu.memref_squeeze %dma_wait3A_1299 : memref<1x8x128xf32, #tpu.memory_space<vmem>> -> memref<8x128xf32, #tpu.memory_space<vmem>>
    tpu.wait_dma2 semaphore(%arg10 : memref<!tpu.dma_semaphore, #tpu.memory_space<semaphore_mem>>) src(%dma_wait3A_1300 : memref<8x128xf32, #tpu.memory_space<vmem>>) dst(%dma_wait3A_1296 : memref<8x128xf32, #tpu.memory_space<hbm>>)
    %dma_wait3A_1301 = arith.constant 1 : i32
    %dma_wait3A_1302 = arith.constant 199 : i32
    %dma_wait3A_1303 = arith.constant 6 : i32
    %dma_wait3A_1304 = arith.constant 48 : i32
    %dma_wait3A_1305 = arith.constant 0 : i32
    %dma_wait3A_1306 = tpu.memref_slice %arg7[%dma_wait3A_1301, %dma_wait3A_1304, %dma_wait3A_1305] : memref<2x64x128xf32, #tpu.memory_space<vmem>> -> memref<1x8x128xf32, #tpu.memory_space<vmem>>
    %dma_wait3A_1307 = tpu.memref_squeeze %dma_wait3A_1306 : memref<1x8x128xf32, #tpu.memory_space<vmem>> -> memref<8x128xf32, #tpu.memory_space<vmem>>
    %dma_wait3A_1308 = arith.constant 0 : i32
    %dma_wait3A_1309 = arith.constant 0 : i32
    %dma_wait3A_1310 = tpu.memref_slice %arg4[%dma_wait3A_1302, %dma_wait3A_1303, %add3A, %dma_wait3A_1308, %dma_wait3A_1309] : memref<200x8x32x8x128xf32, #tpu.memory_space<hbm>> -> memref<1x1x1x8x128xf32, #tpu.memory_space<hbm>>
    %dma_wait3A_1311 = tpu.memref_squeeze %dma_wait3A_1310 : memref<1x1x1x8x128xf32, #tpu.memory_space<hbm>> -> memref<8x128xf32, #tpu.memory_space<hbm>>
    %dma_wait3A_1312 = arith.constant 0 : i32
    %dma_wait3A_1313 = arith.constant 0 : i32
    %dma_wait3A_1314 = tpu.memref_slice %arg4[%dma_wait3A_1302, %dma_wait3A_1303, %add3A, %dma_wait3A_1312, %dma_wait3A_1313] : memref<200x8x32x8x128xf32, #tpu.memory_space<hbm>> -> memref<1x1x1x8x128xf32, #tpu.memory_space<hbm>>
    %dma_wait3A_1315 = tpu.memref_squeeze %dma_wait3A_1314 : memref<1x1x1x8x128xf32, #tpu.memory_space<hbm>> -> memref<8x128xf32, #tpu.memory_space<hbm>>
    %dma_wait3A_1316 = arith.constant 48 : i32
    %dma_wait3A_1317 = arith.constant 0 : i32
    %dma_wait3A_1318 = tpu.memref_slice %arg7[%dma_wait3A_1301, %dma_wait3A_1316, %dma_wait3A_1317] : memref<2x64x128xf32, #tpu.memory_space<vmem>> -> memref<1x8x128xf32, #tpu.memory_space<vmem>>
    %dma_wait3A_1319 = tpu.memref_squeeze %dma_wait3A_1318 : memref<1x8x128xf32, #tpu.memory_space<vmem>> -> memref<8x128xf32, #tpu.memory_space<vmem>>
    tpu.wait_dma2 semaphore(%arg10 : memref<!tpu.dma_semaphore, #tpu.memory_space<semaphore_mem>>) src(%dma_wait3A_1319 : memref<8x128xf32, #tpu.memory_space<vmem>>) dst(%dma_wait3A_1315 : memref<8x128xf32, #tpu.memory_space<hbm>>)
    %dma_wait3A_1320 = arith.constant 1 : i32
    %dma_wait3A_1321 = arith.constant 199 : i32
    %dma_wait3A_1322 = arith.constant 7 : i32
    %dma_wait3A_1323 = arith.constant 56 : i32
    %dma_wait3A_1324 = arith.constant 0 : i32
    %dma_wait3A_1325 = tpu.memref_slice %arg7[%dma_wait3A_1320, %dma_wait3A_1323, %dma_wait3A_1324] : memref<2x64x128xf32, #tpu.memory_space<vmem>> -> memref<1x8x128xf32, #tpu.memory_space<vmem>>
    %dma_wait3A_1326 = tpu.memref_squeeze %dma_wait3A_1325 : memref<1x8x128xf32, #tpu.memory_space<vmem>> -> memref<8x128xf32, #tpu.memory_space<vmem>>
    %dma_wait3A_1327 = arith.constant 0 : i32
    %dma_wait3A_1328 = arith.constant 0 : i32
    %dma_wait3A_1329 = tpu.memref_slice %arg4[%dma_wait3A_1321, %dma_wait3A_1322, %add3A, %dma_wait3A_1327, %dma_wait3A_1328] : memref<200x8x32x8x128xf32, #tpu.memory_space<hbm>> -> memref<1x1x1x8x128xf32, #tpu.memory_space<hbm>>
    %dma_wait3A_1330 = tpu.memref_squeeze %dma_wait3A_1329 : memref<1x1x1x8x128xf32, #tpu.memory_space<hbm>> -> memref<8x128xf32, #tpu.memory_space<hbm>>
    %dma_wait3A_1331 = arith.constant 0 : i32
    %dma_wait3A_1332 = arith.constant 0 : i32
    %dma_wait3A_1333 = tpu.memref_slice %arg4[%dma_wait3A_1321, %dma_wait3A_1322, %add3A, %dma_wait3A_1331, %dma_wait3A_1332] : memref<200x8x32x8x128xf32, #tpu.memory_space<hbm>> -> memref<1x1x1x8x128xf32, #tpu.memory_space<hbm>>
    %dma_wait3A_1334 = tpu.memref_squeeze %dma_wait3A_1333 : memref<1x1x1x8x128xf32, #tpu.memory_space<hbm>> -> memref<8x128xf32, #tpu.memory_space<hbm>>
    %dma_wait3A_1335 = arith.constant 56 : i32
    %dma_wait3A_1336 = arith.constant 0 : i32
    %dma_wait3A_1337 = tpu.memref_slice %arg7[%dma_wait3A_1320, %dma_wait3A_1335, %dma_wait3A_1336] : memref<2x64x128xf32, #tpu.memory_space<vmem>> -> memref<1x8x128xf32, #tpu.memory_space<vmem>>
    %dma_wait3A_1338 = tpu.memref_squeeze %dma_wait3A_1337 : memref<1x8x128xf32, #tpu.memory_space<vmem>> -> memref<8x128xf32, #tpu.memory_space<vmem>>
    tpu.wait_dma2 semaphore(%arg10 : memref<!tpu.dma_semaphore, #tpu.memory_space<semaphore_mem>>) src(%dma_wait3A_1338 : memref<8x128xf32, #tpu.memory_space<vmem>>) dst(%dma_wait3A_1334 : memref<8x128xf32, #tpu.memory_space<hbm>>)
    return
  }
}

module attributes {stable_mosaic.version = 14 : i64} {
  func.func @body(%arg0: memref<4096x200xi32, #tpu.memory_space<vmem>>, %arg1: memref<200x32x128xi32, #tpu.memory_space<vmem>>) attributes {dimension_semantics = [], scalar_prefetch = 0 : i64, scratch_operands = 0 : i64, tpu.core_type = #tpu.core_type<tc>} {
    %get3A = arith.constant 0 : index
    %get3A_0 = arith.constant 0 : index
    %get3A_1 = vector.load %arg0[%get3A, %get3A_0] : memref<4096x200xi32, #tpu.memory_space<vmem>>, vector<4096x200xi32>
    %transpose3A = tpu.transpose %get3A_1, [1, 0] : vector<4096x200xi32> -> vector<200x4096xi32>
    %reshape3A = vector.shape_cast %transpose3A : vector<200x4096xi32> to vector<200x32x128xi32>
    %swap3A = arith.constant 0 : index
    %swap3A_2 = arith.constant 0 : index
    %swap3A_3 = arith.constant 0 : index
    %swap3A_4 = vector.load %arg1[%swap3A, %swap3A_2, %swap3A_3] : memref<200x32x128xi32, #tpu.memory_space<vmem>>, vector<200x32x128xi32>
    tpu.vector_store %arg1[%swap3A, %swap3A_2, %swap3A_3], %reshape3A {strides = array<i32>} : memref<200x32x128xi32, #tpu.memory_space<vmem>>, vector<200x32x128xi32>,
    return
  }
}

</mosaic_0001>

<sc_bundles>
// kernel: kernel.4.cloned.1.call-start
scs
__scs_entry_jumppad:
0x0: {  	(pc) =	sbr.rel $0x88, $3  }
0x1: {  	(tag) =	ssettag $0x0;
	lr =	simm.s32 $0x1  }
0x2: {  	[smem:$0x3F9F] =	sst lr;
	_ =	strace $0xD0000000  }
0x3: {  	_ = 	snop  }
0x4: {  	_ = 	snop  }
0x5: {  	_ = 	snop  }
0x6: {  	_ = 	snop  }
0x7: {  	_ = 	snop  }
__scs_overlays_trampoline_lowered:
0x8: {  	[smem:$0x3FAE] =	sst s0  }
0x9: {  	[smem:$0x3FAF] =	sst s1  }
0xa: {  	[smem:$0x3FB0] =	sst s2  }
0xb: {  	[smem:$0x3FB1] =	sst s3  }
0xc: {  	[smem:$0x3FB2] =	sst s4  }
0xd: {  	[smem:$0x3FB3] =	sst s5  }
0xe: {  	[smem:$0x3FB4] =	sst s6  }
0xf: {  	[smem:$0x3FB5] =	sst s7  }
0x10: {  	[smem:$0x3FB6] =	sst s8  }
0x11: {  	[smem:$0x3FB7] =	sst s9;
	s0 =	simm.s32 @!p0 $0x0  }
0x12: {  	s1 =	sld [smem:$0x3F9D];
	s0 =	simm.s32 @p0 $0x1  }
0x13: {  	[smem:$0x3FB8] =	sst s0;
	s0 =	simm.s32 @!p1 $0x0  }
0x14: {  	s2 =	sld [smem:$0x3F9C];
	s0 =	simm.s32 @p1 $0x1  }
0x15: {  	[smem:$0x3FB9] =	sst s0;
	s0 =	simm.s32 @!p2 $0x0  }
0x16: {  	s3 =	sld [smem:$0x3FDB];
	s0 =	simm.s32 @p2 $0x1  }
0x17: {  	s4 =	simm.s32 $0x1BF5;
	[smem:$0x3FBB] =	sst s0  }
0x18: {  	s0 =	sld [smem:$0x3F9E];
	_ =	swait.ge [sflag:s4], $0x0  }
0x19: {  	s7 =	sld [smem:$0x3F9F]  }
0x1a: {  	s8 =	sadd.s32 $0xFFFFE003, lr  }
0x1b: {  	s9 =	sadd.s32 $0xFFFFFEF7, lr;
	s5 =	simm.s32 $0xFFFFFFFF;
	p2 =	slt.u32 s8, $0xFFFFF086  }
0x1c: {  	p1 =	slt.u32 s9, $0xF7A;
	s5 =	simm.s32 @!p2 $0x0  }
0x1d: {  	s5 =	simm.s32 @p1 $0x1;
	p0 =	seq.s32 s7, s2  }
0x1e: {  	s7 =	smul.u32 @!p0 $0xF7A, s2;
	p2 =	seq.s32 @!p0 s5, $0x0  }
0x1f: {  	s9 =	smul.u32 $0xF7A, s1;
	s8 =	simm.s32 @!p0 $0x1BF5;
	p2 =	por !p2, p0  }
0x20: {  	[sflag:s8] =	ssyncset.s32 @!p0 $0xFFFFF086;
	s6 =	sadd.s32 @!p0 s3, s7;
	s7 =	simm.s32 @!p0 $0x108  }
0x21: {  	s3 =	sadd.s32 s3, s9;
	s6 =	sadd.s32 @!p0 $0x88, s6;
	s7 =	simm.s32 @p2 $0x1082  }
0x22: {  	[simem:s7], [sflag:s8] =	dma.local @!p0 [hbm:s6], $0xF7A  }
0x23: {  	s9 =	sor.u32 $0xD0000000, s2;
	s6 =	simm.s32 $0x108;
	_ =	swait.ge @!p0 [sflag:s8], $0x0  }
0x24: {  	s3 =	sadd.s32 $0x88, s3;
	s6 =	simm.s32 @!p1 $0x1082;
	[sflag:s4] =	ssyncset.s32 $0xFFFFF086  }
0x25: {  	[simem:s6], [sflag:s4] =	dma.local [hbm:s3], $0xF7A  }
0x26: {  	[smem:$0x3F9F] =	sst s1;
	(tag) =	ssettag s2;
	_ =	strace s9  }
0x27: {  	s1 =	sld [smem:$0x3FAF]  }
0x28: {  	s2 =	sld [smem:$0x3FB0]  }
0x29: {  	s4 =	sld [smem:$0x3FB2]  }
0x2a: {  	p0 =	seq.s32 s5, $0x0;
	s5 =	sld [smem:$0x3FB3]  }
0x2b: {  	s6 =	sld [smem:$0x3FB4]  }
0x2c: {  	s7 =	sld [smem:$0x3FB5]  }
0x2d: {  	s3 =	simm.s32 $0x108;
	s8 =	sld [smem:$0x3FB6]  }
0x2e: {  	s3 =	simm.s32 @!p0 $0x1082;
	s9 =	sld [smem:$0x3FB7]  }
0x2f: {  	lr =	sadd.s32 s0, s3;
	s0 =	sld [smem:$0x3FAE]  }
0x30: {  	s3 =	sld [smem:$0x3FB1]  }
0x31: {  	[smem:$0x3FBA] =	sst s10  }
0x32: {  	s10 =	sld [smem:$0x3FB8];
	_ =	sdelay $0x3  }
0x33: {  	p0 =	seq.s32 s10, $0x1;
	s10 =	sld [smem:$0x3FBA];
	_ =	sdelay $0x3  }
0x34: {  	[smem:$0x3FBA] =	sst s10  }
0x35: {  	s10 =	sld [smem:$0x3FB9];
	_ =	sdelay $0x3  }
0x36: {  	p1 =	seq.s32 s10, $0x1;
	s10 =	sld [smem:$0x3FBA];
	_ =	sdelay $0x3  }
0x37: {  	[smem:$0x3FBA] =	sst s10  }
0x38: {  	s10 =	sld [smem:$0x3FBB]  }
0x39: {  	_ = 	snop;
	(pc) =	sbr.ind lr, $3  }
0x3a: {  	_ = 	snop  }
0x3b: {  	_ = 	snop  }
0x3c: {  	p2 =	seq.s32 s10, $0x1;
	s10 =	sld [smem:$0x3FBA]  }
0x3d: {  	_ =	shalt  }
0x3e: {  	_ =	shalt  }
0x3f: {  	_ =	shalt  }
0x40: {  	_ =	shalt  }
0x41: {  	_ =	shalt  }
0x42: {  	_ =	shalt  }
0x43: {  	_ =	shalt  }
0x44: {  	_ =	shalt  }
0x45: {  	_ =	shalt  }
0x46: {  	_ =	shalt  }
0x47: {  	_ =	shalt  }
0x48: {  	_ =	shalt  }
0x49: {  	_ =	shalt  }
0x4a: {  	_ =	shalt  }
0x4b: {  	_ =	shalt  }
0x4c: {  	_ =	shalt  }
0x4d: {  	_ =	shalt  }
0x4e: {  	_ =	shalt  }
0x4f: {  	_ =	shalt  }
0x50: {  	_ =	shalt  }
0x51: {  	_ =	shalt  }
0x52: {  	_ =	shalt  }
0x53: {  	_ =	shalt  }
0x54: {  	_ =	shalt  }
0x55: {  	_ =	shalt  }
0x56: {  	_ =	shalt  }
0x57: {  	_ =	shalt  }
0x58: {  	_ =	shalt  }
0x59: {  	_ =	shalt  }
0x5a: {  	_ =	shalt  }
0x5b: {  	_ =	shalt  }
0x5c: {  	_ =	shalt  }
0x5d: {  	_ =	shalt  }
0x5e: {  	_ =	shalt  }
0x5f: {  	_ =	shalt  }
0x60: {  	_ =	shalt  }
0x61: {  	_ =	shalt  }
0x62: {  	_ =	shalt  }
0x63: {  	_ =	shalt  }
0x64: {  	_ =	shalt  }
0x65: {  	_ =	shalt  }
0x66: {  	_ =	shalt  }
0x67: {  	_ =	shalt  }
0x68: {  	_ =	shalt  }
0x69: {  	_ =	shalt  }
0x6a: {  	_ =	shalt  }
0x6b: {  	_ =	shalt  }
0x6c: {  	_ =	shalt  }
0x6d: {  	_ =	shalt  }
0x6e: {  	_ =	shalt  }
0x6f: {  	_ =	shalt  }
0x70: {  	_ =	shalt  }
0x71: {  	_ =	shalt  }
0x72: {  	_ =	shalt  }
0x73: {  	_ =	shalt  }
0x74: {  	_ =	shalt  }
0x75: {  	_ =	shalt  }
0x76: {  	_ =	shalt  }
0x77: {  	_ =	shalt  }
0x78: {  	_ =	shalt  }
0x79: {  	_ =	shalt  }
0x7a: {  	_ =	shalt  }
0x7b: {  	_ =	shalt  }
0x7c: {  	_ =	shalt  }
0x7d: {  	_ =	shalt  }
0x7e: {  	_ =	shalt  }
0x7f: {  	_ =	shalt  }
0x80: {  	_ =	shalt  }
0x81: {  	_ =	shalt  }
0x82: {  	_ =	shalt  }
0x83: {  	_ =	shalt  }
0x84: {  	_ =	shalt  }
0x85: {  	_ =	shalt  }
0x86: {  	_ =	shalt  }
0x87: {  	_ =	shalt  }
.Lfunc_end0:
.L_simem_size_0:
called_computation_lowered:
.L_overlay_start_0:
0x88: {  	s2 =	sld [smem:$0x3FD9]  }
0x89: {  	s3 =	sld [smem:$0x3FFE];
	_ =	sdelay $0x1  }
0x8a: {  	s1 =	srdreg.scid  }
0x8b: {  	s0 =	sand.u32 $0x1, s1  }
0x8c: {  	s17 =	sshll.u32 s0, $0xA;
	s2 =	sadd.s32 s3, s2  }
0x8d: {  	s2 =	sadd.s32 s2, s17  }
0x8e: {  	[smem:$0x3FC6] =	sst s2  }
0x8f: {  	_ = 	snop  }
0x90: {  	s2 =	sld [smem:$0x3FD0];
	(tm) =	ssettm $0x1  }
0x91: {  	s18 =	sld [smem:$0x3FFB];
	_ =	sdelay $0x3  }
0x92: {  	_ =	strace s18  }
0x93: {  	s3 =	sld [smem:$0x3FFC];
	_ =	sdelay $0x3  }
0x94: {  	_ =	strace s3  }
0x95: {  	s3 =	sld [smem:$0x3FFD];
	_ =	sdelay $0x3  }
0x96: {  	_ =	strace s3  }
0x97: {  	_ =	strace $0x8FFFFFFF  }
0x98: {  	s19 =	sld [smem:$0x3FDB];
	_ =	sdelay $0x1  }
0x99: {  	s4 =	simm.s32 $_scs_section_size  }
0x9a: {  	s5 =	simm.s32 $_size__tile_overlayer_lowered;
	s6 =	simm.s32 $_tile_overlayer_lowered  }
0x9b: {  	s22 =	simm.s32 $0x1BFF;
	s21 =	sshll.u32 s6, $0x1;
	s3 =	sadd.s32 s4, s19  }
0x9c: {  	s7 =	simm.s32 $0x0;
	s20 =	sshll.u32 s5, $0x1;
	s5 =	sadd.s32 s21, s3  }
0x9d: {  	[timem:s7], [sflag:s22] =	dma.local [hbm:s5], s20  }
0x9e: {  	_ =	swait.ge [sflag:s22], s20  }
0x9f: {  	s4 =	ssub.s32 $0x0, s20;
	[sflag:s22] =	ssyncset.done $0x0  }
0xa0: {  	[sflag:s22] =	ssyncadd.s32 s4;
	_ =	sdelay $0x1  }
0xa1: {  	s23 =	simm.s32 $0x1B8B  }
0xa2: {  	_ =	swait.ge [sflag:s23], $0x1  }
0xa3: {  	[sflag:s23] =	ssyncset.done $0x0  }
0xa4: {  	s25 =	simm.s32 $0x1B8E;
	s24 =	sld [smem:$0x3FFE];
	[sflag:s23] =	ssyncadd.s32 $0xFFFFFFFF  }
0xa5: {  	s26 =	simm.s32 $execute0_lowered;
	[smem:$0x3FD2] =	sst s25  }
0xa6: {  	s5 =	sshll.u32 s26, $0x1;
	_ =	strace $0x80000046;
	[dreg:$0x1] =	wrdreg $0xFFFFFFFF  }
0xa7: {  	s28 =	simm.s32 $_size_execute0_lowered;
	s3 =	sadd.s32 s3, s5;
	[dreg:$0x0] =	wrdreg $0x0  }
0xa8: {  	s5 =	sshll.u32 s28, $0x1;
	[dreg:$0x2] =	wrdreg s3  }
0xa9: {  	[dreg:$0x3] =	wrdreg s5  }
0xaa: {  	[dreg:$0x4] =	wrdreg $0xC0  }
0xab: {  	_ =	task [dreg:s7], $0x5FFFF  }
0xac: {  	[dreg:$0x1] =	wrdreg $0xFFFFFFFF  }
0xad: {  	[dreg:$0x0] =	wrdreg $0x60  }
0xae: {  	[dreg:$0x2] =	wrdreg s24  }
0xaf: {  	[dreg:$0x3] =	wrdreg s2  }
0xb0: {  	[dreg:$0x4] =	wrdreg $0x9  }
0xb1: {  	_ =	task.clear_ibuf [dreg:s7], $0x5FFFF;
	_ =	strace $0x90000046  }
0xb2: {  	s29 =	simm.s32 $0x9;
	_ =	strace $0x80000048  }
0xb3: {  	_ =	swait.ge [sflag:s29], $0x1  }
0xb4: {  	[sflag:s29] =	ssyncadd.s32 $0xFFFFFFFF  }
0xb5: {  	_ =	strace $0x90000048  }
0xb6: {  	_ =	sfence  }
0xb7: {  	s30 =	sld [smem:$0x0];
	_ =	sdelay $0x2  }
0xb8: {  	s31 =	sshll.u32 s1, $0xD;
	s1 =	sshrl.u32 s1, $0x2  }
0xb9: {  	s3 =	sand.u32 $0x4000, s31;
	s1 =	sadd.s32 s1, s30  }
0xba: {  	s0 =	sor.u32 s3, s0;
	s1 =	sshll.u32 s1, $0x11  }
0xbb: {  	s0 =	sor.u32 s1, s0  }
0xbc: {  	s0 =	sadd.s32 $0x8F2B, s0  }
0xbd: {  	[sflag:s0] =	ssyncadd.remote.s32 $0x1  }
0xbe: {  	_ =	sfence.sel $0xFFFF  }
0xbf: {  	[dreg:$0x0] =	wrdreg $0xFFFFFFFF;
	(pc) =	sbr.abs _section_cstart, $3  }
0xc0: {  	[dreg:$0x1] =	wrdreg $0xFFFFFFFF  }
0xc1: {  	_ =	task.clear_ibuf [dreg:s7], $0x2FFFF;
	_ =	strace $0x9FFFFFFF  }
0xc2: {  	(tm) =	ssettm $0x7FFFFFFF  }
0xc3: {  	_ =	shalt  }
tec
execute0_lowered:
.L_overlay_start_1:
0x0: {  	(tag) =	ssettag $0x1  }
0x1: {  	s0 =	rddreg [dreg:$0x0]  }
0x2: {  	s12 =	rddreg [dreg:$0x1];
	s1 =	srdreg.scid  }
0x3: {  	s9 =	stileid.u32;
	s3 =	simm.s32 $0x0;
	s1 =	sand.u32 $0x1, s1  }
0x4: {  	s2 =	sshll.u32 s9, $0x1;
	[smem:$0x7FF] =	sst s3;
	s4 =	sadd.s32 $0xF5BC00, s0  }
0x5: {  	s7 =	sadd.s32 $0x1000, s12;
	s8 =	sadd.s32 $0x2000, s12;
	s2 =	sor.u32 s1, s2  }
0x6: {  	s11 =	sadd.s32 $0x3000, s12;
	s5 =	sshll.u32 s2, $0x4;
	s2 =	sshll.u32 s2, $0x7  }
0x7: {  	s13 =	sadd.s32 $0x4000, s12;
	_ =	strace $0x80000047;
	s15 =	sadd.s32 s2, s7  }
0x8: {  	s6 =	ssub.s32 $0x2, s1;
	s16 =	sadd.s32 s2, s8;
	[dreg:$0x6] =	wrdreg s15  }
0x9: {  	s14 =	sshrl.u32 s6, $0x1;
	s17 =	sadd.s32 s2, s11;
	[dreg:$0x7] =	wrdreg s16  }
0xa: {  	s0 =	sadd.s32 s5, s0;
	s19 =	sadd.s32 s2, s13;
	[dreg:$0x8] =	wrdreg s17  }
0xb: {  	s5 =	ssub.s32 s6, s14;
	s6 =	sadd.s32 s12, s2;
	[dreg:$0x9] =	wrdreg s19  }
0xc: {  	s14 =	sadd.s32 $0x5000, s12;
	s0 =	sadd.s32 $0xF42C00, s0;
	[dreg:$0x5] =	wrdreg s6  }
0xd: {  	s20 =	sadd.s32 s2, s14;
	[dreg:$0x4] =	wrdreg s0  }
0xe: {  	s23 =	sadd.s32 $0x8000, s6;
	[dreg:$0xa] =	wrdreg s20  }
0xf: {  	s24 =	sadd.s32 $0x9000, s6;
	[dreg:$0xd] =	wrdreg s23  }
0x10: {  	s25 =	sadd.s32 $0xA000, s6;
	[dreg:$0xe] =	wrdreg s24  }
0x11: {  	s26 =	smax.u32 s5, $0x1;
	[dreg:$0xf] =	wrdreg s25  }
0x12: {  	s28 =	sadd.s32 $0xB000, s6;
	[dreg:$0x10] =	wrdreg s26  }
0x13: {  	s30 =	sadd.s32 $0xC000, s6;
	[dreg:$0x12] =	wrdreg s28  }
0x14: {  	s31 =	sadd.s32 $0xD000, s6;
	[dreg:$0x13] =	wrdreg s30  }
0x15: {  	s5 =	sadd.s32 $0x630000, s6;
	[dreg:$0x14] =	wrdreg s31  }
0x16: {  	s18 =	sshll.u32 s9, $0xB;
	s9 =	sadd.s32 $0x631000, s6;
	[dreg:$0x17] =	wrdreg s5  }
0x17: {  	s10 =	sadd.s32 $0x632000, s6;
	[dreg:$0x18] =	wrdreg s9  }
0x18: {  	s15 =	sadd.s32 $0x633000, s6;
	[dreg:$0x19] =	wrdreg s10  }
0x19: {  	s16 =	sadd.s32 $0x634000, s6;
	[dreg:$0x1a] =	wrdreg s15  }
0x1a: {  	s17 =	sadd.s32 $0x6000, s12;
	s19 =	sadd.s32 $0x635000, s6;
	[dreg:$0x1b] =	wrdreg s16  }
0x1b: {  	s22 =	sadd.s32 s2, s17;
	[dreg:$0x1c] =	wrdreg s19  }
0x1c: {  	s20 =	sadd.s32 $0x636000, s6;
	[dreg:$0xb] =	wrdreg s22  }
0x1d: {  	s23 =	sadd.s32 $0x639000, s6;
	[dreg:$0x1d] =	wrdreg s20  }
0x1e: {  	s24 =	sadd.s32 $0x63A000, s6;
	[smem:$0x7F7] =	sst s23  }
0x1f: {  	s25 =	sadd.s32 $0x63B000, s6;
	[smem:$0x7F8] =	sst s24  }
0x20: {  	s26 =	sadd.s32 $0x63C000, s6;
	[smem:$0x7F9] =	sst s25  }
0x21: {  	s1 =	sshll.u32 s1, $0xA;
	s28 =	sadd.s32 $0x63D000, s6;
	[smem:$0x7FA] =	sst s26  }
0x22: {  	s0 =	sor.u32 s1, s18;
	s30 =	sadd.s32 $0x63E000, s6;
	[smem:$0x7FB] =	sst s28  }
0x23: {  	s18 =	sadd.s32 $0x7000, s12;
	s31 =	sadd.s32 $0x63F000, s6;
	[smem:$0x7FC] =	sst s30  }
0x24: {  	s29 =	simm.s32 $0x80;
	s2 =	sadd.s32 s2, s18;
	[smem:$0x7FD] =	sst s31  }
0x25: {  	s21 =	sor.u32 $0xC0000, s0;
	s0 =	sor.u32 $0x80000, s0;
	[dreg:$0xc] =	wrdreg s2  }
0x26: {  	s15 =	simm.s32 $0x6400;
	s22 =	sadd.s32 $0x638000, s6;
	[dreg:$0x11] =	wrdreg s0  }
0x27: {  	s5 =	simm.s32 $0x0;
	s2 =	sadd.s32 $0xF000, s6;
	[dreg:$0x1f] =	wrdreg s22  }
0x28: {  	s1 =	sshrl.u32 s21, $0x3;
	s21 =	sadd.s32 $0x637000, s6;
	[dreg:$0x16] =	wrdreg s2  }
0x29: {  	s26 =	simm.s32 $0x12000;
	s1 =	sadd.s32 s1, s12;
	[dreg:$0x1e] =	wrdreg s21  }
0x2a: {  	s21 =	simm.s32 $0x2;
	[dreg:$0x3] =	wrdreg s1;
	s1 =	sadd.s32 $0xE000, s6  }
0x2b: {  	s2 =	simm.s32 $0x3;
	[dreg:$0x15] =	wrdreg s1;
	s1 =	simm.s32 $0x1  }
.LBB2_1:
0x2c: {  	[smem:$0x7F6] =	sst s5  }
0x2d: {  	s0 =	rddreg [dreg:$0x4];
	s6 =	simm.s32 $0x1000;
	s9 =	simm.s32 $0x4  }
0x2e: {  	[tilespmem:s3], [sflag:$0x4] =	stream.strided.gather [hbm4b:s0+s29], $0x6400, s6, s29, $0x38;
	[tilespmem:$0x12400] =	vst v63  }
0x2f: {  	_ =	swait.ge [sflag:s9], $0x6400  }
0x30: {  	[sflag:s9] =	ssyncset.done $0x0  }
0x31: {  	[sflag:s9] =	ssyncadd.s32 $0xFFFF9C00  }
0x32: {  	[tilespmem:s15], [sflag:$0x1] =	stream.indirect.gather [hbm4b:s4+s29], $0x80, s3, s29, $0xb8;
	[tilespmem:$0x12400] =	vst v63  }
0x33: {  	s5 =	simm.s32 $0xA400  }
0x34: {  	[tilespmem:s5], [sflag:$0x2] =	stream.indirect.gather [hbm4b:s4+s29], $0x80, s29, s29, $0xb8;
	[tilespmem:$0x12400] =	vst v63  }
0x35: {  	_ =	swait.ge [sflag:s1], $0x4000  }
0x36: {  	[sflag:s1] =	ssyncset.done $0x0  }
0x37: {  	s9 =	simm.s32 $0xE400;
	s10 =	rddreg [dreg:$0x5];
	[sflag:s1] =	ssyncadd.s32 $0xFFFFC000  }
0x38: {  	[hbm4b:s10+s3] =	stream.linear.scatter [tilespmem:s9], [sflag:$0x3], $0x400, $0x38;
	[tilespmem:$0x12400] =	vst v63  }
0x39: {  	s31 =	simm.s32 $0xE800;
	s16 =	rddreg [dreg:$0x6]  }
0x3a: {  	[hbm4b:s16+s3] =	stream.linear.scatter [tilespmem:s31], [sflag:$0x3], $0x400, $0x38;
	[tilespmem:$0x12400] =	vst v63  }
0x3b: {  	s6 =	simm.s32 $0xEC00;
	s19 =	rddreg [dreg:$0x7]  }
0x3c: {  	[hbm4b:s19+s3] =	stream.linear.scatter [tilespmem:s6], [sflag:$0x3], $0x400, $0x38;
	[tilespmem:$0x12400] =	vst v63  }
0x3d: {  	s22 =	simm.s32 $0xF000;
	s20 =	rddreg [dreg:$0x8]  }
0x3e: {  	[hbm4b:s20+s3] =	stream.linear.scatter [tilespmem:s22], [sflag:$0x3], $0x400, $0x38;
	[tilespmem:$0x12400] =	vst v63  }
0x3f: {  	s24 =	simm.s32 $0xF400;
	s23 =	rddreg [dreg:$0x9]  }
0x40: {  	[hbm4b:s23+s3] =	stream.linear.scatter [tilespmem:s24], [sflag:$0x3], $0x400, $0x38;
	[tilespmem:$0x12400] =	vst v63  }
0x41: {  	s28 =	simm.s32 $0xF800;
	s25 =	rddreg [dreg:$0xa]  }
0x42: {  	[hbm4b:s25+s3] =	stream.linear.scatter [tilespmem:s28], [sflag:$0x3], $0x400, $0x38;
	[tilespmem:$0x12400] =	vst v63  }
0x43: {  	s30 =	simm.s32 $0xFC00;
	s6 =	rddreg [dreg:$0xb]  }
0x44: {  	[hbm4b:s6+s3] =	stream.linear.scatter [tilespmem:s30], [sflag:$0x3], $0x400, $0x38;
	[tilespmem:$0x12400] =	vst v63  }
0x45: {  	s10 =	rddreg [dreg:$0xc];
	s25 =	simm.s32 $0x10000  }
0x46: {  	[hbm4b:s10+s3] =	stream.linear.scatter [tilespmem:s25], [sflag:$0x3], $0x400, $0x38;
	[tilespmem:$0x12400] =	vst v63  }
0x47: {  	s16 =	simm.s32 $0x100  }
0x48: {  	[tilespmem:s15], [sflag:$0x1] =	stream.indirect.gather [hbm4b:s4+s29], $0x80, s16, s29, $0xb8;
	[tilespmem:$0x12400] =	vst v63  }
0x49: {  	_ =	swait.ge [sflag:s21], $0x4000  }
0x4a: {  	[sflag:s21] =	ssyncset.done $0x0  }
0x4b: {  	s23 =	simm.s32 $0x10400;
	s19 =	rddreg [dreg:$0xd];
	[sflag:s21] =	ssyncadd.s32 $0xFFFFC000  }
0x4c: {  	[hbm4b:s19+s3] =	stream.linear.scatter [tilespmem:s23], [sflag:$0x3], $0x400, $0x38;
	[tilespmem:$0x12400] =	vst v63  }
0x4d: {  	s16 =	simm.s32 $0x10800;
	s20 =	rddreg [dreg:$0xe]  }
0x4e: {  	[hbm4b:s20+s3] =	stream.linear.scatter [tilespmem:s16], [sflag:$0x3], $0x400, $0x38;
	[tilespmem:$0x12400] =	vst v63  }
0x4f: {  	s22 =	rddreg [dreg:$0xf];
	s19 =	simm.s32 $0x10C00  }
0x50: {  	[hbm4b:s22+s3] =	stream.linear.scatter [tilespmem:s19], [sflag:$0x3], $0x400, $0x38;
	[tilespmem:$0x12400] =	vst v63  }
0x51: {  	s24 =	rddreg [dreg:$0x12];
	s22 =	simm.s32 $0x11000  }
0x52: {  	[hbm4b:s24+s3] =	stream.linear.scatter [tilespmem:s22], [sflag:$0x3], $0x400, $0x38;
	[tilespmem:$0x12400] =	vst v63  }
0x53: {  	s6 =	rddreg [dreg:$0x13];
	s20 =	simm.s32 $0x11400  }
0x54: {  	[hbm4b:s6+s3] =	stream.linear.scatter [tilespmem:s20], [sflag:$0x3], $0x400, $0x38;
	[tilespmem:$0x12400] =	vst v63  }
0x55: {  	s10 =	rddreg [dreg:$0x14];
	s24 =	simm.s32 $0x11800  }
0x56: {  	[hbm4b:s10+s3] =	stream.linear.scatter [tilespmem:s24], [sflag:$0x3], $0x400, $0x38;
	[tilespmem:$0x12400] =	vst v63  }
0x57: {  	s6 =	rddreg [dreg:$0x15];
	s10 =	simm.s32 $0x11C00  }
0x58: {  	[hbm4b:s6+s3] =	stream.linear.scatter [tilespmem:s10], [sflag:$0x3], $0x400, $0x38;
	[tilespmem:$0x12400] =	vst v63  }
0x59: {  	s6 =	rddreg [dreg:$0x16]  }
0x5a: {  	[hbm4b:s6+s3] =	stream.linear.scatter [tilespmem:s26], [sflag:$0x3], $0x400, $0x38;
	[tilespmem:$0x12400] =	vst v63  }
0x5b: {  	_ =	swait.ge [sflag:s2], $0x400  }
0x5c: {  	[sflag:s2] =	ssyncset.done $0x0  }
0x5d: {  	[sflag:s2] =	ssyncadd.s32 $0xFFFFFC00  }
0x5e: {  	_ =	swait.ge [sflag:s2], $0x400  }
0x5f: {  	[sflag:s2] =	ssyncset.done $0x0  }
0x60: {  	[sflag:s2] =	ssyncadd.s32 $0xFFFFFC00  }
0x61: {  	_ =	swait.ge [sflag:s2], $0x400  }
0x62: {  	[sflag:s2] =	ssyncset.done $0x0  }
0x63: {  	[sflag:s2] =	ssyncadd.s32 $0xFFFFFC00  }
0x64: {  	_ =	swait.ge [sflag:s2], $0x400  }
0x65: {  	[sflag:s2] =	ssyncset.done $0x0  }
0x66: {  	[sflag:s2] =	ssyncadd.s32 $0xFFFFFC00  }
0x67: {  	_ =	swait.ge [sflag:s2], $0x400  }
0x68: {  	[sflag:s2] =	ssyncset.done $0x0  }
0x69: {  	[sflag:s2] =	ssyncadd.s32 $0xFFFFFC00  }
0x6a: {  	_ =	swait.ge [sflag:s2], $0x400  }
0x6b: {  	[sflag:s2] =	ssyncset.done $0x0  }
0x6c: {  	[sflag:s2] =	ssyncadd.s32 $0xFFFFFC00  }
0x6d: {  	_ =	swait.ge [sflag:s2], $0x400  }
0x6e: {  	[sflag:s2] =	ssyncset.done $0x0  }
0x6f: {  	[sflag:s2] =	ssyncadd.s32 $0xFFFFFC00  }
0x70: {  	_ =	swait.ge [sflag:s2], $0x400  }
0x71: {  	[sflag:s2] =	ssyncset.done $0x0  }
0x72: {  	s10 =	simm.s32 $0x180;
	[sflag:s2] =	ssyncadd.s32 $0xFFFFFC00  }
0x73: {  	[tilespmem:s5], [sflag:$0x2] =	stream.indirect.gather [hbm4b:s4+s29], $0x80, s10, s29, $0xb8;
	[tilespmem:$0x12400] =	vst v63  }
0x74: {  	_ =	swait.ge [sflag:s1], $0x4000  }
0x75: {  	s10 =	rddreg [dreg:$0x11]  }
0x76: {  	[sflag:s1] =	ssyncset.done $0x0;
	s0 =	sshrl.u32 s10, $0x3  }
0x77: {  	[sflag:s1] =	ssyncadd.s32 $0xFFFFC000;
	s6 =	sadd.s32 s12, s0  }
0x78: {  	[hbm4b:s6+s3] =	stream.linear.scatter [tilespmem:s9], [sflag:$0x3], $0x400, $0x38;
	[tilespmem:$0x12400] =	vst v63  }
0x79: {  	s9 =	sadd.s32 s0, s7  }
0x7a: {  	[hbm4b:s9+s3] =	stream.linear.scatter [tilespmem:s31], [sflag:$0x3], $0x400, $0x38;
	[tilespmem:$0x12400] =	vst v63  }
0x7b: {  	s6 =	sadd.s32 s0, s8;
	s9 =	simm.s32 $0xEC00  }
0x7c: {  	[hbm4b:s6+s3] =	stream.linear.scatter [tilespmem:s9], [sflag:$0x3], $0x400, $0x38;
	[tilespmem:$0x12400] =	vst v63  }
0x7d: {  	s6 =	sadd.s32 s0, s11;
	s9 =	simm.s32 $0xF000  }
0x7e: {  	[hbm4b:s6+s3] =	stream.linear.scatter [tilespmem:s9], [sflag:$0x3], $0x400, $0x38;
	[tilespmem:$0x12400] =	vst v63  }
0x7f: {  	s6 =	sadd.s32 s0, s13;
	s9 =	simm.s32 $0xF400  }
0x80: {  	[hbm4b:s6+s3] =	stream.linear.scatter [tilespmem:s9], [sflag:$0x3], $0x400, $0x38;
	[tilespmem:$0x12400] =	vst v63  }
0x81: {  	s9 =	sadd.s32 s0, s14  }
0x82: {  	[hbm4b:s9+s3] =	stream.linear.scatter [tilespmem:s28], [sflag:$0x3], $0x400, $0x38;
	[tilespmem:$0x12400] =	vst v63  }
0x83: {  	s6 =	sadd.s32 s0, s17  }
0x84: {  	[hbm4b:s6+s3] =	stream.linear.scatter [tilespmem:s30], [sflag:$0x3], $0x400, $0x38;
	[tilespmem:$0x12400] =	vst v63  }
0x85: {  	s0 =	sadd.s32 s0, s18  }
0x86: {  	[hbm4b:s0+s3] =	stream.linear.scatter [tilespmem:s25], [sflag:$0x3], $0x400, $0x38;
	[tilespmem:$0x12400] =	vst v63  }
0x87: {  	_ =	swait.ge [sflag:s2], $0x400  }
0x88: {  	[sflag:s2] =	ssyncset.done $0x0  }
0x89: {  	[sflag:s2] =	ssyncadd.s32 $0xFFFFFC00  }
0x8a: {  	_ =	swait.ge [sflag:s2], $0x400  }
0x8b: {  	[sflag:s2] =	ssyncset.done $0x0  }
0x8c: {  	[sflag:s2] =	ssyncadd.s32 $0xFFFFFC00  }
0x8d: {  	_ =	swait.ge [sflag:s2], $0x400  }
0x8e: {  	[sflag:s2] =	ssyncset.done $0x0  }
0x8f: {  	[sflag:s2] =	ssyncadd.s32 $0xFFFFFC00  }
0x90: {  	_ =	swait.ge [sflag:s2], $0x400  }
0x91: {  	[sflag:s2] =	ssyncset.done $0x0  }
0x92: {  	[sflag:s2] =	ssyncadd.s32 $0xFFFFFC00  }
0x93: {  	_ =	swait.ge [sflag:s2], $0x400  }
0x94: {  	[sflag:s2] =	ssyncset.done $0x0  }
0x95: {  	[sflag:s2] =	ssyncadd.s32 $0xFFFFFC00  }
0x96: {  	_ =	swait.ge [sflag:s2], $0x400  }
0x97: {  	[sflag:s2] =	ssyncset.done $0x0  }
0x98: {  	[sflag:s2] =	ssyncadd.s32 $0xFFFFFC00  }
0x99: {  	_ =	swait.ge [sflag:s2], $0x400  }
0x9a: {  	[sflag:s2] =	ssyncset.done $0x0  }
0x9b: {  	[sflag:s2] =	ssyncadd.s32 $0xFFFFFC00  }
0x9c: {  	_ =	swait.ge [sflag:s2], $0x400  }
0x9d: {  	[sflag:s2] =	ssyncset.done $0x0  }
0x9e: {  	s9 =	simm.s32 $0x200;
	[sflag:s2] =	ssyncadd.s32 $0xFFFFFC00  }
0x9f: {  	[tilespmem:s15], [sflag:$0x1] =	stream.indirect.gather [hbm4b:s4+s29], $0x80, s9, s29, $0xb8;
	[tilespmem:$0x12400] =	vst v63  }
0xa0: {  	_ =	swait.ge [sflag:s21], $0x4000  }
0xa1: {  	s5 =	simm.s32 $0x300;
	s15 =	rddreg [dreg:$0x3];
	[sflag:s21] =	ssyncset.done $0x0  }
0xa2: {  	s31 =	simm.s32 $0x10000;
	[sflag:s21] =	ssyncadd.s32 $0xFFFFC000;
	s0 =	sadd.s32 $0x0, s15  }
0xa3: {  	[hbm4b:s0+s3] =	stream.linear.scatter [tilespmem:s23], [sflag:$0x3], $0x400, $0x38;
	[tilespmem:$0x12400] =	vst v63  }
0xa4: {  	s28 =	simm.s32 $0xFC00;
	s30 =	simm.s32 $0x10000;
	s23 =	sadd.s32 $0x1000, s0  }
0xa5: {  	[hbm4b:s23+s3] =	stream.linear.scatter [tilespmem:s16], [sflag:$0x3], $0x400, $0x38;
	[tilespmem:$0x12400] =	vst v63  }
0xa6: {  	s6 =	simm.s32 $0x10400;
	s25 =	simm.s32 $0x10800;
	s9 =	sadd.s32 $0x2000, s0  }
0xa7: {  	[hbm4b:s9+s3] =	stream.linear.scatter [tilespmem:s19], [sflag:$0x3], $0x400, $0x38;
	[tilespmem:$0x12400] =	vst v63  }
0xa8: {  	s15 =	sadd.s32 $0x3000, s0;
	s16 =	simm.s32 $0x10C00;
	s23 =	sadd.s32 $0x4000, s0  }
0xa9: {  	[hbm4b:s15+s3] =	stream.linear.scatter [tilespmem:s22], [sflag:$0x3], $0x400, $0x38;
	[tilespmem:$0x12400] =	vst v63  }
0xaa: {  	s19 =	simm.s32 $0x11000;
	s9 =	sadd.s32 $0x5000, s0;
	s22 =	simm.s32 $0x11400  }
0xab: {  	[hbm4b:s23+s3] =	stream.linear.scatter [tilespmem:s20], [sflag:$0x3], $0x400, $0x38;
	[tilespmem:$0x12400] =	vst v63  }
0xac: {  	s15 =	sadd.s32 $0x6000, s0;
	s23 =	simm.s32 $0x11800;
	s20 =	simm.s32 $0x11C00  }
0xad: {  	[hbm4b:s9+s3] =	stream.linear.scatter [tilespmem:s24], [sflag:$0x3], $0x400, $0x38;
	[tilespmem:$0x12400] =	vst v63  }
0xae: {  	s24 =	simm.s32 $0x11C00;
	s9 =	sadd.s32 $0x7000, s0;
	s0 =	sadd.s32 $0x80000, s10  }
0xaf: {  	[hbm4b:s15+s3] =	stream.linear.scatter [tilespmem:s20], [sflag:$0x3], $0x400, $0x38;
	[tilespmem:$0x12400] =	vst v63  }
.LBB2_2:
0xb0: {  	[hbm4b:s9+s3] =	stream.linear.scatter [tilespmem:s26], [sflag:$0x3], $0x400, $0x38;
	[tilespmem:$0x12400] =	vst v63  }
0xb1: {  	_ =	swait.ge [sflag:s2], $0x400  }
0xb2: {  	[sflag:s2] =	ssyncset.done $0x0  }
0xb3: {  	[sflag:s2] =	ssyncadd.s32 $0xFFFFFC00  }
0xb4: {  	_ =	swait.ge [sflag:s2], $0x400  }
0xb5: {  	[sflag:s2] =	ssyncset.done $0x0  }
0xb6: {  	[sflag:s2] =	ssyncadd.s32 $0xFFFFFC00  }
0xb7: {  	_ =	swait.ge [sflag:s2], $0x400  }
0xb8: {  	[sflag:s2] =	ssyncset.done $0x0  }
0xb9: {  	[sflag:s2] =	ssyncadd.s32 $0xFFFFFC00  }
0xba: {  	_ =	swait.ge [sflag:s2], $0x400  }
0xbb: {  	[sflag:s2] =	ssyncset.done $0x0  }
0xbc: {  	[sflag:s2] =	ssyncadd.s32 $0xFFFFFC00  }
0xbd: {  	_ =	swait.ge [sflag:s2], $0x400  }
0xbe: {  	[sflag:s2] =	ssyncset.done $0x0  }
0xbf: {  	[sflag:s2] =	ssyncadd.s32 $0xFFFFFC00  }
0xc0: {  	_ =	swait.ge [sflag:s2], $0x400  }
0xc1: {  	[sflag:s2] =	ssyncset.done $0x0  }
0xc2: {  	[sflag:s2] =	ssyncadd.s32 $0xFFFFFC00  }
0xc3: {  	_ =	swait.ge [sflag:s2], $0x400  }
0xc4: {  	[sflag:s2] =	ssyncset.done $0x0  }
0xc5: {  	[sflag:s2] =	ssyncadd.s32 $0xFFFFFC00  }
0xc6: {  	_ =	swait.ge [sflag:s2], $0x400  }
0xc7: {  	[sflag:s2] =	ssyncset.done $0x0  }
0xc8: {  	s10 =	sadd.s32 $0xFFFFFF80, s5;
	s15 =	simm.s32 $0xA400;
	[sflag:s2] =	ssyncadd.s32 $0xFFFFFC00  }
0xc9: {  	[tilespmem:s15], [sflag:$0x2] =	stream.indirect.gather [hbm4b:s4+s29], $0x80, s10, s29, $0xb8;
	[tilespmem:$0x12400] =	vst v63  }
0xca: {  	_ =	swait.ge [sflag:s1], $0x4000  }
0xcb: {  	s20 =	simm.s32 $0xE400;
	s10 =	sshrl.u32 s0, $0x3;
	[sflag:s1] =	ssyncset.done $0x0  }
0xcc: {  	s15 =	smov.u32 s12;
	s12 =	sadd.s32 s12, s10;
	[sflag:s1] =	ssyncadd.s32 $0xFFFFC000  }
0xcd: {  	[hbm4b:s12+s3] =	stream.linear.scatter [tilespmem:s20], [sflag:$0x3], $0x400, $0x38;
	[tilespmem:$0x12400] =	vst v63  }
0xce: {  	s12 =	sadd.s32 s10, s7;
	s20 =	simm.s32 $0xE800  }
0xcf: {  	[hbm4b:s12+s3] =	stream.linear.scatter [tilespmem:s20], [sflag:$0x3], $0x400, $0x38;
	[tilespmem:$0x12400] =	vst v63  }
0xd0: {  	s12 =	sadd.s32 s10, s8;
	s20 =	simm.s32 $0xEC00  }
0xd1: {  	[hbm4b:s12+s3] =	stream.linear.scatter [tilespmem:s20], [sflag:$0x3], $0x400, $0x38;
	[tilespmem:$0x12400] =	vst v63  }
0xd2: {  	s12 =	sadd.s32 s10, s11;
	s20 =	simm.s32 $0xF000  }
0xd3: {  	[hbm4b:s12+s3] =	stream.linear.scatter [tilespmem:s20], [sflag:$0x3], $0x400, $0x38;
	[tilespmem:$0x12400] =	vst v63  }
0xd4: {  	s12 =	sadd.s32 s10, s13;
	s20 =	simm.s32 $0xF400  }
0xd5: {  	[hbm4b:s12+s3] =	stream.linear.scatter [tilespmem:s20], [sflag:$0x3], $0x400, $0x38;
	[tilespmem:$0x12400] =	vst v63  }
0xd6: {  	s12 =	sadd.s32 s10, s14;
	s20 =	simm.s32 $0xF800  }
0xd7: {  	[hbm4b:s12+s3] =	stream.linear.scatter [tilespmem:s20], [sflag:$0x3], $0x400, $0x38;
	[tilespmem:$0x12400] =	vst v63  }
0xd8: {  	s20 =	sadd.s32 s10, s17  }
0xd9: {  	[hbm4b:s20+s3] =	stream.linear.scatter [tilespmem:s28], [sflag:$0x3], $0x400, $0x38;
	[tilespmem:$0x12400] =	vst v63  }
0xda: {  	s10 =	sadd.s32 s10, s18  }
0xdb: {  	[hbm4b:s10+s3] =	stream.linear.scatter [tilespmem:s30], [sflag:$0x3], $0x400, $0x38;
	[tilespmem:$0x12400] =	vst v63  }
0xdc: {  	_ =	swait.ge [sflag:s2], $0x400  }
0xdd: {  	[sflag:s2] =	ssyncset.done $0x0  }
0xde: {  	[sflag:s2] =	ssyncadd.s32 $0xFFFFFC00  }
0xdf: {  	_ =	swait.ge [sflag:s2], $0x400  }
0xe0: {  	[sflag:s2] =	ssyncset.done $0x0  }
0xe1: {  	[sflag:s2] =	ssyncadd.s32 $0xFFFFFC00  }
0xe2: {  	_ =	swait.ge [sflag:s2], $0x400  }
0xe3: {  	[sflag:s2] =	ssyncset.done $0x0  }
0xe4: {  	[sflag:s2] =	ssyncadd.s32 $0xFFFFFC00  }
0xe5: {  	_ =	swait.ge [sflag:s2], $0x400  }
0xe6: {  	[sflag:s2] =	ssyncset.done $0x0  }
0xe7: {  	[sflag:s2] =	ssyncadd.s32 $0xFFFFFC00  }
0xe8: {  	_ =	swait.ge [sflag:s2], $0x400  }
0xe9: {  	[sflag:s2] =	ssyncset.done $0x0  }
0xea: {  	[sflag:s2] =	ssyncadd.s32 $0xFFFFFC00  }
0xeb: {  	_ =	swait.ge [sflag:s2], $0x400  }
0xec: {  	[sflag:s2] =	ssyncset.done $0x0  }
0xed: {  	[sflag:s2] =	ssyncadd.s32 $0xFFFFFC00  }
0xee: {  	_ =	swait.ge [sflag:s2], $0x400  }
0xef: {  	[sflag:s2] =	ssyncset.done $0x0  }
0xf0: {  	[sflag:s2] =	ssyncadd.s32 $0xFFFFFC00  }
0xf1: {  	_ =	swait.ge [sflag:s2], $0x400  }
0xf2: {  	[sflag:s2] =	ssyncset.done $0x0  }
0xf3: {  	s12 =	smov.u32 s15;
	s15 =	simm.s32 $0x6400;
	[sflag:s2] =	ssyncadd.s32 $0xFFFFFC00  }
0xf4: {  	[tilespmem:s15], [sflag:$0x1] =	stream.indirect.gather [hbm4b:s4+s29], $0x80, s5, s29, $0xb8;
	[tilespmem:$0x12400] =	vst v63  }
0xf5: {  	_ =	swait.ge [sflag:s21], $0x4000  }
0xf6: {  	s9 =	smov.u32 s31;
	s20 =	rddreg [dreg:$0x3];
	[sflag:s21] =	ssyncset.done $0x0  }
0xf7: {  	[sflag:s21] =	ssyncadd.s32 $0xFFFFC000;
	s9 =	sadd.s32 s9, s20  }
0xf8: {  	[hbm4b:s9+s3] =	stream.linear.scatter [tilespmem:s6], [sflag:$0x3], $0x400, $0x38;
	[tilespmem:$0x12400] =	vst v63  }
0xf9: {  	s10 =	sadd.s32 $0x1000, s9  }
0xfa: {  	[hbm4b:s10+s3] =	stream.linear.scatter [tilespmem:s25], [sflag:$0x3], $0x400, $0x38;
	[tilespmem:$0x12400] =	vst v63  }
0xfb: {  	s20 =	sadd.s32 $0x2000, s9  }
0xfc: {  	[hbm4b:s20+s3] =	stream.linear.scatter [tilespmem:s16], [sflag:$0x3], $0x400, $0x38;
	[tilespmem:$0x12400] =	vst v63  }
0xfd: {  	s20 =	sadd.s32 $0x3000, s9  }
0xfe: {  	[hbm4b:s20+s3] =	stream.linear.scatter [tilespmem:s19], [sflag:$0x3], $0x400, $0x38;
	[tilespmem:$0x12400] =	vst v63  }
0xff: {  	p0 =	sne.s32 s31, $0x610000;
	s20 =	sadd.s32 $0x4000, s9  }
0x100: {  	[hbm4b:s20+s3] =	stream.linear.scatter [tilespmem:s22], [sflag:$0x3], $0x400, $0x38;
	[tilespmem:$0x12400] =	vst v63  }
.Ltmp0:
0x101: {  	_ = 	snop;
	(pc) =	sbr.rel @p0 .LBB2_2-.Ltmp0, $4  }
0x102: {  	s31 =	sadd.s32 $0x10000, s31;
	s0 =	sadd.s32 $0x80000, s0;
	s20 =	sadd.s32 $0x5000, s9  }
0x103: {  	[hbm4b:s20+s3] =	stream.linear.scatter [tilespmem:s23], [sflag:$0x3], $0x400, $0x38;
	[tilespmem:$0x12400] =	vst v63  }
0x104: {  	s5 =	sadd.s32 $0x100, s5;
	s20 =	sadd.s32 $0x6000, s9;
	s9 =	sadd.s32 $0x7000, s9  }
0x105: {  	[hbm4b:s20+s3] =	stream.linear.scatter [tilespmem:s24], [sflag:$0x3], $0x400, $0x38;
	[tilespmem:$0x12400] =	vst v63  }
0x106: {  	s10 =	simm.s32 $0x12000  }
0x107: {  	[hbm4b:s9+s3] =	stream.linear.scatter [tilespmem:s10], [sflag:$0x3], $0x400, $0x38;
	[tilespmem:$0x12400] =	vst v63  }
0x108: {  	_ =	swait.ge [sflag:s2], $0x400  }
0x109: {  	[sflag:s2] =	ssyncset.done $0x0  }
0x10a: {  	[sflag:s2] =	ssyncadd.s32 $0xFFFFFC00  }
0x10b: {  	_ =	swait.ge [sflag:s2], $0x400  }
0x10c: {  	[sflag:s2] =	ssyncset.done $0x0  }
0x10d: {  	[sflag:s2] =	ssyncadd.s32 $0xFFFFFC00  }
0x10e: {  	_ =	swait.ge [sflag:s2], $0x400  }
0x10f: {  	[sflag:s2] =	ssyncset.done $0x0  }
0x110: {  	[sflag:s2] =	ssyncadd.s32 $0xFFFFFC00  }
0x111: {  	_ =	swait.ge [sflag:s2], $0x400  }
0x112: {  	[sflag:s2] =	ssyncset.done $0x0  }
0x113: {  	[sflag:s2] =	ssyncadd.s32 $0xFFFFFC00  }
0x114: {  	_ =	swait.ge [sflag:s2], $0x400  }
0x115: {  	[sflag:s2] =	ssyncset.done $0x0  }
0x116: {  	[sflag:s2] =	ssyncadd.s32 $0xFFFFFC00  }
0x117: {  	_ =	swait.ge [sflag:s2], $0x400  }
0x118: {  	[sflag:s2] =	ssyncset.done $0x0  }
0x119: {  	[sflag:s2] =	ssyncadd.s32 $0xFFFFFC00  }
0x11a: {  	_ =	swait.ge [sflag:s2], $0x400  }
0x11b: {  	[sflag:s2] =	ssyncset.done $0x0  }
0x11c: {  	[sflag:s2] =	ssyncadd.s32 $0xFFFFFC00  }
0x11d: {  	_ =	swait.ge [sflag:s2], $0x400  }
0x11e: {  	[sflag:s2] =	ssyncset.done $0x0  }
0x11f: {  	s0 =	simm.s32 $0xA400;
	s5 =	simm.s32 $0x6380;
	[sflag:s2] =	ssyncadd.s32 $0xFFFFFC00  }
0x120: {  	[tilespmem:s0], [sflag:$0x2] =	stream.indirect.gather [hbm4b:s4+s29], $0x80, s5, s29, $0xb8;
	[tilespmem:$0x12400] =	vst v63  }
0x121: {  	_ =	swait.ge [sflag:s1], $0x4000  }
0x122: {  	[sflag:s1] =	ssyncset.done $0x0  }
0x123: {  	s31 =	simm.s32 $0xE400;
	s26 =	rddreg [dreg:$0x17];
	[sflag:s1] =	ssyncadd.s32 $0xFFFFC000  }
0x124: {  	[hbm4b:s26+s3] =	stream.linear.scatter [tilespmem:s31], [sflag:$0x3], $0x400, $0x38;
	[tilespmem:$0x12400] =	vst v63  }
0x125: {  	s20 =	simm.s32 $0xE800;
	s9 =	rddreg [dreg:$0x18]  }
0x126: {  	[hbm4b:s9+s3] =	stream.linear.scatter [tilespmem:s20], [sflag:$0x3], $0x400, $0x38;
	[tilespmem:$0x12400] =	vst v63  }
0x127: {  	s26 =	rddreg [dreg:$0x19];
	s31 =	simm.s32 $0xEC00  }
0x128: {  	[hbm4b:s26+s3] =	stream.linear.scatter [tilespmem:s31], [sflag:$0x3], $0x400, $0x38;
	[tilespmem:$0x12400] =	vst v63  }
0x129: {  	s9 =	rddreg [dreg:$0x1a];
	s20 =	simm.s32 $0xF000  }
0x12a: {  	[hbm4b:s9+s3] =	stream.linear.scatter [tilespmem:s20], [sflag:$0x3], $0x400, $0x38;
	[tilespmem:$0x12400] =	vst v63  }
0x12b: {  	s26 =	rddreg [dreg:$0x1b];
	s31 =	simm.s32 $0xF400  }
0x12c: {  	[hbm4b:s26+s3] =	stream.linear.scatter [tilespmem:s31], [sflag:$0x3], $0x400, $0x38;
	[tilespmem:$0x12400] =	vst v63  }
0x12d: {  	s9 =	rddreg [dreg:$0x1c];
	s20 =	simm.s32 $0xF800  }
0x12e: {  	[hbm4b:s9+s3] =	stream.linear.scatter [tilespmem:s20], [sflag:$0x3], $0x400, $0x38;
	[tilespmem:$0x12400] =	vst v63  }
0x12f: {  	s26 =	rddreg [dreg:$0x1d]  }
0x130: {  	[hbm4b:s26+s3] =	stream.linear.scatter [tilespmem:s28], [sflag:$0x3], $0x400, $0x38;
	[tilespmem:$0x12400] =	vst v63  }
0x131: {  	s31 =	rddreg [dreg:$0x1e]  }
0x132: {  	[hbm4b:s31+s3] =	stream.linear.scatter [tilespmem:s30], [sflag:$0x3], $0x400, $0x38;
	[tilespmem:$0x12400] =	vst v63  }
0x133: {  	_ =	swait.ge [sflag:s2], $0x400  }
0x134: {  	[sflag:s2] =	ssyncset.done $0x0  }
0x135: {  	[sflag:s2] =	ssyncadd.s32 $0xFFFFFC00  }
0x136: {  	_ =	swait.ge [sflag:s2], $0x400  }
0x137: {  	[sflag:s2] =	ssyncset.done $0x0  }
0x138: {  	[sflag:s2] =	ssyncadd.s32 $0xFFFFFC00  }
0x139: {  	_ =	swait.ge [sflag:s2], $0x400  }
0x13a: {  	[sflag:s2] =	ssyncset.done $0x0  }
0x13b: {  	[sflag:s2] =	ssyncadd.s32 $0xFFFFFC00  }
0x13c: {  	_ =	swait.ge [sflag:s2], $0x400  }
0x13d: {  	[sflag:s2] =	ssyncset.done $0x0  }
0x13e: {  	[sflag:s2] =	ssyncadd.s32 $0xFFFFFC00  }
0x13f: {  	_ =	swait.ge [sflag:s2], $0x400  }
0x140: {  	[sflag:s2] =	ssyncset.done $0x0  }
0x141: {  	[sflag:s2] =	ssyncadd.s32 $0xFFFFFC00  }
0x142: {  	_ =	swait.ge [sflag:s2], $0x400  }
0x143: {  	[sflag:s2] =	ssyncset.done $0x0  }
0x144: {  	[sflag:s2] =	ssyncadd.s32 $0xFFFFFC00  }
0x145: {  	_ =	swait.ge [sflag:s2], $0x400  }
0x146: {  	[sflag:s2] =	ssyncset.done $0x0  }
0x147: {  	[sflag:s2] =	ssyncadd.s32 $0xFFFFFC00  }
0x148: {  	_ =	swait.ge [sflag:s2], $0x400  }
0x149: {  	[sflag:s2] =	ssyncset.done $0x0  }
0x14a: {  	[sflag:s2] =	ssyncadd.s32 $0xFFFFFC00  }
0x14b: {  	_ =	swait.ge [sflag:s21], $0x4000  }
0x14c: {  	[sflag:s21] =	ssyncset.done $0x0  }
0x14d: {  	s5 =	rddreg [dreg:$0x1f];
	[sflag:s21] =	ssyncadd.s32 $0xFFFFC000  }
0x14e: {  	[hbm4b:s5+s3] =	stream.linear.scatter [tilespmem:s6], [sflag:$0x3], $0x400, $0x38;
	[tilespmem:$0x12400] =	vst v63  }
0x14f: {  	s6 =	sld [smem:$0x7F7];
	_ =	sdelay $0x1  }
0x150: {  	s9 =	sld [smem:$0x7F8]  }
0x151: {  	[hbm4b:s6+s3] =	stream.linear.scatter [tilespmem:s25], [sflag:$0x3], $0x400, $0x38;
	[tilespmem:$0x12400] =	vst v63  }
0x152: {  	_ = 	snop  }
0x153: {  	[hbm4b:s9+s3] =	stream.linear.scatter [tilespmem:s16], [sflag:$0x3], $0x400, $0x38;
	[tilespmem:$0x12400] =	vst v63  }
0x154: {  	s16 =	sld [smem:$0x7F9];
	_ =	sdelay $0x1  }
0x155: {  	s20 =	sld [smem:$0x7FA]  }
0x156: {  	[hbm4b:s16+s3] =	stream.linear.scatter [tilespmem:s19], [sflag:$0x3], $0x400, $0x38;
	[tilespmem:$0x12400] =	vst v63  }
0x157: {  	s25 =	sld [smem:$0x7FB]  }
0x158: {  	[hbm4b:s20+s3] =	stream.linear.scatter [tilespmem:s22], [sflag:$0x3], $0x400, $0x38;
	[tilespmem:$0x12400] =	vst v63  }
0x159: {  	s26 =	sld [smem:$0x7FC]  }
0x15a: {  	[hbm4b:s25+s3] =	stream.linear.scatter [tilespmem:s23], [sflag:$0x3], $0x400, $0x38;
	[tilespmem:$0x12400] =	vst v63  }
0x15b: {  	s28 =	sld [smem:$0x7FD]  }
0x15c: {  	[hbm4b:s26+s3] =	stream.linear.scatter [tilespmem:s24], [sflag:$0x3], $0x400, $0x38;
	[tilespmem:$0x12400] =	vst v63  }
0x15d: {  	_ = 	snop  }
0x15e: {  	[hbm4b:s28+s3] =	stream.linear.scatter [tilespmem:s10], [sflag:$0x3], $0x400, $0x38;
	[tilespmem:$0x12400] =	vst v63  }
0x15f: {  	_ =	swait.ge [sflag:s2], $0x400  }
0x160: {  	[sflag:s2] =	ssyncset.done $0x0  }
0x161: {  	[sflag:s2] =	ssyncadd.s32 $0xFFFFFC00  }
0x162: {  	_ =	swait.ge [sflag:s2], $0x400  }
0x163: {  	[sflag:s2] =	ssyncset.done $0x0  }
0x164: {  	[sflag:s2] =	ssyncadd.s32 $0xFFFFFC00  }
0x165: {  	_ =	swait.ge [sflag:s2], $0x400  }
0x166: {  	[sflag:s2] =	ssyncset.done $0x0  }
0x167: {  	[sflag:s2] =	ssyncadd.s32 $0xFFFFFC00  }
0x168: {  	_ =	swait.ge [sflag:s2], $0x400  }
0x169: {  	[sflag:s2] =	ssyncset.done $0x0  }
0x16a: {  	[sflag:s2] =	ssyncadd.s32 $0xFFFFFC00  }
0x16b: {  	_ =	swait.ge [sflag:s2], $0x400  }
0x16c: {  	[sflag:s2] =	ssyncset.done $0x0  }
0x16d: {  	[sflag:s2] =	ssyncadd.s32 $0xFFFFFC00  }
0x16e: {  	_ =	swait.ge [sflag:s2], $0x400  }
0x16f: {  	[sflag:s2] =	ssyncset.done $0x0  }
0x170: {  	[sflag:s2] =	ssyncadd.s32 $0xFFFFFC00  }
0x171: {  	_ =	swait.ge [sflag:s2], $0x400  }
0x172: {  	[sflag:s2] =	ssyncset.done $0x0  }
0x173: {  	[sflag:s2] =	ssyncadd.s32 $0xFFFFFC00  }
0x174: {  	_ =	swait.ge [sflag:s2], $0x400  }
0x175: {  	[sflag:s2] =	ssyncset.done $0x0  }
0x176: {  	[sflag:s2] =	ssyncadd.s32 $0xFFFFFC00  }
0x177: {  	_ =	swait.ge [sflag:s2], $0x400  }
0x178: {  	[sflag:s2] =	ssyncset.done $0x0  }
0x179: {  	[sflag:s2] =	ssyncadd.s32 $0xFFFFFC00  }
0x17a: {  	_ =	swait.ge [sflag:s2], $0x400  }
0x17b: {  	[sflag:s2] =	ssyncset.done $0x0  }
0x17c: {  	[sflag:s2] =	ssyncadd.s32 $0xFFFFFC00  }
0x17d: {  	_ =	swait.ge [sflag:s2], $0x400  }
0x17e: {  	[sflag:s2] =	ssyncset.done $0x0  }
0x17f: {  	[sflag:s2] =	ssyncadd.s32 $0xFFFFFC00  }
0x180: {  	_ =	swait.ge [sflag:s2], $0x400  }
0x181: {  	[sflag:s2] =	ssyncset.done $0x0  }
0x182: {  	[sflag:s2] =	ssyncadd.s32 $0xFFFFFC00  }
0x183: {  	_ =	swait.ge [sflag:s2], $0x400  }
0x184: {  	[sflag:s2] =	ssyncset.done $0x0  }
0x185: {  	[sflag:s2] =	ssyncadd.s32 $0xFFFFFC00  }
0x186: {  	_ =	swait.ge [sflag:s2], $0x400  }
0x187: {  	[sflag:s2] =	ssyncset.done $0x0  }
0x188: {  	[sflag:s2] =	ssyncadd.s32 $0xFFFFFC00  }
0x189: {  	_ =	swait.ge [sflag:s2], $0x400  }
0x18a: {  	[sflag:s2] =	ssyncset.done $0x0  }
0x18b: {  	[sflag:s2] =	ssyncadd.s32 $0xFFFFFC00  }
0x18c: {  	_ =	swait.ge [sflag:s2], $0x400  }
0x18d: {  	s30 =	sld [smem:$0x7F6];
	_ =	sdelay $0x2  }
0x18e: {  	s31 =	rddreg [dreg:$0x10];
	s5 =	sadd.s32 $0x1, s30  }
0x18f: {  	p0 =	sne.s32 s5, s31  }
.Ltmp1:
0x190: {  	_ = 	snop;
	(pc) =	sbr.rel @p0 .LBB2_1-.Ltmp1, $3  }
0x191: {  	_ =	sdelay $0x1  }
0x192: {  	[sflag:s2] =	ssyncset.done $0x0  }
0x193: {  	s26 =	simm.s32 $0x12000;
	[sflag:s2] =	ssyncadd.s32 $0xFFFFFC00  }
0x194: {  	_ =	sfence.sel $0x180000  }
0x195: {  	[bflag:$0x0] =	sbarrier.arrive $0xFFFF  }
0x196: {  	_ =	strace $0x90000047  }
0x197: {  	s0 =	stileid.u32;
	[bflag:$0x2] =	sbarrier.arrive $0xFFFF  }
0x198: {  	p0 =	sne.s32 s0, $0x0;
	s0 =	rddreg [dreg:$0x2]  }
0x199: {  	s0 =	sadd.s32 @!p0 $0x100000, s0  }
0x19a: {  	[sflag:s0] =	ssyncadd.tile.s32 @!p0 $0x1;
	_ =	shalt  }
.Lfunc_end2:
_tile_overlayer_lowered:
.L_overlay_start_2:
0x19b: {  	(tag) =	ssettag $0x2  }
0x19c: {  	s0 =	rddreg [dreg:$0x0];
	s2 =	stileid.u32  }
0x19d: {  	s1 =	rddreg [dreg:$0x1];
	p0 =	sne.s32 s2, $0x0  }
0x19e: {  	s3 =	rddreg [dreg:$0x2];
	[bflag:$0x3] =	sbarrier.arrive $0xFFFF;
	s2 =	simm.s32 @!p0 $0x1C04  }
0x19f: {  	[timem:s3], [sflag:s2] =	dma.local @!p0 [hbm:s0], s1  }
0x1a0: {  	s0 =	simm.s32 @!p0 $0x4  }
0x1a1: {  	_ =	swait.ge @!p0 [sflag:s0], s1  }
0x1a2: {  	s1 =	ssub.s32 @!p0 $0x0, s1;
	[sflag:s0] =	ssyncset.done @!p0 $0x0  }
0x1a3: {  	[sflag:s0] =	ssyncadd.s32 @!p0 s1  }
0x1a4: {  	[bflag:$0x3] =	sbarrier.arrive $0xFFFF  }
0x1a5: {  	_ =	shalt  }

</sc_bundles>
